<compile_context>
chip_gen: v7x
topology: tpu7x:2x2x1
jax: 0.10.2.dev20260603
libtpu: 0.0.44.dev20260713+nightly
codegen_flags: <defaults>
</compile_context>

<pallas_src>
import functools

import jax
import jax.numpy as jnp
from jax import lax
from jax.experimental import pallas as pl
from jax.experimental.pallas import tpu as pltpu
from jax.experimental.pallas import tpu_sc as plsc

_N = 10000
_NP = 10000
_E = 320000
_NC = 2
_NS = 16
_B = 80
_RC = _NP // _NS
_ZB = 25

_params = pltpu.CompilerParams(use_tc_tiling_on_sc=False)


@functools.cache
def _sc_mesh():
  return plsc.VectorSubcoreMesh(core_axis_name="c", subcore_axis_name="s",
                                num_cores=_NC, num_subcores=_NS)


def _sc_aggregate(feat, pk3, nblk, f, with_deg=False):
  out_type = [jax.ShapeDtypeStruct((_NC * _NP, f), jnp.float32)]
  scratch = [
      pltpu.VMEM((nblk, _B), jnp.int32),
      pltpu.VMEM((_B,), jnp.int32),
      pltpu.VMEM((_B,), jnp.int32),
      pltpu.VMEM((_B,), jnp.int32),
      pltpu.VMEM((_B,), jnp.int32),
      pltpu.VMEM((_B, f), jnp.float32),
      pltpu.VMEM((_B, f), jnp.float32),
      pltpu.VMEM_SHARED((_NP, f), jnp.float32),
      pltpu.SemaphoreType.DMA,
      pltpu.SemaphoreType.DMA,
  ]
  if with_deg:
    out_type.append(jax.ShapeDtypeStruct((_NC * _NP, 16), jnp.float32))
    scratch += [
        pltpu.VMEM((_B, 16), jnp.float32),
        pltpu.VMEM_SHARED((_NP, 16), jnp.float32),
    ]

  def body(*refs):
    if with_deg:
      (feat_h, pk_h, out_h, deg_h,
       pk_v, s0, d0, s1, d1, rows0, rows1, acc_s, sem0, sem1,
       ones_v, dacc_s) = refs
    else:
      (feat_h, pk_h, out_h,
       pk_v, s0, d0, s1, d1, rows0, rows1, acc_s, sem0, sem1) = refs
    c = lax.axis_index("c")
    s = lax.axis_index("s")
    wid = c * _NS + s
    pwid = wid if pk_h.shape[0] == _NC * _NS else s
    fref = feat_h.at[c] if len(feat_h.shape) == 3 else feat_h
    zero16 = jnp.zeros((16,), jnp.float32)

    @pl.loop(0, _B)
    def _(i):
      @pl.loop(0, f // 16)
      def _(k):
        rows0[i, pl.ds(k * 16, 16)] = zero16

    @pl.loop(0, _RC // _ZB)
    def _(i):
      pltpu.sync_copy(rows0.at[pl.ds(0, _ZB)],
                      acc_s.at[pl.ds(s * _RC + i * _ZB, _ZB)])

    if with_deg:
      @pl.loop(0, _B)
      def _(i):
        ones_v[i, pl.ds(0, 16)] = zero16

      @pl.loop(0, _RC // _ZB)
      def _(i):
        pltpu.sync_copy(ones_v.at[pl.ds(0, _ZB)],
                        dacc_s.at[pl.ds(s * _RC + i * _ZB, _ZB)])

    plsc.subcore_barrier()

    if with_deg:
      one16 = jnp.full((16,), 1.0, jnp.float32)

      @pl.loop(0, _B)
      def _(i):
        ones_v[i, pl.ds(0, 16)] = one16

    pltpu.sync_copy(pk_h.at[pwid], pk_v)
    mask15 = jnp.full((16,), 0x7FFF, jnp.int32)

    def unpack(j, sbuf, dbuf):
      @pl.loop(0, _B // 16)
      def _(k):
        v = pk_v[j, pl.ds(k * 16, 16)]
        sbuf[pl.ds(k * 16, 16)] = v & mask15
        dbuf[pl.ds(k * 16, 16)] = v >> 15

    def scat(rows_v, dbuf):
      pltpu.sync_copy(rows_v, acc_s.at[dbuf], add=True)
      if with_deg:
        pltpu.sync_copy(ones_v, dacc_s.at[dbuf], add=True)

    unpack(0, s0, d0)
    pltpu.async_copy(fref.at[s0], rows0, sem0)
    npair = (nblk - 1) // 2 * 2

    @pl.loop(0, npair, step=2)
    def _(j):
      unpack(j + 1, s1, d1)
      pltpu.async_copy(fref.at[s1], rows1, sem1)
      pltpu.make_async_copy(fref.at[s0], rows0, sem0).wait()
      scat(rows0, d0)
      unpack(j + 2, s0, d0)
      pltpu.async_copy(fref.at[s0], rows0, sem0)
      pltpu.make_async_copy(fref.at[s1], rows1, sem1).wait()
      scat(rows1, d1)

    if nblk % 2 == 0:
      unpack(nblk - 1, s1, d1)
      pltpu.async_copy(fref.at[s1], rows1, sem1)
      pltpu.make_async_copy(fref.at[s0], rows0, sem0).wait()
      scat(rows0, d0)
      pltpu.make_async_copy(fref.at[s1], rows1, sem1).wait()
      scat(rows1, d1)
    else:
      pltpu.make_async_copy(fref.at[s0], rows0, sem0).wait()
      scat(rows0, d0)

    plsc.subcore_barrier()

    r = s * _RC
    pltpu.sync_copy(acc_s.at[pl.ds(r, _RC)], out_h.at[pl.ds(c * _NP + r, _RC)])
    if with_deg:
      pltpu.sync_copy(dacc_s.at[pl.ds(r, _RC)],
                      deg_h.at[pl.ds(c * _NP + r, _RC)])

  k = pl.kernel(body, out_type=tuple(out_type), mesh=_sc_mesh(),
                scratch_types=scratch, compiler_params=_params)
  res = k(feat, pk3)
  return res if with_deg else res[0]


_R = 1000
_NB = _NP // _R


def _tc_layer1(agg, degs, x, WlT, WrT, b):

  def body(a0, a1, d0, d1, xb, wl, wr, bb, o):
    deg = jnp.maximum(d0[:, :1] + d1[:, :1], 1.0)
    mean = (a0[...] + a1[...]) / deg
    h = jnp.dot(mean, wl[...], preferred_element_type=jnp.float32)
    h = h + jnp.dot(xb[...], wr[...], preferred_element_type=jnp.float32)
    o[0] = jnp.maximum(h + bb[...], 0.0)

  return pl.pallas_call(
      body,
      grid=(2, _NB),
      in_specs=[
          pl.BlockSpec((_R, 128), lambda cc, i: (i, 0)),
          pl.BlockSpec((_R, 128), lambda cc, i: (i + _NB, 0)),
          pl.BlockSpec((_R, 16), lambda cc, i: (i, 0)),
          pl.BlockSpec((_R, 16), lambda cc, i: (i + _NB, 0)),
          pl.BlockSpec((_R, 128), lambda cc, i: (i, 0)),
          pl.BlockSpec((128, 128), lambda cc, i: (0, cc)),
          pl.BlockSpec((128, 128), lambda cc, i: (0, cc)),
          pl.BlockSpec((1, 128), lambda cc, i: (0, cc)),
      ],
      out_specs=pl.BlockSpec((1, _R, 128), lambda cc, i: (cc, i, 0)),
      out_shape=jax.ShapeDtypeStruct((_NC, _NP, 128), jnp.float32),
  )(agg, agg, degs, degs, x, WlT, WrT, b)


def _tc_layer23(agg2, degs, ht, W2lT, W2rT, b2, W3lT, W3rT, b3):

  def body(a0, a1, d0, d1, h0, h1, wl, wr, bb, wl3, wr3, b3b, t3o, r3o):
    deg = jnp.maximum(d0[:, :1] + d1[:, :1], 1.0)
    wl_ = wl[...]
    wr_ = wr[...]
    h2 = jnp.dot(a0[...] / deg, wl_[:128], preferred_element_type=jnp.float32)
    h2 = h2 + jnp.dot(a1[...] / deg, wl_[128:],
                      preferred_element_type=jnp.float32)
    h2 = h2 + jnp.dot(h0[0], wr_[:128], preferred_element_type=jnp.float32)
    h2 = h2 + jnp.dot(h1[0], wr_[128:], preferred_element_type=jnp.float32)
    h2 = jnp.maximum(h2 + bb[...], 0.0)
    t3o[...] = jnp.dot(h2, wl3[...], preferred_element_type=jnp.float32)
    r3o[...] = jnp.dot(h2, wr3[...],
                       preferred_element_type=jnp.float32) + b3b[...]

  return pl.pallas_call(
      body,
      grid=(_NB,),
      in_specs=[
          pl.BlockSpec((_R, 128), lambda i: (i, 0)),
          pl.BlockSpec((_R, 128), lambda i: (i + _NB, 0)),
          pl.BlockSpec((_R, 16), lambda i: (i, 0)),
          pl.BlockSpec((_R, 16), lambda i: (i + _NB, 0)),
          pl.BlockSpec((1, _R, 128), lambda i: (0, i, 0)),
          pl.BlockSpec((1, _R, 128), lambda i: (1, i, 0)),
          pl.BlockSpec((256, 256), lambda i: (0, 0)),
          pl.BlockSpec((256, 256), lambda i: (0, 0)),
          pl.BlockSpec((1, 256), lambda i: (0, 0)),
          pl.BlockSpec((256, 64), lambda i: (0, 0)),
          pl.BlockSpec((256, 64), lambda i: (0, 0)),
          pl.BlockSpec((1, 64), lambda i: (0, 0)),
      ],
      out_specs=[
          pl.BlockSpec((_R, 64), lambda i: (i, 0)),
          pl.BlockSpec((_R, 64), lambda i: (i, 0)),
      ],
      out_shape=[
          jax.ShapeDtypeStruct((_NP, 64), jnp.float32),
          jax.ShapeDtypeStruct((_NP, 64), jnp.float32),
      ],
  )(agg2, agg2, degs, degs, ht, ht, W2lT, W2rT, b2, W3lT, W3rT, b3)


def _tc_out(agg3, degs, r3):

  def body(a0, a1, d0, d1, rb, o):
    deg = jnp.maximum(d0[:, :1] + d1[:, :1], 1.0)
    z = (a0[...] + a1[...]) / deg + rb[...]
    m = jnp.max(z, axis=1, keepdims=True)
    e = jnp.exp(z - m)
    o[...] = (z - m) - jnp.log(jnp.sum(e, axis=1, keepdims=True))

  return pl.pallas_call(
      body,
      grid=(_NB,),
      in_specs=[
          pl.BlockSpec((_R, 64), lambda i: (i, 0)),
          pl.BlockSpec((_R, 64), lambda i: (i + _NB, 0)),
          pl.BlockSpec((_R, 16), lambda i: (i, 0)),
          pl.BlockSpec((_R, 16), lambda i: (i + _NB, 0)),
          pl.BlockSpec((_R, 64), lambda i: (i, 0)),
      ],
      out_specs=pl.BlockSpec((_R, 64), lambda i: (i, 0)),
      out_shape=jax.ShapeDtypeStruct((_NP, 64), jnp.float32),
  )(agg3, agg3, degs, degs, r3)


def kernel(x, edge_index, W1l, b1, W1r, W2l, b2, W2r, W3l, b3, W3r):
  pk = jnp.left_shift(edge_index[1], 15) | edge_index[0]

  nb1 = _E // (_NC * _NS) // _B
  pk3 = pk.reshape(_NC * _NS, nb1, _B)
  nb2 = _E // _NS // _B
  pk3_l2 = pk.reshape(_NS, nb2, _B)

  agg1, degs = _sc_aggregate(x, pk3, nblk=nb1, f=128, with_deg=True)
  ht = _tc_layer1(agg1, degs, x, W1l.T, W1r.T, b1.reshape(1, -1))
  agg2 = _sc_aggregate(ht, pk3_l2, nblk=nb2, f=128)
  t3, r3 = _tc_layer23(agg2, degs, ht, W2l.T, W2r.T, b2.reshape(1, -1),
                       W3l.T, W3r.T, b3.reshape(1, -1))
  agg3 = _sc_aggregate(t3, pk3, nblk=nb1, f=64)
  out = _tc_out(agg3, degs, r3)
  return out

# --- scband reference (transcript-rebuilt; emitter-appended) ---
"""Pipeline reference for scband-graph-sage-91207925498519 (READ-ONLY COPY).

The authoritative reference and input builder live on the scoring server;
editing this copy changes nothing except your own understanding.
"""

import jax, jax.numpy as jnp
import numpy as np

N = 10000
E = 320000
F_IN = 128
H = 256
C = 64


def setup_inputs(seed: int = 0) -> dict:
    key = jax.random.key(seed)
    ks = jax.random.split(key, 12)
    x = jax.random.normal(ks[0], (N, F_IN), dtype=jnp.float32)
    edge_index = jax.random.randint(ks[1], (2, E), 0, N, dtype=jnp.int32)
    # SAGEConv params: lin_l (aggregated neighbors, with bias), lin_r (root, no bias)
    W1l = jax.random.normal(ks[2], (H, F_IN), dtype=jnp.float32) / np.sqrt(F_IN)
    b1 = jnp.zeros((H,), dtype=jnp.float32)
    W1r = jax.random.normal(ks[3], (H, F_IN), dtype=jnp.float32) / np.sqrt(F_IN)
    W2l = jax.random.normal(ks[4], (H, H), dtype=jnp.float32) / np.sqrt(H)
    b2 = jnp.zeros((H,), dtype=jnp.float32)
    W2r = jax.random.normal(ks[5], (H, H), dtype=jnp.float32) / np.sqrt(H)
    W3l = jax.random.normal(ks[6], (C, H), dtype=jnp.float32) / np.sqrt(H)
    b3 = jnp.zeros((C,), dtype=jnp.float32)
    W3r = jax.random.normal(ks[7], (C, H), dtype=jnp.float32) / np.sqrt(H)
    return {"x": x, "edge_index": edge_index, "W1l": W1l, "b1": b1, "W1r": W1r,
            "W2l": W2l, "b2": b2, "W2r": W2r, "W3l": W3l, "b3": b3, "W3r": W3r}


def _sage_conv(x, edge_index, Wl, bl, Wr):
    # PyG SAGEConv (mean aggregation): out = lin_l(mean_j x_j) + lin_r(x)
    src = edge_index[0]
    dst = edge_index[1]
    msgs = x[src]
    agg = jax.ops.segment_sum(msgs, dst, num_segments=N)
    deg = jax.ops.segment_sum(jnp.ones((edge_index.shape[1],), dtype=x.dtype), dst, num_segments=N)
    mean = agg / jnp.clip(deg, 1.0)[:, None]
    return mean @ Wl.T + bl + x @ Wr.T


def reference(x, edge_index, W1l, b1, W1r, W2l, b2, W2r, W3l, b3, W3r):
    h = jax.nn.relu(_sage_conv(x, edge_index, W1l, b1, W1r))
    # dropout is identity in eval mode
    h = jax.nn.relu(_sage_conv(h, edge_index, W2l, b2, W2r))
    h = _sage_conv(h, edge_index, W3l, b3, W3r)
    return jax.nn.log_softmax(h, axis=1)

if __name__ == "__main__":
    import jax
    _d = setup_inputs()
    print(jax.jit(kernel)(*tuple(_d.values())))

</pallas_src>

<mosaic_0001>
#map = affine_map<(d0, d1) -> (0, 0)>
#map1 = affine_map<(d0, d1) -> (0, 0, 0)>
module attributes {stable_mosaic.version = 14 : i64} {
  func.func @body(%arg0: i32, %arg1: i32, %arg2: memref<10000x128xf32, #tpu.memory_space<hbm>>, %arg3: memref<32x125x80xi32, #tpu.memory_space<hbm>>, %arg4: memref<20000x128xf32, #tpu.memory_space<hbm>>, %arg5: memref<20000x16xf32, #tpu.memory_space<hbm>>, %arg6: memref<125x80xi32, #tpu.memory_space<vmem>>, %arg7: memref<80xi32, #tpu.memory_space<vmem>>, %arg8: memref<80xi32, #tpu.memory_space<vmem>>, %arg9: memref<80xi32, #tpu.memory_space<vmem>>, %arg10: memref<80xi32, #tpu.memory_space<vmem>>, %arg11: memref<80x128xf32, #tpu.memory_space<vmem>>, %arg12: memref<80x128xf32, #tpu.memory_space<vmem>>, %arg13: memref<10000x128xf32, #tpu.memory_space<vmem_shared>>, %arg14: memref<!tpu.dma_semaphore, #tpu.memory_space<semaphore_mem>>, %arg15: memref<!tpu.dma_semaphore, #tpu.memory_space<semaphore_mem>>, %arg16: memref<80x16xf32, #tpu.memory_space<vmem>>, %arg17: memref<10000x16xf32, #tpu.memory_space<vmem_shared>>) attributes {dimension_semantics = [#tpu.dimension_semantics<core_parallel>, #tpu.dimension_semantics<subcore_parallel>], iteration_bounds = array<i64: 2, 16>, scalar_prefetch = 0 : i64, scratch_operands = 12 : i64, tpu.core_type = #tpu.core_type<sc_vector_subcore>, window_params = [{transform_indices = #map}, {transform_indices = #map1}, {transform_indices = #map}, {transform_indices = #map}]} {
    %mul3A = arith.constant 16 : i32
    %mul3A_0 = arith.muli %arg0, %mul3A : i32
    %add3A = arith.addi %mul3A_0, %arg1 : i32
    %broadcast_in_dim3A = arith.constant 0.000000e+00 : f32
    %broadcast_in_dim3A_1 = vector.broadcast %broadcast_in_dim3A : f32 to vector<16xf32>
    %scan3A = arith.constant 0 : i32
    %scan3A_2 = arith.constant 80 : i32
    %scan3A_3 = arith.addi %scan3A, %scan3A_2 : i32
    %scan3A_4 = arith.constant 1 : i32
    scf.for %scan3A_53 = %scan3A to %scan3A_3 step %scan3A_4  : i32 {
      %mul3A_54 = arith.constant 1 : i32
      %mul3A_55 = arith.muli %scan3A_53, %mul3A_54 : i32
      %add3A_56 = arith.constant 0 : i32
      %add3A_57 = arith.addi %add3A_56, %mul3A_55 : i32
      %scan3A_58 = arith.constant 0 : i32
      %scan3A_59 = arith.constant 8 : i32
      %scan3A_60 = arith.addi %scan3A_58, %scan3A_59 : i32
      %scan3A_61 = arith.constant 1 : i32
      scf.for %scan3A_63 = %scan3A_58 to %scan3A_60 step %scan3A_61  : i32 {
        %mul3A_64 = arith.constant 1 : i32
        %mul3A_65 = arith.muli %scan3A_63, %mul3A_64 : i32
        %add3A_66 = arith.constant 0 : i32
        %add3A_67 = arith.addi %add3A_66, %mul3A_65 : i32
        %mul3A_68 = arith.constant 16 : i32
        %mul3A_69 = arith.muli %add3A_67, %mul3A_68 : i32
        %swap3A = arith.index_cast %add3A_57 : i32 to index
        %swap3A_70 = arith.index_cast %mul3A_69 : i32 to index
        %swap3A_71 = tpu.vector_load %arg11[%swap3A, %swap3A_70] {strides = array<i32>} : memref<80x128xf32, #tpu.memory_space<vmem>>, vector<1x16xf32>,
        %swap3A_72 = vector.shape_cast %swap3A_71 : vector<1x16xf32> to vector<16xf32>
        %swap3A_73 = vector.shape_cast %broadcast_in_dim3A_1 : vector<16xf32> to vector<1x16xf32>
        tpu.vector_store %arg11[%swap3A, %swap3A_70], %swap3A_73 {strides = array<i32>} : memref<80x128xf32, #tpu.memory_space<vmem>>, vector<1x16xf32>,
      }
      %scan3A_62 = arith.constant 8 : i32
    }
    %scan3A_5 = arith.constant 80 : i32
    %scan3A_6 = arith.constant 0 : i32
    %scan3A_7 = arith.constant 25 : i32
    %scan3A_8 = arith.addi %scan3A_6, %scan3A_7 : i32
    %scan3A_9 = arith.constant 1 : i32
    scf.for %scan3A_53 = %scan3A_6 to %scan3A_8 step %scan3A_9  : i32 {
      %mul3A_54 = arith.constant 1 : i32
      %mul3A_55 = arith.muli %scan3A_53, %mul3A_54 : i32
      %add3A_56 = arith.constant 0 : i32
      %add3A_57 = arith.addi %add3A_56, %mul3A_55 : i32
      %mul3A_58 = arith.constant 625 : i32
      %mul3A_59 = arith.muli %arg1, %mul3A_58 : i32
      %mul3A_60 = arith.constant 25 : i32
      %mul3A_61 = arith.muli %add3A_57, %mul3A_60 : i32
      %add3A_62 = arith.addi %mul3A_59, %mul3A_61 : i32
      "tpu.region"() ({
        %run_scoped3A = tpu.sem_alloc : memref<!tpu.dma_semaphore, #tpu.memory_space<semaphore_mem>>
        %dma_start3A_63 = arith.constant 0 : i32
        %dma_start3A_64 = arith.constant 0 : i32
        %dma_start3A_65 = tpu.memref_slice %arg11[%dma_start3A_63, %dma_start3A_64] : memref<80x128xf32, #tpu.memory_space<vmem>> -> memref<25x128xf32, #tpu.memory_space<vmem>>
        %dma_start3A_66 = arith.constant 0 : i32
        %dma_start3A_67 = tpu.memref_slice %arg13[%add3A_62, %dma_start3A_66] : memref<10000x128xf32, #tpu.memory_space<vmem_shared>> -> memref<25x128xf32, #tpu.memory_space<vmem_shared>>
        %dma_start3A_68 = arith.constant 0 : i32
        %dma_start3A_69 = tpu.memref_slice %arg13[%add3A_62, %dma_start3A_68] : memref<10000x128xf32, #tpu.memory_space<vmem_shared>> -> memref<25x128xf32, #tpu.memory_space<vmem_shared>>
        %dma_start3A_70 = arith.constant 0 : i32
        %dma_start3A_71 = arith.constant 0 : i32
        %dma_start3A_72 = tpu.memref_slice %arg11[%dma_start3A_70, %dma_start3A_71] : memref<80x128xf32, #tpu.memory_space<vmem>> -> memref<25x128xf32, #tpu.memory_space<vmem>>
        tpu.enqueue_dma source(%dma_start3A_72 : memref<25x128xf32, #tpu.memory_space<vmem>>) target(%dma_start3A_69 : memref<25x128xf32, #tpu.memory_space<vmem_shared>>) target_semaphore(%run_scoped3A : memref<!tpu.dma_semaphore, #tpu.memory_space<semaphore_mem>>)
        %dma_wait3A_73 = arith.constant 0 : i32
        %dma_wait3A_74 = arith.constant 0 : i32
        %dma_wait3A_75 = tpu.memref_slice %arg11[%dma_wait3A_73, %dma_wait3A_74] : memref<80x128xf32, #tpu.memory_space<vmem>> -> memref<25x128xf32, #tpu.memory_space<vmem>>
        %dma_wait3A_76 = arith.constant 0 : i32
        %dma_wait3A_77 = tpu.memref_slice %arg13[%add3A_62, %dma_wait3A_76] : memref<10000x128xf32, #tpu.memory_space<vmem_shared>> -> memref<25x128xf32, #tpu.memory_space<vmem_shared>>
        %dma_wait3A_78 = arith.constant 0 : i32
        %dma_wait3A_79 = tpu.memref_slice %arg13[%add3A_62, %dma_wait3A_78] : memref<10000x128xf32, #tpu.memory_space<vmem_shared>> -> memref<25x128xf32, #tpu.memory_space<vmem_shared>>
        %dma_wait3A_80 = arith.constant 0 : i32
        %dma_wait3A_81 = arith.constant 0 : i32
        %dma_wait3A_82 = tpu.memref_slice %arg11[%dma_wait3A_80, %dma_wait3A_81] : memref<80x128xf32, #tpu.memory_space<vmem>> -> memref<25x128xf32, #tpu.memory_space<vmem>>
        tpu.wait_dma2 semaphore(%run_scoped3A : memref<!tpu.dma_semaphore, #tpu.memory_space<semaphore_mem>>) src(%dma_wait3A_82 : memref<25x128xf32, #tpu.memory_space<vmem>>) dst(%dma_wait3A_79 : memref<25x128xf32, #tpu.memory_space<vmem_shared>>)
        tpu.yield
      }) : () -> ()
    }
    %scan3A_10 = arith.constant 25 : i32
    %scan3A_11 = arith.constant 0 : i32
    %scan3A_12 = arith.constant 80 : i32
    %scan3A_13 = arith.addi %scan3A_11, %scan3A_12 : i32
    %scan3A_14 = arith.constant 1 : i32
    scf.for %scan3A_53 = %scan3A_11 to %scan3A_13 step %scan3A_14  : i32 {
      %mul3A_54 = arith.constant 1 : i32
      %mul3A_55 = arith.muli %scan3A_53, %mul3A_54 : i32
      %add3A_56 = arith.constant 0 : i32
      %add3A_57 = arith.addi %add3A_56, %mul3A_55 : i32
      %swap3A = arith.index_cast %add3A_57 : i32 to index
      %swap3A_58 = arith.constant 0 : index
      %swap3A_59 = tpu.vector_load %arg16[%swap3A, %swap3A_58] {strides = array<i32>} : memref<80x16xf32, #tpu.memory_space<vmem>>, vector<1x16xf32>,
      %swap3A_60 = vector.shape_cast %swap3A_59 : vector<1x16xf32> to vector<16xf32>
      %swap3A_61 = vector.shape_cast %broadcast_in_dim3A_1 : vector<16xf32> to vector<1x16xf32>
      tpu.vector_store %arg16[%swap3A, %swap3A_58], %swap3A_61 {strides = array<i32>} : memref<80x16xf32, #tpu.memory_space<vmem>>, vector<1x16xf32>,
    }
    %scan3A_15 = arith.constant 80 : i32
    %scan3A_16 = arith.constant 0 : i32
    %scan3A_17 = arith.constant 25 : i32
    %scan3A_18 = arith.addi %scan3A_16, %scan3A_17 : i32
    %scan3A_19 = arith.constant 1 : i32
    scf.for %scan3A_53 = %scan3A_16 to %scan3A_18 step %scan3A_19  : i32 {
      %mul3A_54 = arith.constant 1 : i32
      %mul3A_55 = arith.muli %scan3A_53, %mul3A_54 : i32
      %add3A_56 = arith.constant 0 : i32
      %add3A_57 = arith.addi %add3A_56, %mul3A_55 : i32
      %mul3A_58 = arith.constant 625 : i32
      %mul3A_59 = arith.muli %arg1, %mul3A_58 : i32
      %mul3A_60 = arith.constant 25 : i32
      %mul3A_61 = arith.muli %add3A_57, %mul3A_60 : i32
      %add3A_62 = arith.addi %mul3A_59, %mul3A_61 : i32
      "tpu.region"() ({
        %run_scoped3A = tpu.sem_alloc : memref<!tpu.dma_semaphore, #tpu.memory_space<semaphore_mem>>
        %dma_start3A_63 = arith.constant 0 : i32
        %dma_start3A_64 = arith.constant 0 : i32
        %dma_start3A_65 = tpu.memref_slice %arg16[%dma_start3A_63, %dma_start3A_64] : memref<80x16xf32, #tpu.memory_space<vmem>> -> memref<25x16xf32, #tpu.memory_space<vmem>>
        %dma_start3A_66 = arith.constant 0 : i32
        %dma_start3A_67 = tpu.memref_slice %arg17[%add3A_62, %dma_start3A_66] : memref<10000x16xf32, #tpu.memory_space<vmem_shared>> -> memref<25x16xf32, #tpu.memory_space<vmem_shared>>
        %dma_start3A_68 = arith.constant 0 : i32
        %dma_start3A_69 = tpu.memref_slice %arg17[%add3A_62, %dma_start3A_68] : memref<10000x16xf32, #tpu.memory_space<vmem_shared>> -> memref<25x16xf32, #tpu.memory_space<vmem_shared>>
        %dma_start3A_70 = arith.constant 0 : i32
        %dma_start3A_71 = arith.constant 0 : i32
        %dma_start3A_72 = tpu.memref_slice %arg16[%dma_start3A_70, %dma_start3A_71] : memref<80x16xf32, #tpu.memory_space<vmem>> -> memref<25x16xf32, #tpu.memory_space<vmem>>
        tpu.enqueue_dma source(%dma_start3A_72 : memref<25x16xf32, #tpu.memory_space<vmem>>) target(%dma_start3A_69 : memref<25x16xf32, #tpu.memory_space<vmem_shared>>) target_semaphore(%run_scoped3A : memref<!tpu.dma_semaphore, #tpu.memory_space<semaphore_mem>>)
        %dma_wait3A_73 = arith.constant 0 : i32
        %dma_wait3A_74 = arith.constant 0 : i32
        %dma_wait3A_75 = tpu.memref_slice %arg16[%dma_wait3A_73, %dma_wait3A_74] : memref<80x16xf32, #tpu.memory_space<vmem>> -> memref<25x16xf32, #tpu.memory_space<vmem>>
        %dma_wait3A_76 = arith.constant 0 : i32
        %dma_wait3A_77 = tpu.memref_slice %arg17[%add3A_62, %dma_wait3A_76] : memref<10000x16xf32, #tpu.memory_space<vmem_shared>> -> memref<25x16xf32, #tpu.memory_space<vmem_shared>>
        %dma_wait3A_78 = arith.constant 0 : i32
        %dma_wait3A_79 = tpu.memref_slice %arg17[%add3A_62, %dma_wait3A_78] : memref<10000x16xf32, #tpu.memory_space<vmem_shared>> -> memref<25x16xf32, #tpu.memory_space<vmem_shared>>
        %dma_wait3A_80 = arith.constant 0 : i32
        %dma_wait3A_81 = arith.constant 0 : i32
        %dma_wait3A_82 = tpu.memref_slice %arg16[%dma_wait3A_80, %dma_wait3A_81] : memref<80x16xf32, #tpu.memory_space<vmem>> -> memref<25x16xf32, #tpu.memory_space<vmem>>
        tpu.wait_dma2 semaphore(%run_scoped3A : memref<!tpu.dma_semaphore, #tpu.memory_space<semaphore_mem>>) src(%dma_wait3A_82 : memref<25x16xf32, #tpu.memory_space<vmem>>) dst(%dma_wait3A_79 : memref<25x16xf32, #tpu.memory_space<vmem_shared>>)
        tpu.yield
      }) : () -> ()
    }
    %scan3A_20 = arith.constant 25 : i32
    %barrier3A = arith.constant 0 : index
    tpu.barrier barrier_id(%barrier3A)
    %broadcast_in_dim3A_21 = arith.constant 1.000000e+00 : f32
    %broadcast_in_dim3A_22 = vector.broadcast %broadcast_in_dim3A_21 : f32 to vector<16xf32>
    %scan3A_23 = arith.constant 0 : i32
    %scan3A_24 = arith.constant 80 : i32
    %scan3A_25 = arith.addi %scan3A_23, %scan3A_24 : i32
    %scan3A_26 = arith.constant 1 : i32
    scf.for %scan3A_53 = %scan3A_23 to %scan3A_25 step %scan3A_26  : i32 {
      %mul3A_54 = arith.constant 1 : i32
      %mul3A_55 = arith.muli %scan3A_53, %mul3A_54 : i32
      %add3A_56 = arith.constant 0 : i32
      %add3A_57 = arith.addi %add3A_56, %mul3A_55 : i32
      %swap3A = arith.index_cast %add3A_57 : i32 to index
      %swap3A_58 = arith.constant 0 : index
      %swap3A_59 = tpu.vector_load %arg16[%swap3A, %swap3A_58] {strides = array<i32>} : memref<80x16xf32, #tpu.memory_space<vmem>>, vector<1x16xf32>,
      %swap3A_60 = vector.shape_cast %swap3A_59 : vector<1x16xf32> to vector<16xf32>
      %swap3A_61 = vector.shape_cast %broadcast_in_dim3A_22 : vector<16xf32> to vector<1x16xf32>
      tpu.vector_store %arg16[%swap3A, %swap3A_58], %swap3A_61 {strides = array<i32>} : memref<80x16xf32, #tpu.memory_space<vmem>>, vector<1x16xf32>,
    }
    %scan3A_27 = arith.constant 80 : i32
    "tpu.region"() ({
      %run_scoped3A = tpu.sem_alloc : memref<!tpu.dma_semaphore, #tpu.memory_space<semaphore_mem>>
      %dma_start3A_53 = arith.constant 0 : i32
      %dma_start3A_54 = arith.constant 0 : i32
      %dma_start3A_55 = tpu.memref_slice %arg3[%add3A, %dma_start3A_53, %dma_start3A_54] : memref<32x125x80xi32, #tpu.memory_space<hbm>> -> memref<1x125x80xi32, #tpu.memory_space<hbm>>
      %dma_start3A_56 = tpu.memref_squeeze %dma_start3A_55 : memref<1x125x80xi32, #tpu.memory_space<hbm>> -> memref<125x80xi32, #tpu.memory_space<hbm>>
      %dma_start3A_57 = arith.constant 0 : i32
      %dma_start3A_58 = arith.constant 0 : i32
      %dma_start3A_59 = tpu.memref_slice %arg3[%add3A, %dma_start3A_57, %dma_start3A_58] : memref<32x125x80xi32, #tpu.memory_space<hbm>> -> memref<1x125x80xi32, #tpu.memory_space<hbm>>
      %dma_start3A_60 = tpu.memref_squeeze %dma_start3A_59 : memref<1x125x80xi32, #tpu.memory_space<hbm>> -> memref<125x80xi32, #tpu.memory_space<hbm>>
      tpu.enqueue_dma source(%dma_start3A_60 : memref<125x80xi32, #tpu.memory_space<hbm>>) target(%arg6 : memref<125x80xi32, #tpu.memory_space<vmem>>) target_semaphore(%run_scoped3A : memref<!tpu.dma_semaphore, #tpu.memory_space<semaphore_mem>>)
      %dma_wait3A_61 = arith.constant 0 : i32
      %dma_wait3A_62 = arith.constant 0 : i32
      %dma_wait3A_63 = tpu.memref_slice %arg3[%add3A, %dma_wait3A_61, %dma_wait3A_62] : memref<32x125x80xi32, #tpu.memory_space<hbm>> -> memref<1x125x80xi32, #tpu.memory_space<hbm>>
      %dma_wait3A_64 = tpu.memref_squeeze %dma_wait3A_63 : memref<1x125x80xi32, #tpu.memory_space<hbm>> -> memref<125x80xi32, #tpu.memory_space<hbm>>
      %dma_wait3A_65 = arith.constant 0 : i32
      %dma_wait3A_66 = arith.constant 0 : i32
      %dma_wait3A_67 = tpu.memref_slice %arg3[%add3A, %dma_wait3A_65, %dma_wait3A_66] : memref<32x125x80xi32, #tpu.memory_space<hbm>> -> memref<1x125x80xi32, #tpu.memory_space<hbm>>
      %dma_wait3A_68 = tpu.memref_squeeze %dma_wait3A_67 : memref<1x125x80xi32, #tpu.memory_space<hbm>> -> memref<125x80xi32, #tpu.memory_space<hbm>>
      tpu.wait_dma2 semaphore(%run_scoped3A : memref<!tpu.dma_semaphore, #tpu.memory_space<semaphore_mem>>) src(%dma_wait3A_68 : memref<125x80xi32, #tpu.memory_space<hbm>>) dst(%arg6 : memref<125x80xi32, #tpu.memory_space<vmem>>)
      tpu.yield
    }) : () -> ()
    %broadcast_in_dim3A_28 = arith.constant 32767 : i32
    %broadcast_in_dim3A_29 = vector.broadcast %broadcast_in_dim3A_28 : i32 to vector<16xi32>
    %scan3A_30 = arith.constant 0 : i32
    %scan3A_31 = arith.constant 5 : i32
    %scan3A_32 = arith.addi %scan3A_30, %scan3A_31 : i32
    %scan3A_33 = arith.constant 1 : i32
    scf.for %scan3A_53 = %scan3A_30 to %scan3A_32 step %scan3A_33  : i32 {
      %mul3A_54 = arith.constant 1 : i32
      %mul3A_55 = arith.muli %scan3A_53, %mul3A_54 : i32
      %add3A_56 = arith.constant 0 : i32
      %add3A_57 = arith.addi %add3A_56, %mul3A_55 : i32
      %mul3A_58 = arith.constant 16 : i32
      %mul3A_59 = arith.muli %add3A_57, %mul3A_58 : i32
      %get3A = arith.constant 0 : i32
      %get3A_60 = arith.index_cast %get3A : i32 to index
      %get3A_61 = arith.index_cast %mul3A_59 : i32 to index
      %get3A_62 = tpu.vector_load %arg6[%get3A_60, %get3A_61] {strides = array<i32>} : memref<125x80xi32, #tpu.memory_space<vmem>>, vector<1x16xi32>,
      %get3A_63 = vector.shape_cast %get3A_62 : vector<1x16xi32> to vector<16xi32>
      %and3A = arith.andi %get3A_63, %broadcast_in_dim3A_29 : vector<16xi32>
      %mul3A_64 = arith.constant 16 : i32
      %mul3A_65 = arith.muli %add3A_57, %mul3A_64 : i32
      %swap3A = arith.index_cast %mul3A_65 : i32 to index
      %swap3A_66 = tpu.vector_load %arg7[%swap3A] {strides = array<i32>} : memref<80xi32, #tpu.memory_space<vmem>>, vector<16xi32>,
      %swap3A_67 = vector.shape_cast %swap3A_66 : vector<16xi32> to vector<16xi32>
      %swap3A_68 = vector.shape_cast %and3A : vector<16xi32> to vector<16xi32>
      tpu.vector_store %arg7[%swap3A], %swap3A_68 {strides = array<i32>} : memref<80xi32, #tpu.memory_space<vmem>>, vector<16xi32>,
      %shift_right_arithmetic3A = arith.constant 15 : i32
      %shift_right_arithmetic3A_69 = vector.broadcast %shift_right_arithmetic3A : i32 to vector<16xi32>
      %shift_right_arithmetic3A_70 = arith.shrsi %get3A_63, %shift_right_arithmetic3A_69 : vector<16xi32>
      %mul3A_71 = arith.constant 16 : i32
      %mul3A_72 = arith.muli %add3A_57, %mul3A_71 : i32
      %swap3A_73 = arith.index_cast %mul3A_72 : i32 to index
      %swap3A_74 = tpu.vector_load %arg8[%swap3A_73] {strides = array<i32>} : memref<80xi32, #tpu.memory_space<vmem>>, vector<16xi32>,
      %swap3A_75 = vector.shape_cast %swap3A_74 : vector<16xi32> to vector<16xi32>
      %swap3A_76 = vector.shape_cast %shift_right_arithmetic3A_70 : vector<16xi32> to vector<16xi32>
      tpu.vector_store %arg8[%swap3A_73], %swap3A_76 {strides = array<i32>} : memref<80xi32, #tpu.memory_space<vmem>>, vector<16xi32>,
    }
    %scan3A_34 = arith.constant 5 : i32
    %dma_start3A = arith.constant 0 : i32
    %dma_start3A_35 = arith.constant 0 : i32
    %dma_start3A_36 = tpu.memref_slice %arg2[%dma_start3A, %dma_start3A_35] : memref<10000x128xf32, #tpu.memory_space<hbm>> -> memref<10000x128xf32, #tpu.memory_space<hbm>>
    tpu.enqueue_indirect_dma source(%dma_start3A_36 : memref<10000x128xf32, #tpu.memory_space<hbm>>) target(%arg11 : memref<80x128xf32, #tpu.memory_space<vmem>>) offsets(%arg7 : memref<80xi32, #tpu.memory_space<vmem>>) semaphore(%arg14 : memref<!tpu.dma_semaphore, #tpu.memory_space<semaphore_mem>>)
    %scan3A_37 = arith.constant 0 : i32
    %scan3A_38 = arith.constant 62 : i32
    %scan3A_39 = arith.addi %scan3A_37, %scan3A_38 : i32
    %scan3A_40 = arith.constant 1 : i32
    scf.for %scan3A_53 = %scan3A_37 to %scan3A_39 step %scan3A_40  : i32 {
      %mul3A_54 = arith.constant 2 : i32
      %mul3A_55 = arith.muli %scan3A_53, %mul3A_54 : i32
      %add3A_56 = arith.constant 0 : i32
      %add3A_57 = arith.addi %add3A_56, %mul3A_55 : i32
      %add3A_58 = arith.constant 1 : i32
      %add3A_59 = arith.addi %add3A_57, %add3A_58 : i32
      %scan3A_60 = arith.constant 0 : i32
      %scan3A_61 = arith.constant 5 : i32
      %scan3A_62 = arith.addi %scan3A_60, %scan3A_61 : i32
      %scan3A_63 = arith.constant 1 : i32
      scf.for %scan3A_84 = %scan3A_60 to %scan3A_62 step %scan3A_63  : i32 {
        %mul3A_85 = arith.constant 1 : i32
        %mul3A_86 = arith.muli %scan3A_84, %mul3A_85 : i32
        %add3A_87 = arith.constant 0 : i32
        %add3A_88 = arith.addi %add3A_87, %mul3A_86 : i32
        %mul3A_89 = arith.constant 16 : i32
        %mul3A_90 = arith.muli %add3A_88, %mul3A_89 : i32
        %get3A = arith.index_cast %add3A_59 : i32 to index
        %get3A_91 = arith.index_cast %mul3A_90 : i32 to index
        %get3A_92 = tpu.vector_load %arg6[%get3A, %get3A_91] {strides = array<i32>} : memref<125x80xi32, #tpu.memory_space<vmem>>, vector<1x16xi32>,
        %get3A_93 = vector.shape_cast %get3A_92 : vector<1x16xi32> to vector<16xi32>
        %and3A = arith.andi %get3A_93, %broadcast_in_dim3A_29 : vector<16xi32>
        %mul3A_94 = arith.constant 16 : i32
        %mul3A_95 = arith.muli %add3A_88, %mul3A_94 : i32
        %swap3A = arith.index_cast %mul3A_95 : i32 to index
        %swap3A_96 = tpu.vector_load %arg9[%swap3A] {strides = array<i32>} : memref<80xi32, #tpu.memory_space<vmem>>, vector<16xi32>,
        %swap3A_97 = vector.shape_cast %swap3A_96 : vector<16xi32> to vector<16xi32>
        %swap3A_98 = vector.shape_cast %and3A : vector<16xi32> to vector<16xi32>
        tpu.vector_store %arg9[%swap3A], %swap3A_98 {strides = array<i32>} : memref<80xi32, #tpu.memory_space<vmem>>, vector<16xi32>,
        %shift_right_arithmetic3A = arith.constant 15 : i32
        %shift_right_arithmetic3A_99 = vector.broadcast %shift_right_arithmetic3A : i32 to vector<16xi32>
        %shift_right_arithmetic3A_100 = arith.shrsi %get3A_93, %shift_right_arithmetic3A_99 : vector<16xi32>
        %mul3A_101 = arith.constant 16 : i32
        %mul3A_102 = arith.muli %add3A_88, %mul3A_101 : i32
        %swap3A_103 = arith.index_cast %mul3A_102 : i32 to index
        %swap3A_104 = tpu.vector_load %arg10[%swap3A_103] {strides = array<i32>} : memref<80xi32, #tpu.memory_space<vmem>>, vector<16xi32>,
        %swap3A_105 = vector.shape_cast %swap3A_104 : vector<16xi32> to vector<16xi32>
        %swap3A_106 = vector.shape_cast %shift_right_arithmetic3A_100 : vector<16xi32> to vector<16xi32>
        tpu.vector_store %arg10[%swap3A_103], %swap3A_106 {strides = array<i32>} : memref<80xi32, #tpu.memory_space<vmem>>, vector<16xi32>,
      }
      %scan3A_64 = arith.constant 5 : i32
      %dma_start3A_65 = arith.constant 0 : i32
      %dma_start3A_66 = arith.constant 0 : i32
      %dma_start3A_67 = tpu.memref_slice %arg2[%dma_start3A_65, %dma_start3A_66] : memref<10000x128xf32, #tpu.memory_space<hbm>> -> memref<10000x128xf32, #tpu.memory_space<hbm>>
      tpu.enqueue_indirect_dma source(%dma_start3A_67 : memref<10000x128xf32, #tpu.memory_space<hbm>>) target(%arg12 : memref<80x128xf32, #tpu.memory_space<vmem>>) offsets(%arg9 : memref<80xi32, #tpu.memory_space<vmem>>) semaphore(%arg15 : memref<!tpu.dma_semaphore, #tpu.memory_space<semaphore_mem>>)
      %dma_wait3A_68 = arith.constant 0 : i32
      %dma_wait3A_69 = arith.constant 0 : i32
      %dma_wait3A_70 = tpu.memref_slice %arg2[%dma_wait3A_68, %dma_wait3A_69] : memref<10000x128xf32, #tpu.memory_space<hbm>> -> memref<10000x128xf32, #tpu.memory_space<hbm>>
      tpu.wait_indirect_dma semaphore(%arg14 : memref<!tpu.dma_semaphore, #tpu.memory_space<semaphore_mem>>) src(%dma_wait3A_70 : memref<10000x128xf32, #tpu.memory_space<hbm>>) dst(%arg11 : memref<80x128xf32, #tpu.memory_space<vmem>>)
      "tpu.region"() ({
        %run_scoped3A = tpu.sem_alloc : memref<!tpu.dma_semaphore, #tpu.memory_space<semaphore_mem>>
        %dma_start3A_84 = arith.constant 0 : i32
        %dma_start3A_85 = arith.constant 0 : i32
        %dma_start3A_86 = tpu.memref_slice %arg13[%dma_start3A_84, %dma_start3A_85] : memref<10000x128xf32, #tpu.memory_space<vmem_shared>> -> memref<10000x128xf32, #tpu.memory_space<vmem_shared>>
        tpu.enqueue_indirect_dma source(%arg11 : memref<80x128xf32, #tpu.memory_space<vmem>>) target(%dma_start3A_86 : memref<10000x128xf32, #tpu.memory_space<vmem_shared>>) offsets(%arg8 : memref<80xi32, #tpu.memory_space<vmem>>) semaphore(%run_scoped3A : memref<!tpu.dma_semaphore, #tpu.memory_space<semaphore_mem>>) {add = true}
        %dma_wait3A_87 = arith.constant 0 : i32
        %dma_wait3A_88 = arith.constant 0 : i32
        %dma_wait3A_89 = tpu.memref_slice %arg13[%dma_wait3A_87, %dma_wait3A_88] : memref<10000x128xf32, #tpu.memory_space<vmem_shared>> -> memref<10000x128xf32, #tpu.memory_space<vmem_shared>>
        tpu.wait_indirect_dma semaphore(%run_scoped3A : memref<!tpu.dma_semaphore, #tpu.memory_space<semaphore_mem>>) src(%arg11 : memref<80x128xf32, #tpu.memory_space<vmem>>) dst(%dma_wait3A_89 : memref<10000x128xf32, #tpu.memory_space<vmem_shared>>)
        tpu.yield
      }) : () -> ()
      "tpu.region"() ({
        %run_scoped3A = tpu.sem_alloc : memref<!tpu.dma_semaphore, #tpu.memory_space<semaphore_mem>>
        %dma_start3A_84 = arith.constant 0 : i32
        %dma_start3A_85 = arith.constant 0 : i32
        %dma_start3A_86 = tpu.memref_slice %arg17[%dma_start3A_84, %dma_start3A_85] : memref<10000x16xf32, #tpu.memory_space<vmem_shared>> -> memref<10000x16xf32, #tpu.memory_space<vmem_shared>>
        tpu.enqueue_indirect_dma source(%arg16 : memref<80x16xf32, #tpu.memory_space<vmem>>) target(%dma_start3A_86 : memref<10000x16xf32, #tpu.memory_space<vmem_shared>>) offsets(%arg8 : memref<80xi32, #tpu.memory_space<vmem>>) semaphore(%run_scoped3A : memref<!tpu.dma_semaphore, #tpu.memory_space<semaphore_mem>>) {add = true}
        %dma_wait3A_87 = arith.constant 0 : i32
        %dma_wait3A_88 = arith.constant 0 : i32
        %dma_wait3A_89 = tpu.memref_slice %arg17[%dma_wait3A_87, %dma_wait3A_88] : memref<10000x16xf32, #tpu.memory_space<vmem_shared>> -> memref<10000x16xf32, #tpu.memory_space<vmem_shared>>
        tpu.wait_indirect_dma semaphore(%run_scoped3A : memref<!tpu.dma_semaphore, #tpu.memory_space<semaphore_mem>>) src(%arg16 : memref<80x16xf32, #tpu.memory_space<vmem>>) dst(%dma_wait3A_89 : memref<10000x16xf32, #tpu.memory_space<vmem_shared>>)
        tpu.yield
      }) : () -> ()
      %add3A_71 = arith.constant 2 : i32
      %add3A_72 = arith.addi %add3A_57, %add3A_71 : i32
      %scan3A_73 = arith.constant 0 : i32
      %scan3A_74 = arith.constant 5 : i32
      %scan3A_75 = arith.addi %scan3A_73, %scan3A_74 : i32
      %scan3A_76 = arith.constant 1 : i32
      scf.for %scan3A_84 = %scan3A_73 to %scan3A_75 step %scan3A_76  : i32 {
        %mul3A_85 = arith.constant 1 : i32
        %mul3A_86 = arith.muli %scan3A_84, %mul3A_85 : i32
        %add3A_87 = arith.constant 0 : i32
        %add3A_88 = arith.addi %add3A_87, %mul3A_86 : i32
        %mul3A_89 = arith.constant 16 : i32
        %mul3A_90 = arith.muli %add3A_88, %mul3A_89 : i32
        %get3A = arith.index_cast %add3A_72 : i32 to index
        %get3A_91 = arith.index_cast %mul3A_90 : i32 to index
        %get3A_92 = tpu.vector_load %arg6[%get3A, %get3A_91] {strides = array<i32>} : memref<125x80xi32, #tpu.memory_space<vmem>>, vector<1x16xi32>,
        %get3A_93 = vector.shape_cast %get3A_92 : vector<1x16xi32> to vector<16xi32>
        %and3A = arith.andi %get3A_93, %broadcast_in_dim3A_29 : vector<16xi32>
        %mul3A_94 = arith.constant 16 : i32
        %mul3A_95 = arith.muli %add3A_88, %mul3A_94 : i32
        %swap3A = arith.index_cast %mul3A_95 : i32 to index
        %swap3A_96 = tpu.vector_load %arg7[%swap3A] {strides = array<i32>} : memref<80xi32, #tpu.memory_space<vmem>>, vector<16xi32>,
        %swap3A_97 = vector.shape_cast %swap3A_96 : vector<16xi32> to vector<16xi32>
        %swap3A_98 = vector.shape_cast %and3A : vector<16xi32> to vector<16xi32>
        tpu.vector_store %arg7[%swap3A], %swap3A_98 {strides = array<i32>} : memref<80xi32, #tpu.memory_space<vmem>>, vector<16xi32>,
        %shift_right_arithmetic3A = arith.constant 15 : i32
        %shift_right_arithmetic3A_99 = vector.broadcast %shift_right_arithmetic3A : i32 to vector<16xi32>
        %shift_right_arithmetic3A_100 = arith.shrsi %get3A_93, %shift_right_arithmetic3A_99 : vector<16xi32>
        %mul3A_101 = arith.constant 16 : i32
        %mul3A_102 = arith.muli %add3A_88, %mul3A_101 : i32
        %swap3A_103 = arith.index_cast %mul3A_102 : i32 to index
        %swap3A_104 = tpu.vector_load %arg8[%swap3A_103] {strides = array<i32>} : memref<80xi32, #tpu.memory_space<vmem>>, vector<16xi32>,
        %swap3A_105 = vector.shape_cast %swap3A_104 : vector<16xi32> to vector<16xi32>
        %swap3A_106 = vector.shape_cast %shift_right_arithmetic3A_100 : vector<16xi32> to vector<16xi32>
        tpu.vector_store %arg8[%swap3A_103], %swap3A_106 {strides = array<i32>} : memref<80xi32, #tpu.memory_space<vmem>>, vector<16xi32>,
      }
      %scan3A_77 = arith.constant 5 : i32
      %dma_start3A_78 = arith.constant 0 : i32
      %dma_start3A_79 = arith.constant 0 : i32
      %dma_start3A_80 = tpu.memref_slice %arg2[%dma_start3A_78, %dma_start3A_79] : memref<10000x128xf32, #tpu.memory_space<hbm>> -> memref<10000x128xf32, #tpu.memory_space<hbm>>
      tpu.enqueue_indirect_dma source(%dma_start3A_80 : memref<10000x128xf32, #tpu.memory_space<hbm>>) target(%arg11 : memref<80x128xf32, #tpu.memory_space<vmem>>) offsets(%arg7 : memref<80xi32, #tpu.memory_space<vmem>>) semaphore(%arg14 : memref<!tpu.dma_semaphore, #tpu.memory_space<semaphore_mem>>)
      %dma_wait3A_81 = arith.constant 0 : i32
      %dma_wait3A_82 = arith.constant 0 : i32
      %dma_wait3A_83 = tpu.memref_slice %arg2[%dma_wait3A_81, %dma_wait3A_82] : memref<10000x128xf32, #tpu.memory_space<hbm>> -> memref<10000x128xf32, #tpu.memory_space<hbm>>
      tpu.wait_indirect_dma semaphore(%arg15 : memref<!tpu.dma_semaphore, #tpu.memory_space<semaphore_mem>>) src(%dma_wait3A_83 : memref<10000x128xf32, #tpu.memory_space<hbm>>) dst(%arg12 : memref<80x128xf32, #tpu.memory_space<vmem>>)
      "tpu.region"() ({
        %run_scoped3A = tpu.sem_alloc : memref<!tpu.dma_semaphore, #tpu.memory_space<semaphore_mem>>
        %dma_start3A_84 = arith.constant 0 : i32
        %dma_start3A_85 = arith.constant 0 : i32
        %dma_start3A_86 = tpu.memref_slice %arg13[%dma_start3A_84, %dma_start3A_85] : memref<10000x128xf32, #tpu.memory_space<vmem_shared>> -> memref<10000x128xf32, #tpu.memory_space<vmem_shared>>
        tpu.enqueue_indirect_dma source(%arg12 : memref<80x128xf32, #tpu.memory_space<vmem>>) target(%dma_start3A_86 : memref<10000x128xf32, #tpu.memory_space<vmem_shared>>) offsets(%arg10 : memref<80xi32, #tpu.memory_space<vmem>>) semaphore(%run_scoped3A : memref<!tpu.dma_semaphore, #tpu.memory_space<semaphore_mem>>) {add = true}
        %dma_wait3A_87 = arith.constant 0 : i32
        %dma_wait3A_88 = arith.constant 0 : i32
        %dma_wait3A_89 = tpu.memref_slice %arg13[%dma_wait3A_87, %dma_wait3A_88] : memref<10000x128xf32, #tpu.memory_space<vmem_shared>> -> memref<10000x128xf32, #tpu.memory_space<vmem_shared>>
        tpu.wait_indirect_dma semaphore(%run_scoped3A : memref<!tpu.dma_semaphore, #tpu.memory_space<semaphore_mem>>) src(%arg12 : memref<80x128xf32, #tpu.memory_space<vmem>>) dst(%dma_wait3A_89 : memref<10000x128xf32, #tpu.memory_space<vmem_shared>>)
        tpu.yield
      }) : () -> ()
      "tpu.region"() ({
        %run_scoped3A = tpu.sem_alloc : memref<!tpu.dma_semaphore, #tpu.memory_space<semaphore_mem>>
        %dma_start3A_84 = arith.constant 0 : i32
        %dma_start3A_85 = arith.constant 0 : i32
        %dma_start3A_86 = tpu.memref_slice %arg17[%dma_start3A_84, %dma_start3A_85] : memref<10000x16xf32, #tpu.memory_space<vmem_shared>> -> memref<10000x16xf32, #tpu.memory_space<vmem_shared>>
        tpu.enqueue_indirect_dma source(%arg16 : memref<80x16xf32, #tpu.memory_space<vmem>>) target(%dma_start3A_86 : memref<10000x16xf32, #tpu.memory_space<vmem_shared>>) offsets(%arg10 : memref<80xi32, #tpu.memory_space<vmem>>) semaphore(%run_scoped3A : memref<!tpu.dma_semaphore, #tpu.memory_space<semaphore_mem>>) {add = true}
        %dma_wait3A_87 = arith.constant 0 : i32
        %dma_wait3A_88 = arith.constant 0 : i32
        %dma_wait3A_89 = tpu.memref_slice %arg17[%dma_wait3A_87, %dma_wait3A_88] : memref<10000x16xf32, #tpu.memory_space<vmem_shared>> -> memref<10000x16xf32, #tpu.memory_space<vmem_shared>>
        tpu.wait_indirect_dma semaphore(%run_scoped3A : memref<!tpu.dma_semaphore, #tpu.memory_space<semaphore_mem>>) src(%arg16 : memref<80x16xf32, #tpu.memory_space<vmem>>) dst(%dma_wait3A_89 : memref<10000x16xf32, #tpu.memory_space<vmem_shared>>)
        tpu.yield
      }) : () -> ()
    }
    %scan3A_41 = arith.constant 62 : i32
    %dma_wait3A = arith.constant 0 : i32
    %dma_wait3A_42 = arith.constant 0 : i32
    %dma_wait3A_43 = tpu.memref_slice %arg2[%dma_wait3A, %dma_wait3A_42] : memref<10000x128xf32, #tpu.memory_space<hbm>> -> memref<10000x128xf32, #tpu.memory_space<hbm>>
    tpu.wait_indirect_dma semaphore(%arg14 : memref<!tpu.dma_semaphore, #tpu.memory_space<semaphore_mem>>) src(%dma_wait3A_43 : memref<10000x128xf32, #tpu.memory_space<hbm>>) dst(%arg11 : memref<80x128xf32, #tpu.memory_space<vmem>>)
    "tpu.region"() ({
      %run_scoped3A = tpu.sem_alloc : memref<!tpu.dma_semaphore, #tpu.memory_space<semaphore_mem>>
      %dma_start3A_53 = arith.constant 0 : i32
      %dma_start3A_54 = arith.constant 0 : i32
      %dma_start3A_55 = tpu.memref_slice %arg13[%dma_start3A_53, %dma_start3A_54] : memref<10000x128xf32, #tpu.memory_space<vmem_shared>> -> memref<10000x128xf32, #tpu.memory_space<vmem_shared>>
      tpu.enqueue_indirect_dma source(%arg11 : memref<80x128xf32, #tpu.memory_space<vmem>>) target(%dma_start3A_55 : memref<10000x128xf32, #tpu.memory_space<vmem_shared>>) offsets(%arg8 : memref<80xi32, #tpu.memory_space<vmem>>) semaphore(%run_scoped3A : memref<!tpu.dma_semaphore, #tpu.memory_space<semaphore_mem>>) {add = true}
      %dma_wait3A_56 = arith.constant 0 : i32
      %dma_wait3A_57 = arith.constant 0 : i32
      %dma_wait3A_58 = tpu.memref_slice %arg13[%dma_wait3A_56, %dma_wait3A_57] : memref<10000x128xf32, #tpu.memory_space<vmem_shared>> -> memref<10000x128xf32, #tpu.memory_space<vmem_shared>>
      tpu.wait_indirect_dma semaphore(%run_scoped3A : memref<!tpu.dma_semaphore, #tpu.memory_space<semaphore_mem>>) src(%arg11 : memref<80x128xf32, #tpu.memory_space<vmem>>) dst(%dma_wait3A_58 : memref<10000x128xf32, #tpu.memory_space<vmem_shared>>)
      tpu.yield
    }) : () -> ()
    "tpu.region"() ({
      %run_scoped3A = tpu.sem_alloc : memref<!tpu.dma_semaphore, #tpu.memory_space<semaphore_mem>>
      %dma_start3A_53 = arith.constant 0 : i32
      %dma_start3A_54 = arith.constant 0 : i32
      %dma_start3A_55 = tpu.memref_slice %arg17[%dma_start3A_53, %dma_start3A_54] : memref<10000x16xf32, #tpu.memory_space<vmem_shared>> -> memref<10000x16xf32, #tpu.memory_space<vmem_shared>>
      tpu.enqueue_indirect_dma source(%arg16 : memref<80x16xf32, #tpu.memory_space<vmem>>) target(%dma_start3A_55 : memref<10000x16xf32, #tpu.memory_space<vmem_shared>>) offsets(%arg8 : memref<80xi32, #tpu.memory_space<vmem>>) semaphore(%run_scoped3A : memref<!tpu.dma_semaphore, #tpu.memory_space<semaphore_mem>>) {add = true}
      %dma_wait3A_56 = arith.constant 0 : i32
      %dma_wait3A_57 = arith.constant 0 : i32
      %dma_wait3A_58 = tpu.memref_slice %arg17[%dma_wait3A_56, %dma_wait3A_57] : memref<10000x16xf32, #tpu.memory_space<vmem_shared>> -> memref<10000x16xf32, #tpu.memory_space<vmem_shared>>
      tpu.wait_indirect_dma semaphore(%run_scoped3A : memref<!tpu.dma_semaphore, #tpu.memory_space<semaphore_mem>>) src(%arg16 : memref<80x16xf32, #tpu.memory_space<vmem>>) dst(%dma_wait3A_58 : memref<10000x16xf32, #tpu.memory_space<vmem_shared>>)
      tpu.yield
    }) : () -> ()
    %barrier3A_44 = arith.constant 0 : index
    tpu.barrier barrier_id(%barrier3A_44)
    %mul3A_45 = arith.constant 625 : i32
    %mul3A_46 = arith.muli %arg1, %mul3A_45 : i32
    %mul3A_47 = arith.constant 10000 : i32
    %mul3A_48 = arith.muli %arg0, %mul3A_47 : i32
    %add3A_49 = arith.addi %mul3A_48, %mul3A_46 : i32
    "tpu.region"() ({
      %run_scoped3A = tpu.sem_alloc : memref<!tpu.dma_semaphore, #tpu.memory_space<semaphore_mem>>
      %dma_start3A_53 = arith.constant 0 : i32
      %dma_start3A_54 = tpu.memref_slice %arg4[%add3A_49, %dma_start3A_53] : memref<20000x128xf32, #tpu.memory_space<hbm>> -> memref<625x128xf32, #tpu.memory_space<hbm>>
      %dma_start3A_55 = arith.constant 0 : i32
      %dma_start3A_56 = tpu.memref_slice %arg13[%mul3A_46, %dma_start3A_55] : memref<10000x128xf32, #tpu.memory_space<vmem_shared>> -> memref<625x128xf32, #tpu.memory_space<vmem_shared>>
      tpu.enqueue_dma source(%dma_start3A_56 : memref<625x128xf32, #tpu.memory_space<vmem_shared>>) target(%dma_start3A_54 : memref<625x128xf32, #tpu.memory_space<hbm>>) target_semaphore(%run_scoped3A : memref<!tpu.dma_semaphore, #tpu.memory_space<semaphore_mem>>)
      %dma_wait3A_57 = arith.constant 0 : i32
      %dma_wait3A_58 = tpu.memref_slice %arg4[%add3A_49, %dma_wait3A_57] : memref<20000x128xf32, #tpu.memory_space<hbm>> -> memref<625x128xf32, #tpu.memory_space<hbm>>
      %dma_wait3A_59 = arith.constant 0 : i32
      %dma_wait3A_60 = tpu.memref_slice %arg13[%mul3A_46, %dma_wait3A_59] : memref<10000x128xf32, #tpu.memory_space<vmem_shared>> -> memref<625x128xf32, #tpu.memory_space<vmem_shared>>
      tpu.wait_dma2 semaphore(%run_scoped3A : memref<!tpu.dma_semaphore, #tpu.memory_space<semaphore_mem>>) src(%dma_wait3A_60 : memref<625x128xf32, #tpu.memory_space<vmem_shared>>) dst(%dma_wait3A_58 : memref<625x128xf32, #tpu.memory_space<hbm>>)
      tpu.yield
    }) : () -> ()
    %mul3A_50 = arith.constant 10000 : i32
    %mul3A_51 = arith.muli %arg0, %mul3A_50 : i32
    %add3A_52 = arith.addi %mul3A_51, %mul3A_46 : i32
    "tpu.region"() ({
      %run_scoped3A = tpu.sem_alloc : memref<!tpu.dma_semaphore, #tpu.memory_space<semaphore_mem>>
      %dma_start3A_53 = arith.constant 0 : i32
      %dma_start3A_54 = tpu.memref_slice %arg5[%add3A_52, %dma_start3A_53] : memref<20000x16xf32, #tpu.memory_space<hbm>> -> memref<625x16xf32, #tpu.memory_space<hbm>>
      %dma_start3A_55 = arith.constant 0 : i32
      %dma_start3A_56 = tpu.memref_slice %arg17[%mul3A_46, %dma_start3A_55] : memref<10000x16xf32, #tpu.memory_space<vmem_shared>> -> memref<625x16xf32, #tpu.memory_space<vmem_shared>>
      tpu.enqueue_dma source(%dma_start3A_56 : memref<625x16xf32, #tpu.memory_space<vmem_shared>>) target(%dma_start3A_54 : memref<625x16xf32, #tpu.memory_space<hbm>>) target_semaphore(%run_scoped3A : memref<!tpu.dma_semaphore, #tpu.memory_space<semaphore_mem>>)
      %dma_wait3A_57 = arith.constant 0 : i32
      %dma_wait3A_58 = tpu.memref_slice %arg5[%add3A_52, %dma_wait3A_57] : memref<20000x16xf32, #tpu.memory_space<hbm>> -> memref<625x16xf32, #tpu.memory_space<hbm>>
      %dma_wait3A_59 = arith.constant 0 : i32
      %dma_wait3A_60 = tpu.memref_slice %arg17[%mul3A_46, %dma_wait3A_59] : memref<10000x16xf32, #tpu.memory_space<vmem_shared>> -> memref<625x16xf32, #tpu.memory_space<vmem_shared>>
      tpu.wait_dma2 semaphore(%run_scoped3A : memref<!tpu.dma_semaphore, #tpu.memory_space<semaphore_mem>>) src(%dma_wait3A_60 : memref<625x16xf32, #tpu.memory_space<vmem_shared>>) dst(%dma_wait3A_58 : memref<625x16xf32, #tpu.memory_space<hbm>>)
      tpu.yield
    }) : () -> ()
    return
  }
}

#map = affine_map<(d0, d1) -> (0, 0)>
#map1 = affine_map<(d0, d1) -> (0, 0, 0)>
module attributes {stable_mosaic.version = 14 : i64} {
  func.func @body(%arg0: i32, %arg1: i32, %arg2: memref<10000x64xf32, #tpu.memory_space<hbm>>, %arg3: memref<32x125x80xi32, #tpu.memory_space<hbm>>, %arg4: memref<20000x64xf32, #tpu.memory_space<hbm>>, %arg5: memref<125x80xi32, #tpu.memory_space<vmem>>, %arg6: memref<80xi32, #tpu.memory_space<vmem>>, %arg7: memref<80xi32, #tpu.memory_space<vmem>>, %arg8: memref<80xi32, #tpu.memory_space<vmem>>, %arg9: memref<80xi32, #tpu.memory_space<vmem>>, %arg10: memref<80x64xf32, #tpu.memory_space<vmem>>, %arg11: memref<80x64xf32, #tpu.memory_space<vmem>>, %arg12: memref<10000x64xf32, #tpu.memory_space<vmem_shared>>, %arg13: memref<!tpu.dma_semaphore, #tpu.memory_space<semaphore_mem>>, %arg14: memref<!tpu.dma_semaphore, #tpu.memory_space<semaphore_mem>>) attributes {dimension_semantics = [#tpu.dimension_semantics<core_parallel>, #tpu.dimension_semantics<subcore_parallel>], iteration_bounds = array<i64: 2, 16>, scalar_prefetch = 0 : i64, scratch_operands = 10 : i64, tpu.core_type = #tpu.core_type<sc_vector_subcore>, window_params = [{transform_indices = #map}, {transform_indices = #map1}, {transform_indices = #map}]} {
    %mul3A = arith.constant 16 : i32
    %mul3A_0 = arith.muli %arg0, %mul3A : i32
    %add3A = arith.addi %mul3A_0, %arg1 : i32
    %broadcast_in_dim3A = arith.constant 0.000000e+00 : f32
    %broadcast_in_dim3A_1 = vector.broadcast %broadcast_in_dim3A : f32 to vector<16xf32>
    %scan3A = arith.constant 0 : i32
    %scan3A_2 = arith.constant 80 : i32
    %scan3A_3 = arith.addi %scan3A, %scan3A_2 : i32
    %scan3A_4 = arith.constant 1 : i32
    scf.for %scan3A_33 = %scan3A to %scan3A_3 step %scan3A_4  : i32 {
      %mul3A_34 = arith.constant 1 : i32
      %mul3A_35 = arith.muli %scan3A_33, %mul3A_34 : i32
      %add3A_36 = arith.constant 0 : i32
      %add3A_37 = arith.addi %add3A_36, %mul3A_35 : i32
      %scan3A_38 = arith.constant 0 : i32
      %scan3A_39 = arith.constant 4 : i32
      %scan3A_40 = arith.addi %scan3A_38, %scan3A_39 : i32
      %scan3A_41 = arith.constant 1 : i32
      scf.for %scan3A_43 = %scan3A_38 to %scan3A_40 step %scan3A_41  : i32 {
        %mul3A_44 = arith.constant 1 : i32
        %mul3A_45 = arith.muli %scan3A_43, %mul3A_44 : i32
        %add3A_46 = arith.constant 0 : i32
        %add3A_47 = arith.addi %add3A_46, %mul3A_45 : i32
        %mul3A_48 = arith.constant 16 : i32
        %mul3A_49 = arith.muli %add3A_47, %mul3A_48 : i32
        %swap3A = arith.index_cast %add3A_37 : i32 to index
        %swap3A_50 = arith.index_cast %mul3A_49 : i32 to index
        %swap3A_51 = tpu.vector_load %arg10[%swap3A, %swap3A_50] {strides = array<i32>} : memref<80x64xf32, #tpu.memory_space<vmem>>, vector<1x16xf32>,
        %swap3A_52 = vector.shape_cast %swap3A_51 : vector<1x16xf32> to vector<16xf32>
        %swap3A_53 = vector.shape_cast %broadcast_in_dim3A_1 : vector<16xf32> to vector<1x16xf32>
        tpu.vector_store %arg10[%swap3A, %swap3A_50], %swap3A_53 {strides = array<i32>} : memref<80x64xf32, #tpu.memory_space<vmem>>, vector<1x16xf32>,
      }
      %scan3A_42 = arith.constant 4 : i32
    }
    %scan3A_5 = arith.constant 80 : i32
    %scan3A_6 = arith.constant 0 : i32
    %scan3A_7 = arith.constant 25 : i32
    %scan3A_8 = arith.addi %scan3A_6, %scan3A_7 : i32
    %scan3A_9 = arith.constant 1 : i32
    scf.for %scan3A_33 = %scan3A_6 to %scan3A_8 step %scan3A_9  : i32 {
      %mul3A_34 = arith.constant 1 : i32
      %mul3A_35 = arith.muli %scan3A_33, %mul3A_34 : i32
      %add3A_36 = arith.constant 0 : i32
      %add3A_37 = arith.addi %add3A_36, %mul3A_35 : i32
      %mul3A_38 = arith.constant 625 : i32
      %mul3A_39 = arith.muli %arg1, %mul3A_38 : i32
      %mul3A_40 = arith.constant 25 : i32
      %mul3A_41 = arith.muli %add3A_37, %mul3A_40 : i32
      %add3A_42 = arith.addi %mul3A_39, %mul3A_41 : i32
      "tpu.region"() ({
        %run_scoped3A = tpu.sem_alloc : memref<!tpu.dma_semaphore, #tpu.memory_space<semaphore_mem>>
        %dma_start3A_43 = arith.constant 0 : i32
        %dma_start3A_44 = arith.constant 0 : i32
        %dma_start3A_45 = tpu.memref_slice %arg10[%dma_start3A_43, %dma_start3A_44] : memref<80x64xf32, #tpu.memory_space<vmem>> -> memref<25x64xf32, #tpu.memory_space<vmem>>
        %dma_start3A_46 = arith.constant 0 : i32
        %dma_start3A_47 = tpu.memref_slice %arg12[%add3A_42, %dma_start3A_46] : memref<10000x64xf32, #tpu.memory_space<vmem_shared>> -> memref<25x64xf32, #tpu.memory_space<vmem_shared>>
        %dma_start3A_48 = arith.constant 0 : i32
        %dma_start3A_49 = tpu.memref_slice %arg12[%add3A_42, %dma_start3A_48] : memref<10000x64xf32, #tpu.memory_space<vmem_shared>> -> memref<25x64xf32, #tpu.memory_space<vmem_shared>>
        %dma_start3A_50 = arith.constant 0 : i32
        %dma_start3A_51 = arith.constant 0 : i32
        %dma_start3A_52 = tpu.memref_slice %arg10[%dma_start3A_50, %dma_start3A_51] : memref<80x64xf32, #tpu.memory_space<vmem>> -> memref<25x64xf32, #tpu.memory_space<vmem>>
        tpu.enqueue_dma source(%dma_start3A_52 : memref<25x64xf32, #tpu.memory_space<vmem>>) target(%dma_start3A_49 : memref<25x64xf32, #tpu.memory_space<vmem_shared>>) target_semaphore(%run_scoped3A : memref<!tpu.dma_semaphore, #tpu.memory_space<semaphore_mem>>)
        %dma_wait3A_53 = arith.constant 0 : i32
        %dma_wait3A_54 = arith.constant 0 : i32
        %dma_wait3A_55 = tpu.memref_slice %arg10[%dma_wait3A_53, %dma_wait3A_54] : memref<80x64xf32, #tpu.memory_space<vmem>> -> memref<25x64xf32, #tpu.memory_space<vmem>>
        %dma_wait3A_56 = arith.constant 0 : i32
        %dma_wait3A_57 = tpu.memref_slice %arg12[%add3A_42, %dma_wait3A_56] : memref<10000x64xf32, #tpu.memory_space<vmem_shared>> -> memref<25x64xf32, #tpu.memory_space<vmem_shared>>
        %dma_wait3A_58 = arith.constant 0 : i32
        %dma_wait3A_59 = tpu.memref_slice %arg12[%add3A_42, %dma_wait3A_58] : memref<10000x64xf32, #tpu.memory_space<vmem_shared>> -> memref<25x64xf32, #tpu.memory_space<vmem_shared>>
        %dma_wait3A_60 = arith.constant 0 : i32
        %dma_wait3A_61 = arith.constant 0 : i32
        %dma_wait3A_62 = tpu.memref_slice %arg10[%dma_wait3A_60, %dma_wait3A_61] : memref<80x64xf32, #tpu.memory_space<vmem>> -> memref<25x64xf32, #tpu.memory_space<vmem>>
        tpu.wait_dma2 semaphore(%run_scoped3A : memref<!tpu.dma_semaphore, #tpu.memory_space<semaphore_mem>>) src(%dma_wait3A_62 : memref<25x64xf32, #tpu.memory_space<vmem>>) dst(%dma_wait3A_59 : memref<25x64xf32, #tpu.memory_space<vmem_shared>>)
        tpu.yield
      }) : () -> ()
    }
    %scan3A_10 = arith.constant 25 : i32
    %barrier3A = arith.constant 0 : index
    tpu.barrier barrier_id(%barrier3A)
    "tpu.region"() ({
      %run_scoped3A = tpu.sem_alloc : memref<!tpu.dma_semaphore, #tpu.memory_space<semaphore_mem>>
      %dma_start3A_33 = arith.constant 0 : i32
      %dma_start3A_34 = arith.constant 0 : i32
      %dma_start3A_35 = tpu.memref_slice %arg3[%add3A, %dma_start3A_33, %dma_start3A_34] : memref<32x125x80xi32, #tpu.memory_space<hbm>> -> memref<1x125x80xi32, #tpu.memory_space<hbm>>
      %dma_start3A_36 = tpu.memref_squeeze %dma_start3A_35 : memref<1x125x80xi32, #tpu.memory_space<hbm>> -> memref<125x80xi32, #tpu.memory_space<hbm>>
      %dma_start3A_37 = arith.constant 0 : i32
      %dma_start3A_38 = arith.constant 0 : i32
      %dma_start3A_39 = tpu.memref_slice %arg3[%add3A, %dma_start3A_37, %dma_start3A_38] : memref<32x125x80xi32, #tpu.memory_space<hbm>> -> memref<1x125x80xi32, #tpu.memory_space<hbm>>
      %dma_start3A_40 = tpu.memref_squeeze %dma_start3A_39 : memref<1x125x80xi32, #tpu.memory_space<hbm>> -> memref<125x80xi32, #tpu.memory_space<hbm>>
      tpu.enqueue_dma source(%dma_start3A_40 : memref<125x80xi32, #tpu.memory_space<hbm>>) target(%arg5 : memref<125x80xi32, #tpu.memory_space<vmem>>) target_semaphore(%run_scoped3A : memref<!tpu.dma_semaphore, #tpu.memory_space<semaphore_mem>>)
      %dma_wait3A_41 = arith.constant 0 : i32
      %dma_wait3A_42 = arith.constant 0 : i32
      %dma_wait3A_43 = tpu.memref_slice %arg3[%add3A, %dma_wait3A_41, %dma_wait3A_42] : memref<32x125x80xi32, #tpu.memory_space<hbm>> -> memref<1x125x80xi32, #tpu.memory_space<hbm>>
      %dma_wait3A_44 = tpu.memref_squeeze %dma_wait3A_43 : memref<1x125x80xi32, #tpu.memory_space<hbm>> -> memref<125x80xi32, #tpu.memory_space<hbm>>
      %dma_wait3A_45 = arith.constant 0 : i32
      %dma_wait3A_46 = arith.constant 0 : i32
      %dma_wait3A_47 = tpu.memref_slice %arg3[%add3A, %dma_wait3A_45, %dma_wait3A_46] : memref<32x125x80xi32, #tpu.memory_space<hbm>> -> memref<1x125x80xi32, #tpu.memory_space<hbm>>
      %dma_wait3A_48 = tpu.memref_squeeze %dma_wait3A_47 : memref<1x125x80xi32, #tpu.memory_space<hbm>> -> memref<125x80xi32, #tpu.memory_space<hbm>>
      tpu.wait_dma2 semaphore(%run_scoped3A : memref<!tpu.dma_semaphore, #tpu.memory_space<semaphore_mem>>) src(%dma_wait3A_48 : memref<125x80xi32, #tpu.memory_space<hbm>>) dst(%arg5 : memref<125x80xi32, #tpu.memory_space<vmem>>)
      tpu.yield
    }) : () -> ()
    %broadcast_in_dim3A_11 = arith.constant 32767 : i32
    %broadcast_in_dim3A_12 = vector.broadcast %broadcast_in_dim3A_11 : i32 to vector<16xi32>
    %scan3A_13 = arith.constant 0 : i32
    %scan3A_14 = arith.constant 5 : i32
    %scan3A_15 = arith.addi %scan3A_13, %scan3A_14 : i32
    %scan3A_16 = arith.constant 1 : i32
    scf.for %scan3A_33 = %scan3A_13 to %scan3A_15 step %scan3A_16  : i32 {
      %mul3A_34 = arith.constant 1 : i32
      %mul3A_35 = arith.muli %scan3A_33, %mul3A_34 : i32
      %add3A_36 = arith.constant 0 : i32
      %add3A_37 = arith.addi %add3A_36, %mul3A_35 : i32
      %mul3A_38 = arith.constant 16 : i32
      %mul3A_39 = arith.muli %add3A_37, %mul3A_38 : i32
      %get3A = arith.constant 0 : i32
      %get3A_40 = arith.index_cast %get3A : i32 to index
      %get3A_41 = arith.index_cast %mul3A_39 : i32 to index
      %get3A_42 = tpu.vector_load %arg5[%get3A_40, %get3A_41] {strides = array<i32>} : memref<125x80xi32, #tpu.memory_space<vmem>>, vector<1x16xi32>,
      %get3A_43 = vector.shape_cast %get3A_42 : vector<1x16xi32> to vector<16xi32>
      %and3A = arith.andi %get3A_43, %broadcast_in_dim3A_12 : vector<16xi32>
      %mul3A_44 = arith.constant 16 : i32
      %mul3A_45 = arith.muli %add3A_37, %mul3A_44 : i32
      %swap3A = arith.index_cast %mul3A_45 : i32 to index
      %swap3A_46 = tpu.vector_load %arg6[%swap3A] {strides = array<i32>} : memref<80xi32, #tpu.memory_space<vmem>>, vector<16xi32>,
      %swap3A_47 = vector.shape_cast %swap3A_46 : vector<16xi32> to vector<16xi32>
      %swap3A_48 = vector.shape_cast %and3A : vector<16xi32> to vector<16xi32>
      tpu.vector_store %arg6[%swap3A], %swap3A_48 {strides = array<i32>} : memref<80xi32, #tpu.memory_space<vmem>>, vector<16xi32>,
      %shift_right_arithmetic3A = arith.constant 15 : i32
      %shift_right_arithmetic3A_49 = vector.broadcast %shift_right_arithmetic3A : i32 to vector<16xi32>
      %shift_right_arithmetic3A_50 = arith.shrsi %get3A_43, %shift_right_arithmetic3A_49 : vector<16xi32>
      %mul3A_51 = arith.constant 16 : i32
      %mul3A_52 = arith.muli %add3A_37, %mul3A_51 : i32
      %swap3A_53 = arith.index_cast %mul3A_52 : i32 to index
      %swap3A_54 = tpu.vector_load %arg7[%swap3A_53] {strides = array<i32>} : memref<80xi32, #tpu.memory_space<vmem>>, vector<16xi32>,
      %swap3A_55 = vector.shape_cast %swap3A_54 : vector<16xi32> to vector<16xi32>
      %swap3A_56 = vector.shape_cast %shift_right_arithmetic3A_50 : vector<16xi32> to vector<16xi32>
      tpu.vector_store %arg7[%swap3A_53], %swap3A_56 {strides = array<i32>} : memref<80xi32, #tpu.memory_space<vmem>>, vector<16xi32>,
    }
    %scan3A_17 = arith.constant 5 : i32
    %dma_start3A = arith.constant 0 : i32
    %dma_start3A_18 = arith.constant 0 : i32
    %dma_start3A_19 = tpu.memref_slice %arg2[%dma_start3A, %dma_start3A_18] : memref<10000x64xf32, #tpu.memory_space<hbm>> -> memref<10000x64xf32, #tpu.memory_space<hbm>>
    tpu.enqueue_indirect_dma source(%dma_start3A_19 : memref<10000x64xf32, #tpu.memory_space<hbm>>) target(%arg10 : memref<80x64xf32, #tpu.memory_space<vmem>>) offsets(%arg6 : memref<80xi32, #tpu.memory_space<vmem>>) semaphore(%arg13 : memref<!tpu.dma_semaphore, #tpu.memory_space<semaphore_mem>>)
    %scan3A_20 = arith.constant 0 : i32
    %scan3A_21 = arith.constant 62 : i32
    %scan3A_22 = arith.addi %scan3A_20, %scan3A_21 : i32
    %scan3A_23 = arith.constant 1 : i32
    scf.for %scan3A_33 = %scan3A_20 to %scan3A_22 step %scan3A_23  : i32 {
      %mul3A_34 = arith.constant 2 : i32
      %mul3A_35 = arith.muli %scan3A_33, %mul3A_34 : i32
      %add3A_36 = arith.constant 0 : i32
      %add3A_37 = arith.addi %add3A_36, %mul3A_35 : i32
      %add3A_38 = arith.constant 1 : i32
      %add3A_39 = arith.addi %add3A_37, %add3A_38 : i32
      %scan3A_40 = arith.constant 0 : i32
      %scan3A_41 = arith.constant 5 : i32
      %scan3A_42 = arith.addi %scan3A_40, %scan3A_41 : i32
      %scan3A_43 = arith.constant 1 : i32
      scf.for %scan3A_64 = %scan3A_40 to %scan3A_42 step %scan3A_43  : i32 {
        %mul3A_65 = arith.constant 1 : i32
        %mul3A_66 = arith.muli %scan3A_64, %mul3A_65 : i32
        %add3A_67 = arith.constant 0 : i32
        %add3A_68 = arith.addi %add3A_67, %mul3A_66 : i32
        %mul3A_69 = arith.constant 16 : i32
        %mul3A_70 = arith.muli %add3A_68, %mul3A_69 : i32
        %get3A = arith.index_cast %add3A_39 : i32 to index
        %get3A_71 = arith.index_cast %mul3A_70 : i32 to index
        %get3A_72 = tpu.vector_load %arg5[%get3A, %get3A_71] {strides = array<i32>} : memref<125x80xi32, #tpu.memory_space<vmem>>, vector<1x16xi32>,
        %get3A_73 = vector.shape_cast %get3A_72 : vector<1x16xi32> to vector<16xi32>
        %and3A = arith.andi %get3A_73, %broadcast_in_dim3A_12 : vector<16xi32>
        %mul3A_74 = arith.constant 16 : i32
        %mul3A_75 = arith.muli %add3A_68, %mul3A_74 : i32
        %swap3A = arith.index_cast %mul3A_75 : i32 to index
        %swap3A_76 = tpu.vector_load %arg8[%swap3A] {strides = array<i32>} : memref<80xi32, #tpu.memory_space<vmem>>, vector<16xi32>,
        %swap3A_77 = vector.shape_cast %swap3A_76 : vector<16xi32> to vector<16xi32>
        %swap3A_78 = vector.shape_cast %and3A : vector<16xi32> to vector<16xi32>
        tpu.vector_store %arg8[%swap3A], %swap3A_78 {strides = array<i32>} : memref<80xi32, #tpu.memory_space<vmem>>, vector<16xi32>,
        %shift_right_arithmetic3A = arith.constant 15 : i32
        %shift_right_arithmetic3A_79 = vector.broadcast %shift_right_arithmetic3A : i32 to vector<16xi32>
        %shift_right_arithmetic3A_80 = arith.shrsi %get3A_73, %shift_right_arithmetic3A_79 : vector<16xi32>
        %mul3A_81 = arith.constant 16 : i32
        %mul3A_82 = arith.muli %add3A_68, %mul3A_81 : i32
        %swap3A_83 = arith.index_cast %mul3A_82 : i32 to index
        %swap3A_84 = tpu.vector_load %arg9[%swap3A_83] {strides = array<i32>} : memref<80xi32, #tpu.memory_space<vmem>>, vector<16xi32>,
        %swap3A_85 = vector.shape_cast %swap3A_84 : vector<16xi32> to vector<16xi32>
        %swap3A_86 = vector.shape_cast %shift_right_arithmetic3A_80 : vector<16xi32> to vector<16xi32>
        tpu.vector_store %arg9[%swap3A_83], %swap3A_86 {strides = array<i32>} : memref<80xi32, #tpu.memory_space<vmem>>, vector<16xi32>,
      }
      %scan3A_44 = arith.constant 5 : i32
      %dma_start3A_45 = arith.constant 0 : i32
      %dma_start3A_46 = arith.constant 0 : i32
      %dma_start3A_47 = tpu.memref_slice %arg2[%dma_start3A_45, %dma_start3A_46] : memref<10000x64xf32, #tpu.memory_space<hbm>> -> memref<10000x64xf32, #tpu.memory_space<hbm>>
      tpu.enqueue_indirect_dma source(%dma_start3A_47 : memref<10000x64xf32, #tpu.memory_space<hbm>>) target(%arg11 : memref<80x64xf32, #tpu.memory_space<vmem>>) offsets(%arg8 : memref<80xi32, #tpu.memory_space<vmem>>) semaphore(%arg14 : memref<!tpu.dma_semaphore, #tpu.memory_space<semaphore_mem>>)
      %dma_wait3A_48 = arith.constant 0 : i32
      %dma_wait3A_49 = arith.constant 0 : i32
      %dma_wait3A_50 = tpu.memref_slice %arg2[%dma_wait3A_48, %dma_wait3A_49] : memref<10000x64xf32, #tpu.memory_space<hbm>> -> memref<10000x64xf32, #tpu.memory_space<hbm>>
      tpu.wait_indirect_dma semaphore(%arg13 : memref<!tpu.dma_semaphore, #tpu.memory_space<semaphore_mem>>) src(%dma_wait3A_50 : memref<10000x64xf32, #tpu.memory_space<hbm>>) dst(%arg10 : memref<80x64xf32, #tpu.memory_space<vmem>>)
      "tpu.region"() ({
        %run_scoped3A = tpu.sem_alloc : memref<!tpu.dma_semaphore, #tpu.memory_space<semaphore_mem>>
        %dma_start3A_64 = arith.constant 0 : i32
        %dma_start3A_65 = arith.constant 0 : i32
        %dma_start3A_66 = tpu.memref_slice %arg12[%dma_start3A_64, %dma_start3A_65] : memref<10000x64xf32, #tpu.memory_space<vmem_shared>> -> memref<10000x64xf32, #tpu.memory_space<vmem_shared>>
        tpu.enqueue_indirect_dma source(%arg10 : memref<80x64xf32, #tpu.memory_space<vmem>>) target(%dma_start3A_66 : memref<10000x64xf32, #tpu.memory_space<vmem_shared>>) offsets(%arg7 : memref<80xi32, #tpu.memory_space<vmem>>) semaphore(%run_scoped3A : memref<!tpu.dma_semaphore, #tpu.memory_space<semaphore_mem>>) {add = true}
        %dma_wait3A_67 = arith.constant 0 : i32
        %dma_wait3A_68 = arith.constant 0 : i32
        %dma_wait3A_69 = tpu.memref_slice %arg12[%dma_wait3A_67, %dma_wait3A_68] : memref<10000x64xf32, #tpu.memory_space<vmem_shared>> -> memref<10000x64xf32, #tpu.memory_space<vmem_shared>>
        tpu.wait_indirect_dma semaphore(%run_scoped3A : memref<!tpu.dma_semaphore, #tpu.memory_space<semaphore_mem>>) src(%arg10 : memref<80x64xf32, #tpu.memory_space<vmem>>) dst(%dma_wait3A_69 : memref<10000x64xf32, #tpu.memory_space<vmem_shared>>)
        tpu.yield
      }) : () -> ()
      %add3A_51 = arith.constant 2 : i32
      %add3A_52 = arith.addi %add3A_37, %add3A_51 : i32
      %scan3A_53 = arith.constant 0 : i32
      %scan3A_54 = arith.constant 5 : i32
      %scan3A_55 = arith.addi %scan3A_53, %scan3A_54 : i32
      %scan3A_56 = arith.constant 1 : i32
      scf.for %scan3A_64 = %scan3A_53 to %scan3A_55 step %scan3A_56  : i32 {
        %mul3A_65 = arith.constant 1 : i32
        %mul3A_66 = arith.muli %scan3A_64, %mul3A_65 : i32
        %add3A_67 = arith.constant 0 : i32
        %add3A_68 = arith.addi %add3A_67, %mul3A_66 : i32
        %mul3A_69 = arith.constant 16 : i32
        %mul3A_70 = arith.muli %add3A_68, %mul3A_69 : i32
        %get3A = arith.index_cast %add3A_52 : i32 to index
        %get3A_71 = arith.index_cast %mul3A_70 : i32 to index
        %get3A_72 = tpu.vector_load %arg5[%get3A, %get3A_71] {strides = array<i32>} : memref<125x80xi32, #tpu.memory_space<vmem>>, vector<1x16xi32>,
        %get3A_73 = vector.shape_cast %get3A_72 : vector<1x16xi32> to vector<16xi32>
        %and3A = arith.andi %get3A_73, %broadcast_in_dim3A_12 : vector<16xi32>
        %mul3A_74 = arith.constant 16 : i32
        %mul3A_75 = arith.muli %add3A_68, %mul3A_74 : i32
        %swap3A = arith.index_cast %mul3A_75 : i32 to index
        %swap3A_76 = tpu.vector_load %arg6[%swap3A] {strides = array<i32>} : memref<80xi32, #tpu.memory_space<vmem>>, vector<16xi32>,
        %swap3A_77 = vector.shape_cast %swap3A_76 : vector<16xi32> to vector<16xi32>
        %swap3A_78 = vector.shape_cast %and3A : vector<16xi32> to vector<16xi32>
        tpu.vector_store %arg6[%swap3A], %swap3A_78 {strides = array<i32>} : memref<80xi32, #tpu.memory_space<vmem>>, vector<16xi32>,
        %shift_right_arithmetic3A = arith.constant 15 : i32
        %shift_right_arithmetic3A_79 = vector.broadcast %shift_right_arithmetic3A : i32 to vector<16xi32>
        %shift_right_arithmetic3A_80 = arith.shrsi %get3A_73, %shift_right_arithmetic3A_79 : vector<16xi32>
        %mul3A_81 = arith.constant 16 : i32
        %mul3A_82 = arith.muli %add3A_68, %mul3A_81 : i32
        %swap3A_83 = arith.index_cast %mul3A_82 : i32 to index
        %swap3A_84 = tpu.vector_load %arg7[%swap3A_83] {strides = array<i32>} : memref<80xi32, #tpu.memory_space<vmem>>, vector<16xi32>,
        %swap3A_85 = vector.shape_cast %swap3A_84 : vector<16xi32> to vector<16xi32>
        %swap3A_86 = vector.shape_cast %shift_right_arithmetic3A_80 : vector<16xi32> to vector<16xi32>
        tpu.vector_store %arg7[%swap3A_83], %swap3A_86 {strides = array<i32>} : memref<80xi32, #tpu.memory_space<vmem>>, vector<16xi32>,
      }
      %scan3A_57 = arith.constant 5 : i32
      %dma_start3A_58 = arith.constant 0 : i32
      %dma_start3A_59 = arith.constant 0 : i32
      %dma_start3A_60 = tpu.memref_slice %arg2[%dma_start3A_58, %dma_start3A_59] : memref<10000x64xf32, #tpu.memory_space<hbm>> -> memref<10000x64xf32, #tpu.memory_space<hbm>>
      tpu.enqueue_indirect_dma source(%dma_start3A_60 : memref<10000x64xf32, #tpu.memory_space<hbm>>) target(%arg10 : memref<80x64xf32, #tpu.memory_space<vmem>>) offsets(%arg6 : memref<80xi32, #tpu.memory_space<vmem>>) semaphore(%arg13 : memref<!tpu.dma_semaphore, #tpu.memory_space<semaphore_mem>>)
      %dma_wait3A_61 = arith.constant 0 : i32
      %dma_wait3A_62 = arith.constant 0 : i32
      %dma_wait3A_63 = tpu.memref_slice %arg2[%dma_wait3A_61, %dma_wait3A_62] : memref<10000x64xf32, #tpu.memory_space<hbm>> -> memref<10000x64xf32, #tpu.memory_space<hbm>>
      tpu.wait_indirect_dma semaphore(%arg14 : memref<!tpu.dma_semaphore, #tpu.memory_space<semaphore_mem>>) src(%dma_wait3A_63 : memref<10000x64xf32, #tpu.memory_space<hbm>>) dst(%arg11 : memref<80x64xf32, #tpu.memory_space<vmem>>)
      "tpu.region"() ({
        %run_scoped3A = tpu.sem_alloc : memref<!tpu.dma_semaphore, #tpu.memory_space<semaphore_mem>>
        %dma_start3A_64 = arith.constant 0 : i32
        %dma_start3A_65 = arith.constant 0 : i32
        %dma_start3A_66 = tpu.memref_slice %arg12[%dma_start3A_64, %dma_start3A_65] : memref<10000x64xf32, #tpu.memory_space<vmem_shared>> -> memref<10000x64xf32, #tpu.memory_space<vmem_shared>>
        tpu.enqueue_indirect_dma source(%arg11 : memref<80x64xf32, #tpu.memory_space<vmem>>) target(%dma_start3A_66 : memref<10000x64xf32, #tpu.memory_space<vmem_shared>>) offsets(%arg9 : memref<80xi32, #tpu.memory_space<vmem>>) semaphore(%run_scoped3A : memref<!tpu.dma_semaphore, #tpu.memory_space<semaphore_mem>>) {add = true}
        %dma_wait3A_67 = arith.constant 0 : i32
        %dma_wait3A_68 = arith.constant 0 : i32
        %dma_wait3A_69 = tpu.memref_slice %arg12[%dma_wait3A_67, %dma_wait3A_68] : memref<10000x64xf32, #tpu.memory_space<vmem_shared>> -> memref<10000x64xf32, #tpu.memory_space<vmem_shared>>
        tpu.wait_indirect_dma semaphore(%run_scoped3A : memref<!tpu.dma_semaphore, #tpu.memory_space<semaphore_mem>>) src(%arg11 : memref<80x64xf32, #tpu.memory_space<vmem>>) dst(%dma_wait3A_69 : memref<10000x64xf32, #tpu.memory_space<vmem_shared>>)
        tpu.yield
      }) : () -> ()
    }
    %scan3A_24 = arith.constant 62 : i32
    %dma_wait3A = arith.constant 0 : i32
    %dma_wait3A_25 = arith.constant 0 : i32
    %dma_wait3A_26 = tpu.memref_slice %arg2[%dma_wait3A, %dma_wait3A_25] : memref<10000x64xf32, #tpu.memory_space<hbm>> -> memref<10000x64xf32, #tpu.memory_space<hbm>>
    tpu.wait_indirect_dma semaphore(%arg13 : memref<!tpu.dma_semaphore, #tpu.memory_space<semaphore_mem>>) src(%dma_wait3A_26 : memref<10000x64xf32, #tpu.memory_space<hbm>>) dst(%arg10 : memref<80x64xf32, #tpu.memory_space<vmem>>)
    "tpu.region"() ({
      %run_scoped3A = tpu.sem_alloc : memref<!tpu.dma_semaphore, #tpu.memory_space<semaphore_mem>>
      %dma_start3A_33 = arith.constant 0 : i32
      %dma_start3A_34 = arith.constant 0 : i32
      %dma_start3A_35 = tpu.memref_slice %arg12[%dma_start3A_33, %dma_start3A_34] : memref<10000x64xf32, #tpu.memory_space<vmem_shared>> -> memref<10000x64xf32, #tpu.memory_space<vmem_shared>>
      tpu.enqueue_indirect_dma source(%arg10 : memref<80x64xf32, #tpu.memory_space<vmem>>) target(%dma_start3A_35 : memref<10000x64xf32, #tpu.memory_space<vmem_shared>>) offsets(%arg7 : memref<80xi32, #tpu.memory_space<vmem>>) semaphore(%run_scoped3A : memref<!tpu.dma_semaphore, #tpu.memory_space<semaphore_mem>>) {add = true}
      %dma_wait3A_36 = arith.constant 0 : i32
      %dma_wait3A_37 = arith.constant 0 : i32
      %dma_wait3A_38 = tpu.memref_slice %arg12[%dma_wait3A_36, %dma_wait3A_37] : memref<10000x64xf32, #tpu.memory_space<vmem_shared>> -> memref<10000x64xf32, #tpu.memory_space<vmem_shared>>
      tpu.wait_indirect_dma semaphore(%run_scoped3A : memref<!tpu.dma_semaphore, #tpu.memory_space<semaphore_mem>>) src(%arg10 : memref<80x64xf32, #tpu.memory_space<vmem>>) dst(%dma_wait3A_38 : memref<10000x64xf32, #tpu.memory_space<vmem_shared>>)
      tpu.yield
    }) : () -> ()
    %barrier3A_27 = arith.constant 0 : index
    tpu.barrier barrier_id(%barrier3A_27)
    %mul3A_28 = arith.constant 625 : i32
    %mul3A_29 = arith.muli %arg1, %mul3A_28 : i32
    %mul3A_30 = arith.constant 10000 : i32
    %mul3A_31 = arith.muli %arg0, %mul3A_30 : i32
    %add3A_32 = arith.addi %mul3A_31, %mul3A_29 : i32
    "tpu.region"() ({
      %run_scoped3A = tpu.sem_alloc : memref<!tpu.dma_semaphore, #tpu.memory_space<semaphore_mem>>
      %dma_start3A_33 = arith.constant 0 : i32
      %dma_start3A_34 = tpu.memref_slice %arg4[%add3A_32, %dma_start3A_33] : memref<20000x64xf32, #tpu.memory_space<hbm>> -> memref<625x64xf32, #tpu.memory_space<hbm>>
      %dma_start3A_35 = arith.constant 0 : i32
      %dma_start3A_36 = tpu.memref_slice %arg12[%mul3A_29, %dma_start3A_35] : memref<10000x64xf32, #tpu.memory_space<vmem_shared>> -> memref<625x64xf32, #tpu.memory_space<vmem_shared>>
      tpu.enqueue_dma source(%dma_start3A_36 : memref<625x64xf32, #tpu.memory_space<vmem_shared>>) target(%dma_start3A_34 : memref<625x64xf32, #tpu.memory_space<hbm>>) target_semaphore(%run_scoped3A : memref<!tpu.dma_semaphore, #tpu.memory_space<semaphore_mem>>)
      %dma_wait3A_37 = arith.constant 0 : i32
      %dma_wait3A_38 = tpu.memref_slice %arg4[%add3A_32, %dma_wait3A_37] : memref<20000x64xf32, #tpu.memory_space<hbm>> -> memref<625x64xf32, #tpu.memory_space<hbm>>
      %dma_wait3A_39 = arith.constant 0 : i32
      %dma_wait3A_40 = tpu.memref_slice %arg12[%mul3A_29, %dma_wait3A_39] : memref<10000x64xf32, #tpu.memory_space<vmem_shared>> -> memref<625x64xf32, #tpu.memory_space<vmem_shared>>
      tpu.wait_dma2 semaphore(%run_scoped3A : memref<!tpu.dma_semaphore, #tpu.memory_space<semaphore_mem>>) src(%dma_wait3A_40 : memref<625x64xf32, #tpu.memory_space<vmem_shared>>) dst(%dma_wait3A_38 : memref<625x64xf32, #tpu.memory_space<hbm>>)
      tpu.yield
    }) : () -> ()
    return
  }
}

#map = affine_map<(d0, d1) -> (0, 0, 0)>
#map1 = affine_map<(d0, d1) -> (0, 0)>
module attributes {stable_mosaic.version = 14 : i64} {
  func.func @body(%arg0: i32, %arg1: i32, %arg2: memref<2x10000x128xf32, #tpu.memory_space<hbm>>, %arg3: memref<16x250x80xi32, #tpu.memory_space<hbm>>, %arg4: memref<20000x128xf32, #tpu.memory_space<hbm>>, %arg5: memref<250x80xi32, #tpu.memory_space<vmem>>, %arg6: memref<80xi32, #tpu.memory_space<vmem>>, %arg7: memref<80xi32, #tpu.memory_space<vmem>>, %arg8: memref<80xi32, #tpu.memory_space<vmem>>, %arg9: memref<80xi32, #tpu.memory_space<vmem>>, %arg10: memref<80x128xf32, #tpu.memory_space<vmem>>, %arg11: memref<80x128xf32, #tpu.memory_space<vmem>>, %arg12: memref<10000x128xf32, #tpu.memory_space<vmem_shared>>, %arg13: memref<!tpu.dma_semaphore, #tpu.memory_space<semaphore_mem>>, %arg14: memref<!tpu.dma_semaphore, #tpu.memory_space<semaphore_mem>>) attributes {dimension_semantics = [#tpu.dimension_semantics<core_parallel>, #tpu.dimension_semantics<subcore_parallel>], iteration_bounds = array<i64: 2, 16>, scalar_prefetch = 0 : i64, scratch_operands = 10 : i64, tpu.core_type = #tpu.core_type<sc_vector_subcore>, window_params = [{transform_indices = #map}, {transform_indices = #map}, {transform_indices = #map1}]} {
    %mul3A = arith.constant 16 : i32
    %mul3A_0 = arith.muli %arg0, %mul3A : i32
    %add3A = arith.addi %mul3A_0, %arg1 : i32
    %broadcast_in_dim3A = arith.constant 0.000000e+00 : f32
    %broadcast_in_dim3A_1 = vector.broadcast %broadcast_in_dim3A : f32 to vector<16xf32>
    %scan3A = arith.constant 0 : i32
    %scan3A_2 = arith.constant 80 : i32
    %scan3A_3 = arith.addi %scan3A, %scan3A_2 : i32
    %scan3A_4 = arith.constant 1 : i32
    scf.for %scan3A_60 = %scan3A to %scan3A_3 step %scan3A_4  : i32 {
      %mul3A_61 = arith.constant 1 : i32
      %mul3A_62 = arith.muli %scan3A_60, %mul3A_61 : i32
      %add3A_63 = arith.constant 0 : i32
      %add3A_64 = arith.addi %add3A_63, %mul3A_62 : i32
      %scan3A_65 = arith.constant 0 : i32
      %scan3A_66 = arith.constant 8 : i32
      %scan3A_67 = arith.addi %scan3A_65, %scan3A_66 : i32
      %scan3A_68 = arith.constant 1 : i32
      scf.for %scan3A_70 = %scan3A_65 to %scan3A_67 step %scan3A_68  : i32 {
        %mul3A_71 = arith.constant 1 : i32
        %mul3A_72 = arith.muli %scan3A_70, %mul3A_71 : i32
        %add3A_73 = arith.constant 0 : i32
        %add3A_74 = arith.addi %add3A_73, %mul3A_72 : i32
        %mul3A_75 = arith.constant 16 : i32
        %mul3A_76 = arith.muli %add3A_74, %mul3A_75 : i32
        %swap3A = arith.index_cast %add3A_64 : i32 to index
        %swap3A_77 = arith.index_cast %mul3A_76 : i32 to index
        %swap3A_78 = tpu.vector_load %arg10[%swap3A, %swap3A_77] {strides = array<i32>} : memref<80x128xf32, #tpu.memory_space<vmem>>, vector<1x16xf32>,
        %swap3A_79 = vector.shape_cast %swap3A_78 : vector<1x16xf32> to vector<16xf32>
        %swap3A_80 = vector.shape_cast %broadcast_in_dim3A_1 : vector<16xf32> to vector<1x16xf32>
        tpu.vector_store %arg10[%swap3A, %swap3A_77], %swap3A_80 {strides = array<i32>} : memref<80x128xf32, #tpu.memory_space<vmem>>, vector<1x16xf32>,
      }
      %scan3A_69 = arith.constant 8 : i32
    }
    %scan3A_5 = arith.constant 80 : i32
    %scan3A_6 = arith.constant 0 : i32
    %scan3A_7 = arith.constant 25 : i32
    %scan3A_8 = arith.addi %scan3A_6, %scan3A_7 : i32
    %scan3A_9 = arith.constant 1 : i32
    scf.for %scan3A_60 = %scan3A_6 to %scan3A_8 step %scan3A_9  : i32 {
      %mul3A_61 = arith.constant 1 : i32
      %mul3A_62 = arith.muli %scan3A_60, %mul3A_61 : i32
      %add3A_63 = arith.constant 0 : i32
      %add3A_64 = arith.addi %add3A_63, %mul3A_62 : i32
      %mul3A_65 = arith.constant 625 : i32
      %mul3A_66 = arith.muli %arg1, %mul3A_65 : i32
      %mul3A_67 = arith.constant 25 : i32
      %mul3A_68 = arith.muli %add3A_64, %mul3A_67 : i32
      %add3A_69 = arith.addi %mul3A_66, %mul3A_68 : i32
      "tpu.region"() ({
        %run_scoped3A = tpu.sem_alloc : memref<!tpu.dma_semaphore, #tpu.memory_space<semaphore_mem>>
        %dma_start3A_70 = arith.constant 0 : i32
        %dma_start3A_71 = arith.constant 0 : i32
        %dma_start3A_72 = tpu.memref_slice %arg10[%dma_start3A_70, %dma_start3A_71] : memref<80x128xf32, #tpu.memory_space<vmem>> -> memref<25x128xf32, #tpu.memory_space<vmem>>
        %dma_start3A_73 = arith.constant 0 : i32
        %dma_start3A_74 = tpu.memref_slice %arg12[%add3A_69, %dma_start3A_73] : memref<10000x128xf32, #tpu.memory_space<vmem_shared>> -> memref<25x128xf32, #tpu.memory_space<vmem_shared>>
        %dma_start3A_75 = arith.constant 0 : i32
        %dma_start3A_76 = tpu.memref_slice %arg12[%add3A_69, %dma_start3A_75] : memref<10000x128xf32, #tpu.memory_space<vmem_shared>> -> memref<25x128xf32, #tpu.memory_space<vmem_shared>>
        %dma_start3A_77 = arith.constant 0 : i32
        %dma_start3A_78 = arith.constant 0 : i32
        %dma_start3A_79 = tpu.memref_slice %arg10[%dma_start3A_77, %dma_start3A_78] : memref<80x128xf32, #tpu.memory_space<vmem>> -> memref<25x128xf32, #tpu.memory_space<vmem>>
        tpu.enqueue_dma source(%dma_start3A_79 : memref<25x128xf32, #tpu.memory_space<vmem>>) target(%dma_start3A_76 : memref<25x128xf32, #tpu.memory_space<vmem_shared>>) target_semaphore(%run_scoped3A : memref<!tpu.dma_semaphore, #tpu.memory_space<semaphore_mem>>)
        %dma_wait3A_80 = arith.constant 0 : i32
        %dma_wait3A_81 = arith.constant 0 : i32
        %dma_wait3A_82 = tpu.memref_slice %arg10[%dma_wait3A_80, %dma_wait3A_81] : memref<80x128xf32, #tpu.memory_space<vmem>> -> memref<25x128xf32, #tpu.memory_space<vmem>>
        %dma_wait3A_83 = arith.constant 0 : i32
        %dma_wait3A_84 = tpu.memref_slice %arg12[%add3A_69, %dma_wait3A_83] : memref<10000x128xf32, #tpu.memory_space<vmem_shared>> -> memref<25x128xf32, #tpu.memory_space<vmem_shared>>
        %dma_wait3A_85 = arith.constant 0 : i32
        %dma_wait3A_86 = tpu.memref_slice %arg12[%add3A_69, %dma_wait3A_85] : memref<10000x128xf32, #tpu.memory_space<vmem_shared>> -> memref<25x128xf32, #tpu.memory_space<vmem_shared>>
        %dma_wait3A_87 = arith.constant 0 : i32
        %dma_wait3A_88 = arith.constant 0 : i32
        %dma_wait3A_89 = tpu.memref_slice %arg10[%dma_wait3A_87, %dma_wait3A_88] : memref<80x128xf32, #tpu.memory_space<vmem>> -> memref<25x128xf32, #tpu.memory_space<vmem>>
        tpu.wait_dma2 semaphore(%run_scoped3A : memref<!tpu.dma_semaphore, #tpu.memory_space<semaphore_mem>>) src(%dma_wait3A_89 : memref<25x128xf32, #tpu.memory_space<vmem>>) dst(%dma_wait3A_86 : memref<25x128xf32, #tpu.memory_space<vmem_shared>>)
        tpu.yield
      }) : () -> ()
    }
    %scan3A_10 = arith.constant 25 : i32
    %barrier3A = arith.constant 0 : index
    tpu.barrier barrier_id(%barrier3A)
    "tpu.region"() ({
      %run_scoped3A = tpu.sem_alloc : memref<!tpu.dma_semaphore, #tpu.memory_space<semaphore_mem>>
      %dma_start3A_60 = arith.constant 0 : i32
      %dma_start3A_61 = arith.constant 0 : i32
      %dma_start3A_62 = tpu.memref_slice %arg3[%arg1, %dma_start3A_60, %dma_start3A_61] : memref<16x250x80xi32, #tpu.memory_space<hbm>> -> memref<1x250x80xi32, #tpu.memory_space<hbm>>
      %dma_start3A_63 = tpu.memref_squeeze %dma_start3A_62 : memref<1x250x80xi32, #tpu.memory_space<hbm>> -> memref<250x80xi32, #tpu.memory_space<hbm>>
      %dma_start3A_64 = arith.constant 0 : i32
      %dma_start3A_65 = arith.constant 0 : i32
      %dma_start3A_66 = tpu.memref_slice %arg3[%arg1, %dma_start3A_64, %dma_start3A_65] : memref<16x250x80xi32, #tpu.memory_space<hbm>> -> memref<1x250x80xi32, #tpu.memory_space<hbm>>
      %dma_start3A_67 = tpu.memref_squeeze %dma_start3A_66 : memref<1x250x80xi32, #tpu.memory_space<hbm>> -> memref<250x80xi32, #tpu.memory_space<hbm>>
      tpu.enqueue_dma source(%dma_start3A_67 : memref<250x80xi32, #tpu.memory_space<hbm>>) target(%arg5 : memref<250x80xi32, #tpu.memory_space<vmem>>) target_semaphore(%run_scoped3A : memref<!tpu.dma_semaphore, #tpu.memory_space<semaphore_mem>>)
      %dma_wait3A_68 = arith.constant 0 : i32
      %dma_wait3A_69 = arith.constant 0 : i32
      %dma_wait3A_70 = tpu.memref_slice %arg3[%arg1, %dma_wait3A_68, %dma_wait3A_69] : memref<16x250x80xi32, #tpu.memory_space<hbm>> -> memref<1x250x80xi32, #tpu.memory_space<hbm>>
      %dma_wait3A_71 = tpu.memref_squeeze %dma_wait3A_70 : memref<1x250x80xi32, #tpu.memory_space<hbm>> -> memref<250x80xi32, #tpu.memory_space<hbm>>
      %dma_wait3A_72 = arith.constant 0 : i32
      %dma_wait3A_73 = arith.constant 0 : i32
      %dma_wait3A_74 = tpu.memref_slice %arg3[%arg1, %dma_wait3A_72, %dma_wait3A_73] : memref<16x250x80xi32, #tpu.memory_space<hbm>> -> memref<1x250x80xi32, #tpu.memory_space<hbm>>
      %dma_wait3A_75 = tpu.memref_squeeze %dma_wait3A_74 : memref<1x250x80xi32, #tpu.memory_space<hbm>> -> memref<250x80xi32, #tpu.memory_space<hbm>>
      tpu.wait_dma2 semaphore(%run_scoped3A : memref<!tpu.dma_semaphore, #tpu.memory_space<semaphore_mem>>) src(%dma_wait3A_75 : memref<250x80xi32, #tpu.memory_space<hbm>>) dst(%arg5 : memref<250x80xi32, #tpu.memory_space<vmem>>)
      tpu.yield
    }) : () -> ()
    %broadcast_in_dim3A_11 = arith.constant 32767 : i32
    %broadcast_in_dim3A_12 = vector.broadcast %broadcast_in_dim3A_11 : i32 to vector<16xi32>
    %scan3A_13 = arith.constant 0 : i32
    %scan3A_14 = arith.constant 5 : i32
    %scan3A_15 = arith.addi %scan3A_13, %scan3A_14 : i32
    %scan3A_16 = arith.constant 1 : i32
    scf.for %scan3A_60 = %scan3A_13 to %scan3A_15 step %scan3A_16  : i32 {
      %mul3A_61 = arith.constant 1 : i32
      %mul3A_62 = arith.muli %scan3A_60, %mul3A_61 : i32
      %add3A_63 = arith.constant 0 : i32
      %add3A_64 = arith.addi %add3A_63, %mul3A_62 : i32
      %mul3A_65 = arith.constant 16 : i32
      %mul3A_66 = arith.muli %add3A_64, %mul3A_65 : i32
      %get3A = arith.constant 0 : i32
      %get3A_67 = arith.index_cast %get3A : i32 to index
      %get3A_68 = arith.index_cast %mul3A_66 : i32 to index
      %get3A_69 = tpu.vector_load %arg5[%get3A_67, %get3A_68] {strides = array<i32>} : memref<250x80xi32, #tpu.memory_space<vmem>>, vector<1x16xi32>,
      %get3A_70 = vector.shape_cast %get3A_69 : vector<1x16xi32> to vector<16xi32>
      %and3A = arith.andi %get3A_70, %broadcast_in_dim3A_12 : vector<16xi32>
      %mul3A_71 = arith.constant 16 : i32
      %mul3A_72 = arith.muli %add3A_64, %mul3A_71 : i32
      %swap3A = arith.index_cast %mul3A_72 : i32 to index
      %swap3A_73 = tpu.vector_load %arg6[%swap3A] {strides = array<i32>} : memref<80xi32, #tpu.memory_space<vmem>>, vector<16xi32>,
      %swap3A_74 = vector.shape_cast %swap3A_73 : vector<16xi32> to vector<16xi32>
      %swap3A_75 = vector.shape_cast %and3A : vector<16xi32> to vector<16xi32>
      tpu.vector_store %arg6[%swap3A], %swap3A_75 {strides = array<i32>} : memref<80xi32, #tpu.memory_space<vmem>>, vector<16xi32>,
      %shift_right_arithmetic3A = arith.constant 15 : i32
      %shift_right_arithmetic3A_76 = vector.broadcast %shift_right_arithmetic3A : i32 to vector<16xi32>
      %shift_right_arithmetic3A_77 = arith.shrsi %get3A_70, %shift_right_arithmetic3A_76 : vector<16xi32>
      %mul3A_78 = arith.constant 16 : i32
      %mul3A_79 = arith.muli %add3A_64, %mul3A_78 : i32
      %swap3A_80 = arith.index_cast %mul3A_79 : i32 to index
      %swap3A_81 = tpu.vector_load %arg7[%swap3A_80] {strides = array<i32>} : memref<80xi32, #tpu.memory_space<vmem>>, vector<16xi32>,
      %swap3A_82 = vector.shape_cast %swap3A_81 : vector<16xi32> to vector<16xi32>
      %swap3A_83 = vector.shape_cast %shift_right_arithmetic3A_77 : vector<16xi32> to vector<16xi32>
      tpu.vector_store %arg7[%swap3A_80], %swap3A_83 {strides = array<i32>} : memref<80xi32, #tpu.memory_space<vmem>>, vector<16xi32>,
    }
    %scan3A_17 = arith.constant 5 : i32
    %dma_start3A = arith.constant 0 : i32
    %dma_start3A_18 = arith.constant 0 : i32
    %dma_start3A_19 = tpu.memref_slice %arg2[%arg0, %dma_start3A, %dma_start3A_18] : memref<2x10000x128xf32, #tpu.memory_space<hbm>> -> memref<1x10000x128xf32, #tpu.memory_space<hbm>>
    %dma_start3A_20 = tpu.memref_squeeze %dma_start3A_19 : memref<1x10000x128xf32, #tpu.memory_space<hbm>> -> memref<10000x128xf32, #tpu.memory_space<hbm>>
    %dma_start3A_21 = arith.constant 0 : i32
    %dma_start3A_22 = arith.constant 0 : i32
    %dma_start3A_23 = tpu.memref_slice %dma_start3A_20[%dma_start3A_21, %dma_start3A_22] : memref<10000x128xf32, #tpu.memory_space<hbm>> -> memref<10000x128xf32, #tpu.memory_space<hbm>>
    tpu.enqueue_indirect_dma source(%dma_start3A_23 : memref<10000x128xf32, #tpu.memory_space<hbm>>) target(%arg10 : memref<80x128xf32, #tpu.memory_space<vmem>>) offsets(%arg6 : memref<80xi32, #tpu.memory_space<vmem>>) semaphore(%arg13 : memref<!tpu.dma_semaphore, #tpu.memory_space<semaphore_mem>>)
    %scan3A_24 = arith.constant 0 : i32
    %scan3A_25 = arith.constant 124 : i32
    %scan3A_26 = arith.addi %scan3A_24, %scan3A_25 : i32
    %scan3A_27 = arith.constant 1 : i32
    scf.for %scan3A_60 = %scan3A_24 to %scan3A_26 step %scan3A_27  : i32 {
      %mul3A_61 = arith.constant 2 : i32
      %mul3A_62 = arith.muli %scan3A_60, %mul3A_61 : i32
      %add3A_63 = arith.constant 0 : i32
      %add3A_64 = arith.addi %add3A_63, %mul3A_62 : i32
      %add3A_65 = arith.constant 1 : i32
      %add3A_66 = arith.addi %add3A_64, %add3A_65 : i32
      %scan3A_67 = arith.constant 0 : i32
      %scan3A_68 = arith.constant 5 : i32
      %scan3A_69 = arith.addi %scan3A_67, %scan3A_68 : i32
      %scan3A_70 = arith.constant 1 : i32
      scf.for %scan3A_107 = %scan3A_67 to %scan3A_69 step %scan3A_70  : i32 {
        %mul3A_108 = arith.constant 1 : i32
        %mul3A_109 = arith.muli %scan3A_107, %mul3A_108 : i32
        %add3A_110 = arith.constant 0 : i32
        %add3A_111 = arith.addi %add3A_110, %mul3A_109 : i32
        %mul3A_112 = arith.constant 16 : i32
        %mul3A_113 = arith.muli %add3A_111, %mul3A_112 : i32
        %get3A = arith.index_cast %add3A_66 : i32 to index
        %get3A_114 = arith.index_cast %mul3A_113 : i32 to index
        %get3A_115 = tpu.vector_load %arg5[%get3A, %get3A_114] {strides = array<i32>} : memref<250x80xi32, #tpu.memory_space<vmem>>, vector<1x16xi32>,
        %get3A_116 = vector.shape_cast %get3A_115 : vector<1x16xi32> to vector<16xi32>
        %and3A = arith.andi %get3A_116, %broadcast_in_dim3A_12 : vector<16xi32>
        %mul3A_117 = arith.constant 16 : i32
        %mul3A_118 = arith.muli %add3A_111, %mul3A_117 : i32
        %swap3A = arith.index_cast %mul3A_118 : i32 to index
        %swap3A_119 = tpu.vector_load %arg8[%swap3A] {strides = array<i32>} : memref<80xi32, #tpu.memory_space<vmem>>, vector<16xi32>,
        %swap3A_120 = vector.shape_cast %swap3A_119 : vector<16xi32> to vector<16xi32>
        %swap3A_121 = vector.shape_cast %and3A : vector<16xi32> to vector<16xi32>
        tpu.vector_store %arg8[%swap3A], %swap3A_121 {strides = array<i32>} : memref<80xi32, #tpu.memory_space<vmem>>, vector<16xi32>,
        %shift_right_arithmetic3A = arith.constant 15 : i32
        %shift_right_arithmetic3A_122 = vector.broadcast %shift_right_arithmetic3A : i32 to vector<16xi32>
        %shift_right_arithmetic3A_123 = arith.shrsi %get3A_116, %shift_right_arithmetic3A_122 : vector<16xi32>
        %mul3A_124 = arith.constant 16 : i32
        %mul3A_125 = arith.muli %add3A_111, %mul3A_124 : i32
        %swap3A_126 = arith.index_cast %mul3A_125 : i32 to index
        %swap3A_127 = tpu.vector_load %arg9[%swap3A_126] {strides = array<i32>} : memref<80xi32, #tpu.memory_space<vmem>>, vector<16xi32>,
        %swap3A_128 = vector.shape_cast %swap3A_127 : vector<16xi32> to vector<16xi32>
        %swap3A_129 = vector.shape_cast %shift_right_arithmetic3A_123 : vector<16xi32> to vector<16xi32>
        tpu.vector_store %arg9[%swap3A_126], %swap3A_129 {strides = array<i32>} : memref<80xi32, #tpu.memory_space<vmem>>, vector<16xi32>,
      }
      %scan3A_71 = arith.constant 5 : i32
      %dma_start3A_72 = arith.constant 0 : i32
      %dma_start3A_73 = arith.constant 0 : i32
      %dma_start3A_74 = tpu.memref_slice %arg2[%arg0, %dma_start3A_72, %dma_start3A_73] : memref<2x10000x128xf32, #tpu.memory_space<hbm>> -> memref<1x10000x128xf32, #tpu.memory_space<hbm>>
      %dma_start3A_75 = tpu.memref_squeeze %dma_start3A_74 : memref<1x10000x128xf32, #tpu.memory_space<hbm>> -> memref<10000x128xf32, #tpu.memory_space<hbm>>
      %dma_start3A_76 = arith.constant 0 : i32
      %dma_start3A_77 = arith.constant 0 : i32
      %dma_start3A_78 = tpu.memref_slice %dma_start3A_75[%dma_start3A_76, %dma_start3A_77] : memref<10000x128xf32, #tpu.memory_space<hbm>> -> memref<10000x128xf32, #tpu.memory_space<hbm>>
      tpu.enqueue_indirect_dma source(%dma_start3A_78 : memref<10000x128xf32, #tpu.memory_space<hbm>>) target(%arg11 : memref<80x128xf32, #tpu.memory_space<vmem>>) offsets(%arg8 : memref<80xi32, #tpu.memory_space<vmem>>) semaphore(%arg14 : memref<!tpu.dma_semaphore, #tpu.memory_space<semaphore_mem>>)
      %dma_wait3A_79 = arith.constant 0 : i32
      %dma_wait3A_80 = arith.constant 0 : i32
      %dma_wait3A_81 = tpu.memref_slice %arg2[%arg0, %dma_wait3A_79, %dma_wait3A_80] : memref<2x10000x128xf32, #tpu.memory_space<hbm>> -> memref<1x10000x128xf32, #tpu.memory_space<hbm>>
      %dma_wait3A_82 = tpu.memref_squeeze %dma_wait3A_81 : memref<1x10000x128xf32, #tpu.memory_space<hbm>> -> memref<10000x128xf32, #tpu.memory_space<hbm>>
      %dma_wait3A_83 = arith.constant 0 : i32
      %dma_wait3A_84 = arith.constant 0 : i32
      %dma_wait3A_85 = tpu.memref_slice %dma_wait3A_82[%dma_wait3A_83, %dma_wait3A_84] : memref<10000x128xf32, #tpu.memory_space<hbm>> -> memref<10000x128xf32, #tpu.memory_space<hbm>>
      tpu.wait_indirect_dma semaphore(%arg13 : memref<!tpu.dma_semaphore, #tpu.memory_space<semaphore_mem>>) src(%dma_wait3A_85 : memref<10000x128xf32, #tpu.memory_space<hbm>>) dst(%arg10 : memref<80x128xf32, #tpu.memory_space<vmem>>)
      "tpu.region"() ({
        %run_scoped3A = tpu.sem_alloc : memref<!tpu.dma_semaphore, #tpu.memory_space<semaphore_mem>>
        %dma_start3A_107 = arith.constant 0 : i32
        %dma_start3A_108 = arith.constant 0 : i32
        %dma_start3A_109 = tpu.memref_slice %arg12[%dma_start3A_107, %dma_start3A_108] : memref<10000x128xf32, #tpu.memory_space<vmem_shared>> -> memref<10000x128xf32, #tpu.memory_space<vmem_shared>>
        tpu.enqueue_indirect_dma source(%arg10 : memref<80x128xf32, #tpu.memory_space<vmem>>) target(%dma_start3A_109 : memref<10000x128xf32, #tpu.memory_space<vmem_shared>>) offsets(%arg7 : memref<80xi32, #tpu.memory_space<vmem>>) semaphore(%run_scoped3A : memref<!tpu.dma_semaphore, #tpu.memory_space<semaphore_mem>>) {add = true}
        %dma_wait3A_110 = arith.constant 0 : i32
        %dma_wait3A_111 = arith.constant 0 : i32
        %dma_wait3A_112 = tpu.memref_slice %arg12[%dma_wait3A_110, %dma_wait3A_111] : memref<10000x128xf32, #tpu.memory_space<vmem_shared>> -> memref<10000x128xf32, #tpu.memory_space<vmem_shared>>
        tpu.wait_indirect_dma semaphore(%run_scoped3A : memref<!tpu.dma_semaphore, #tpu.memory_space<semaphore_mem>>) src(%arg10 : memref<80x128xf32, #tpu.memory_space<vmem>>) dst(%dma_wait3A_112 : memref<10000x128xf32, #tpu.memory_space<vmem_shared>>)
        tpu.yield
      }) : () -> ()
      %add3A_86 = arith.constant 2 : i32
      %add3A_87 = arith.addi %add3A_64, %add3A_86 : i32
      %scan3A_88 = arith.constant 0 : i32
      %scan3A_89 = arith.constant 5 : i32
      %scan3A_90 = arith.addi %scan3A_88, %scan3A_89 : i32
      %scan3A_91 = arith.constant 1 : i32
      scf.for %scan3A_107 = %scan3A_88 to %scan3A_90 step %scan3A_91  : i32 {
        %mul3A_108 = arith.constant 1 : i32
        %mul3A_109 = arith.muli %scan3A_107, %mul3A_108 : i32
        %add3A_110 = arith.constant 0 : i32
        %add3A_111 = arith.addi %add3A_110, %mul3A_109 : i32
        %mul3A_112 = arith.constant 16 : i32
        %mul3A_113 = arith.muli %add3A_111, %mul3A_112 : i32
        %get3A = arith.index_cast %add3A_87 : i32 to index
        %get3A_114 = arith.index_cast %mul3A_113 : i32 to index
        %get3A_115 = tpu.vector_load %arg5[%get3A, %get3A_114] {strides = array<i32>} : memref<250x80xi32, #tpu.memory_space<vmem>>, vector<1x16xi32>,
        %get3A_116 = vector.shape_cast %get3A_115 : vector<1x16xi32> to vector<16xi32>
        %and3A = arith.andi %get3A_116, %broadcast_in_dim3A_12 : vector<16xi32>
        %mul3A_117 = arith.constant 16 : i32
        %mul3A_118 = arith.muli %add3A_111, %mul3A_117 : i32
        %swap3A = arith.index_cast %mul3A_118 : i32 to index
        %swap3A_119 = tpu.vector_load %arg6[%swap3A] {strides = array<i32>} : memref<80xi32, #tpu.memory_space<vmem>>, vector<16xi32>,
        %swap3A_120 = vector.shape_cast %swap3A_119 : vector<16xi32> to vector<16xi32>
        %swap3A_121 = vector.shape_cast %and3A : vector<16xi32> to vector<16xi32>
        tpu.vector_store %arg6[%swap3A], %swap3A_121 {strides = array<i32>} : memref<80xi32, #tpu.memory_space<vmem>>, vector<16xi32>,
        %shift_right_arithmetic3A = arith.constant 15 : i32
        %shift_right_arithmetic3A_122 = vector.broadcast %shift_right_arithmetic3A : i32 to vector<16xi32>
        %shift_right_arithmetic3A_123 = arith.shrsi %get3A_116, %shift_right_arithmetic3A_122 : vector<16xi32>
        %mul3A_124 = arith.constant 16 : i32
        %mul3A_125 = arith.muli %add3A_111, %mul3A_124 : i32
        %swap3A_126 = arith.index_cast %mul3A_125 : i32 to index
        %swap3A_127 = tpu.vector_load %arg7[%swap3A_126] {strides = array<i32>} : memref<80xi32, #tpu.memory_space<vmem>>, vector<16xi32>,
        %swap3A_128 = vector.shape_cast %swap3A_127 : vector<16xi32> to vector<16xi32>
        %swap3A_129 = vector.shape_cast %shift_right_arithmetic3A_123 : vector<16xi32> to vector<16xi32>
        tpu.vector_store %arg7[%swap3A_126], %swap3A_129 {strides = array<i32>} : memref<80xi32, #tpu.memory_space<vmem>>, vector<16xi32>,
      }
      %scan3A_92 = arith.constant 5 : i32
      %dma_start3A_93 = arith.constant 0 : i32
      %dma_start3A_94 = arith.constant 0 : i32
      %dma_start3A_95 = tpu.memref_slice %arg2[%arg0, %dma_start3A_93, %dma_start3A_94] : memref<2x10000x128xf32, #tpu.memory_space<hbm>> -> memref<1x10000x128xf32, #tpu.memory_space<hbm>>
      %dma_start3A_96 = tpu.memref_squeeze %dma_start3A_95 : memref<1x10000x128xf32, #tpu.memory_space<hbm>> -> memref<10000x128xf32, #tpu.memory_space<hbm>>
      %dma_start3A_97 = arith.constant 0 : i32
      %dma_start3A_98 = arith.constant 0 : i32
      %dma_start3A_99 = tpu.memref_slice %dma_start3A_96[%dma_start3A_97, %dma_start3A_98] : memref<10000x128xf32, #tpu.memory_space<hbm>> -> memref<10000x128xf32, #tpu.memory_space<hbm>>
      tpu.enqueue_indirect_dma source(%dma_start3A_99 : memref<10000x128xf32, #tpu.memory_space<hbm>>) target(%arg10 : memref<80x128xf32, #tpu.memory_space<vmem>>) offsets(%arg6 : memref<80xi32, #tpu.memory_space<vmem>>) semaphore(%arg13 : memref<!tpu.dma_semaphore, #tpu.memory_space<semaphore_mem>>)
      %dma_wait3A_100 = arith.constant 0 : i32
      %dma_wait3A_101 = arith.constant 0 : i32
      %dma_wait3A_102 = tpu.memref_slice %arg2[%arg0, %dma_wait3A_100, %dma_wait3A_101] : memref<2x10000x128xf32, #tpu.memory_space<hbm>> -> memref<1x10000x128xf32, #tpu.memory_space<hbm>>
      %dma_wait3A_103 = tpu.memref_squeeze %dma_wait3A_102 : memref<1x10000x128xf32, #tpu.memory_space<hbm>> -> memref<10000x128xf32, #tpu.memory_space<hbm>>
      %dma_wait3A_104 = arith.constant 0 : i32
      %dma_wait3A_105 = arith.constant 0 : i32
      %dma_wait3A_106 = tpu.memref_slice %dma_wait3A_103[%dma_wait3A_104, %dma_wait3A_105] : memref<10000x128xf32, #tpu.memory_space<hbm>> -> memref<10000x128xf32, #tpu.memory_space<hbm>>
      tpu.wait_indirect_dma semaphore(%arg14 : memref<!tpu.dma_semaphore, #tpu.memory_space<semaphore_mem>>) src(%dma_wait3A_106 : memref<10000x128xf32, #tpu.memory_space<hbm>>) dst(%arg11 : memref<80x128xf32, #tpu.memory_space<vmem>>)
      "tpu.region"() ({
        %run_scoped3A = tpu.sem_alloc : memref<!tpu.dma_semaphore, #tpu.memory_space<semaphore_mem>>
        %dma_start3A_107 = arith.constant 0 : i32
        %dma_start3A_108 = arith.constant 0 : i32
        %dma_start3A_109 = tpu.memref_slice %arg12[%dma_start3A_107, %dma_start3A_108] : memref<10000x128xf32, #tpu.memory_space<vmem_shared>> -> memref<10000x128xf32, #tpu.memory_space<vmem_shared>>
        tpu.enqueue_indirect_dma source(%arg11 : memref<80x128xf32, #tpu.memory_space<vmem>>) target(%dma_start3A_109 : memref<10000x128xf32, #tpu.memory_space<vmem_shared>>) offsets(%arg9 : memref<80xi32, #tpu.memory_space<vmem>>) semaphore(%run_scoped3A : memref<!tpu.dma_semaphore, #tpu.memory_space<semaphore_mem>>) {add = true}
        %dma_wait3A_110 = arith.constant 0 : i32
        %dma_wait3A_111 = arith.constant 0 : i32
        %dma_wait3A_112 = tpu.memref_slice %arg12[%dma_wait3A_110, %dma_wait3A_111] : memref<10000x128xf32, #tpu.memory_space<vmem_shared>> -> memref<10000x128xf32, #tpu.memory_space<vmem_shared>>
        tpu.wait_indirect_dma semaphore(%run_scoped3A : memref<!tpu.dma_semaphore, #tpu.memory_space<semaphore_mem>>) src(%arg11 : memref<80x128xf32, #tpu.memory_space<vmem>>) dst(%dma_wait3A_112 : memref<10000x128xf32, #tpu.memory_space<vmem_shared>>)
        tpu.yield
      }) : () -> ()
    }
    %scan3A_28 = arith.constant 124 : i32
    %scan3A_29 = arith.constant 0 : i32
    %scan3A_30 = arith.constant 5 : i32
    %scan3A_31 = arith.addi %scan3A_29, %scan3A_30 : i32
    %scan3A_32 = arith.constant 1 : i32
    scf.for %scan3A_60 = %scan3A_29 to %scan3A_31 step %scan3A_32  : i32 {
      %mul3A_61 = arith.constant 1 : i32
      %mul3A_62 = arith.muli %scan3A_60, %mul3A_61 : i32
      %add3A_63 = arith.constant 0 : i32
      %add3A_64 = arith.addi %add3A_63, %mul3A_62 : i32
      %mul3A_65 = arith.constant 16 : i32
      %mul3A_66 = arith.muli %add3A_64, %mul3A_65 : i32
      %get3A = arith.constant 249 : i32
      %get3A_67 = arith.index_cast %get3A : i32 to index
      %get3A_68 = arith.index_cast %mul3A_66 : i32 to index
      %get3A_69 = tpu.vector_load %arg5[%get3A_67, %get3A_68] {strides = array<i32>} : memref<250x80xi32, #tpu.memory_space<vmem>>, vector<1x16xi32>,
      %get3A_70 = vector.shape_cast %get3A_69 : vector<1x16xi32> to vector<16xi32>
      %and3A = arith.andi %get3A_70, %broadcast_in_dim3A_12 : vector<16xi32>
      %mul3A_71 = arith.constant 16 : i32
      %mul3A_72 = arith.muli %add3A_64, %mul3A_71 : i32
      %swap3A = arith.index_cast %mul3A_72 : i32 to index
      %swap3A_73 = tpu.vector_load %arg8[%swap3A] {strides = array<i32>} : memref<80xi32, #tpu.memory_space<vmem>>, vector<16xi32>,
      %swap3A_74 = vector.shape_cast %swap3A_73 : vector<16xi32> to vector<16xi32>
      %swap3A_75 = vector.shape_cast %and3A : vector<16xi32> to vector<16xi32>
      tpu.vector_store %arg8[%swap3A], %swap3A_75 {strides = array<i32>} : memref<80xi32, #tpu.memory_space<vmem>>, vector<16xi32>,
      %shift_right_arithmetic3A = arith.constant 15 : i32
      %shift_right_arithmetic3A_76 = vector.broadcast %shift_right_arithmetic3A : i32 to vector<16xi32>
      %shift_right_arithmetic3A_77 = arith.shrsi %get3A_70, %shift_right_arithmetic3A_76 : vector<16xi32>
      %mul3A_78 = arith.constant 16 : i32
      %mul3A_79 = arith.muli %add3A_64, %mul3A_78 : i32
      %swap3A_80 = arith.index_cast %mul3A_79 : i32 to index
      %swap3A_81 = tpu.vector_load %arg9[%swap3A_80] {strides = array<i32>} : memref<80xi32, #tpu.memory_space<vmem>>, vector<16xi32>,
      %swap3A_82 = vector.shape_cast %swap3A_81 : vector<16xi32> to vector<16xi32>
      %swap3A_83 = vector.shape_cast %shift_right_arithmetic3A_77 : vector<16xi32> to vector<16xi32>
      tpu.vector_store %arg9[%swap3A_80], %swap3A_83 {strides = array<i32>} : memref<80xi32, #tpu.memory_space<vmem>>, vector<16xi32>,
    }
    %scan3A_33 = arith.constant 5 : i32
    %dma_start3A_34 = arith.constant 0 : i32
    %dma_start3A_35 = arith.constant 0 : i32
    %dma_start3A_36 = tpu.memref_slice %arg2[%arg0, %dma_start3A_34, %dma_start3A_35] : memref<2x10000x128xf32, #tpu.memory_space<hbm>> -> memref<1x10000x128xf32, #tpu.memory_space<hbm>>
    %dma_start3A_37 = tpu.memref_squeeze %dma_start3A_36 : memref<1x10000x128xf32, #tpu.memory_space<hbm>> -> memref<10000x128xf32, #tpu.memory_space<hbm>>
    %dma_start3A_38 = arith.constant 0 : i32
    %dma_start3A_39 = arith.constant 0 : i32
    %dma_start3A_40 = tpu.memref_slice %dma_start3A_37[%dma_start3A_38, %dma_start3A_39] : memref<10000x128xf32, #tpu.memory_space<hbm>> -> memref<10000x128xf32, #tpu.memory_space<hbm>>
    tpu.enqueue_indirect_dma source(%dma_start3A_40 : memref<10000x128xf32, #tpu.memory_space<hbm>>) target(%arg11 : memref<80x128xf32, #tpu.memory_space<vmem>>) offsets(%arg8 : memref<80xi32, #tpu.memory_space<vmem>>) semaphore(%arg14 : memref<!tpu.dma_semaphore, #tpu.memory_space<semaphore_mem>>)
    %dma_wait3A = arith.constant 0 : i32
    %dma_wait3A_41 = arith.constant 0 : i32
    %dma_wait3A_42 = tpu.memref_slice %arg2[%arg0, %dma_wait3A, %dma_wait3A_41] : memref<2x10000x128xf32, #tpu.memory_space<hbm>> -> memref<1x10000x128xf32, #tpu.memory_space<hbm>>
    %dma_wait3A_43 = tpu.memref_squeeze %dma_wait3A_42 : memref<1x10000x128xf32, #tpu.memory_space<hbm>> -> memref<10000x128xf32, #tpu.memory_space<hbm>>
    %dma_wait3A_44 = arith.constant 0 : i32
    %dma_wait3A_45 = arith.constant 0 : i32
    %dma_wait3A_46 = tpu.memref_slice %dma_wait3A_43[%dma_wait3A_44, %dma_wait3A_45] : memref<10000x128xf32, #tpu.memory_space<hbm>> -> memref<10000x128xf32, #tpu.memory_space<hbm>>
    tpu.wait_indirect_dma semaphore(%arg13 : memref<!tpu.dma_semaphore, #tpu.memory_space<semaphore_mem>>) src(%dma_wait3A_46 : memref<10000x128xf32, #tpu.memory_space<hbm>>) dst(%arg10 : memref<80x128xf32, #tpu.memory_space<vmem>>)
    "tpu.region"() ({
      %run_scoped3A = tpu.sem_alloc : memref<!tpu.dma_semaphore, #tpu.memory_space<semaphore_mem>>
      %dma_start3A_60 = arith.constant 0 : i32
      %dma_start3A_61 = arith.constant 0 : i32
      %dma_start3A_62 = tpu.memref_slice %arg12[%dma_start3A_60, %dma_start3A_61] : memref<10000x128xf32, #tpu.memory_space<vmem_shared>> -> memref<10000x128xf32, #tpu.memory_space<vmem_shared>>
      tpu.enqueue_indirect_dma source(%arg10 : memref<80x128xf32, #tpu.memory_space<vmem>>) target(%dma_start3A_62 : memref<10000x128xf32, #tpu.memory_space<vmem_shared>>) offsets(%arg7 : memref<80xi32, #tpu.memory_space<vmem>>) semaphore(%run_scoped3A : memref<!tpu.dma_semaphore, #tpu.memory_space<semaphore_mem>>) {add = true}
      %dma_wait3A_63 = arith.constant 0 : i32
      %dma_wait3A_64 = arith.constant 0 : i32
      %dma_wait3A_65 = tpu.memref_slice %arg12[%dma_wait3A_63, %dma_wait3A_64] : memref<10000x128xf32, #tpu.memory_space<vmem_shared>> -> memref<10000x128xf32, #tpu.memory_space<vmem_shared>>
      tpu.wait_indirect_dma semaphore(%run_scoped3A : memref<!tpu.dma_semaphore, #tpu.memory_space<semaphore_mem>>) src(%arg10 : memref<80x128xf32, #tpu.memory_space<vmem>>) dst(%dma_wait3A_65 : memref<10000x128xf32, #tpu.memory_space<vmem_shared>>)
      tpu.yield
    }) : () -> ()
    %dma_wait3A_47 = arith.constant 0 : i32
    %dma_wait3A_48 = arith.constant 0 : i32
    %dma_wait3A_49 = tpu.memref_slice %arg2[%arg0, %dma_wait3A_47, %dma_wait3A_48] : memref<2x10000x128xf32, #tpu.memory_space<hbm>> -> memref<1x10000x128xf32, #tpu.memory_space<hbm>>
    %dma_wait3A_50 = tpu.memref_squeeze %dma_wait3A_49 : memref<1x10000x128xf32, #tpu.memory_space<hbm>> -> memref<10000x128xf32, #tpu.memory_space<hbm>>
    %dma_wait3A_51 = arith.constant 0 : i32
    %dma_wait3A_52 = arith.constant 0 : i32
    %dma_wait3A_53 = tpu.memref_slice %dma_wait3A_50[%dma_wait3A_51, %dma_wait3A_52] : memref<10000x128xf32, #tpu.memory_space<hbm>> -> memref<10000x128xf32, #tpu.memory_space<hbm>>
    tpu.wait_indirect_dma semaphore(%arg14 : memref<!tpu.dma_semaphore, #tpu.memory_space<semaphore_mem>>) src(%dma_wait3A_53 : memref<10000x128xf32, #tpu.memory_space<hbm>>) dst(%arg11 : memref<80x128xf32, #tpu.memory_space<vmem>>)
    "tpu.region"() ({
      %run_scoped3A = tpu.sem_alloc : memref<!tpu.dma_semaphore, #tpu.memory_space<semaphore_mem>>
      %dma_start3A_60 = arith.constant 0 : i32
      %dma_start3A_61 = arith.constant 0 : i32
      %dma_start3A_62 = tpu.memref_slice %arg12[%dma_start3A_60, %dma_start3A_61] : memref<10000x128xf32, #tpu.memory_space<vmem_shared>> -> memref<10000x128xf32, #tpu.memory_space<vmem_shared>>
      tpu.enqueue_indirect_dma source(%arg11 : memref<80x128xf32, #tpu.memory_space<vmem>>) target(%dma_start3A_62 : memref<10000x128xf32, #tpu.memory_space<vmem_shared>>) offsets(%arg9 : memref<80xi32, #tpu.memory_space<vmem>>) semaphore(%run_scoped3A : memref<!tpu.dma_semaphore, #tpu.memory_space<semaphore_mem>>) {add = true}
      %dma_wait3A_63 = arith.constant 0 : i32
      %dma_wait3A_64 = arith.constant 0 : i32
      %dma_wait3A_65 = tpu.memref_slice %arg12[%dma_wait3A_63, %dma_wait3A_64] : memref<10000x128xf32, #tpu.memory_space<vmem_shared>> -> memref<10000x128xf32, #tpu.memory_space<vmem_shared>>
      tpu.wait_indirect_dma semaphore(%run_scoped3A : memref<!tpu.dma_semaphore, #tpu.memory_space<semaphore_mem>>) src(%arg11 : memref<80x128xf32, #tpu.memory_space<vmem>>) dst(%dma_wait3A_65 : memref<10000x128xf32, #tpu.memory_space<vmem_shared>>)
      tpu.yield
    }) : () -> ()
    %barrier3A_54 = arith.constant 0 : index
    tpu.barrier barrier_id(%barrier3A_54)
    %mul3A_55 = arith.constant 625 : i32
    %mul3A_56 = arith.muli %arg1, %mul3A_55 : i32
    %mul3A_57 = arith.constant 10000 : i32
    %mul3A_58 = arith.muli %arg0, %mul3A_57 : i32
    %add3A_59 = arith.addi %mul3A_58, %mul3A_56 : i32
    "tpu.region"() ({
      %run_scoped3A = tpu.sem_alloc : memref<!tpu.dma_semaphore, #tpu.memory_space<semaphore_mem>>
      %dma_start3A_60 = arith.constant 0 : i32
      %dma_start3A_61 = tpu.memref_slice %arg4[%add3A_59, %dma_start3A_60] : memref<20000x128xf32, #tpu.memory_space<hbm>> -> memref<625x128xf32, #tpu.memory_space<hbm>>
      %dma_start3A_62 = arith.constant 0 : i32
      %dma_start3A_63 = tpu.memref_slice %arg12[%mul3A_56, %dma_start3A_62] : memref<10000x128xf32, #tpu.memory_space<vmem_shared>> -> memref<625x128xf32, #tpu.memory_space<vmem_shared>>
      tpu.enqueue_dma source(%dma_start3A_63 : memref<625x128xf32, #tpu.memory_space<vmem_shared>>) target(%dma_start3A_61 : memref<625x128xf32, #tpu.memory_space<hbm>>) target_semaphore(%run_scoped3A : memref<!tpu.dma_semaphore, #tpu.memory_space<semaphore_mem>>)
      %dma_wait3A_64 = arith.constant 0 : i32
      %dma_wait3A_65 = tpu.memref_slice %arg4[%add3A_59, %dma_wait3A_64] : memref<20000x128xf32, #tpu.memory_space<hbm>> -> memref<625x128xf32, #tpu.memory_space<hbm>>
      %dma_wait3A_66 = arith.constant 0 : i32
      %dma_wait3A_67 = tpu.memref_slice %arg12[%mul3A_56, %dma_wait3A_66] : memref<10000x128xf32, #tpu.memory_space<vmem_shared>> -> memref<625x128xf32, #tpu.memory_space<vmem_shared>>
      tpu.wait_dma2 semaphore(%run_scoped3A : memref<!tpu.dma_semaphore, #tpu.memory_space<semaphore_mem>>) src(%dma_wait3A_67 : memref<625x128xf32, #tpu.memory_space<vmem_shared>>) dst(%dma_wait3A_65 : memref<625x128xf32, #tpu.memory_space<hbm>>)
      tpu.yield
    }) : () -> ()
    return
  }
}

module attributes {stable_mosaic.version = 14 : i64} {
  func.func @body(%arg0: i32, %arg1: i32, %arg2: memref<1000x128xf32, #tpu.memory_space<vmem>>, %arg3: memref<1000x128xf32, #tpu.memory_space<vmem>>, %arg4: memref<1000x16xf32, #tpu.memory_space<vmem>>, %arg5: memref<1000x16xf32, #tpu.memory_space<vmem>>, %arg6: memref<1000x128xf32, #tpu.memory_space<vmem>>, %arg7: memref<128x128xf32, #tpu.memory_space<vmem>>, %arg8: memref<128x128xf32, #tpu.memory_space<vmem>>, %arg9: memref<1x128xf32, #tpu.memory_space<vmem>>, %arg10: memref<1x1000x128xf32, #tpu.memory_space<vmem>>) attributes {dimension_semantics = [#tpu.dimension_semantics<arbitrary>, #tpu.dimension_semantics<arbitrary>], iteration_bounds = array<i64: 2, 10>, scalar_prefetch = 0 : i64, scratch_operands = 0 : i64, tpu.core_type = #tpu.core_type<tc>, window_params = [{transform_indices = @transform_0, window_bounds = array<i64: 1000, 128>}, {transform_indices = @transform_1, window_bounds = array<i64: 1000, 128>}, {transform_indices = @transform_2, window_bounds = array<i64: 1000, 16>}, {transform_indices = @transform_3, window_bounds = array<i64: 1000, 16>}, {transform_indices = @transform_4, window_bounds = array<i64: 1000, 128>}, {transform_indices = @transform_5, window_bounds = array<i64: 128, 128>}, {transform_indices = @transform_6, window_bounds = array<i64: 128, 128>}, {transform_indices = @transform_7, window_bounds = array<i64: 1, 128>}, {transform_indices = @transform_8, window_bounds = array<i64: 1, 1000, 128>}]} {
    %get3A = arith.constant 0 : index
    %get3A_0 = arith.constant 0 : index
    %get3A_1 = vector.load %arg4[%get3A, %get3A_0] : memref<1000x16xf32, #tpu.memory_space<vmem>>, vector<1000x1xf32>
    %get3A_2 = arith.constant 0 : index
    %get3A_3 = arith.constant 0 : index
    %get3A_4 = vector.load %arg5[%get3A_2, %get3A_3] : memref<1000x16xf32, #tpu.memory_space<vmem>>, vector<1000x1xf32>
    %add3A = arith.addf %get3A_1, %get3A_4 : vector<1000x1xf32>
    %max3A = arith.constant 1.000000e+00 : f32
    %max3A_5 = vector.broadcast %max3A : f32 to vector<1000x1xf32>
    %max3A_6 = arith.maximumf %add3A, %max3A_5 : vector<1000x1xf32>
    %get3A_7 = arith.constant 0 : index
    %get3A_8 = arith.constant 0 : index
    %get3A_9 = vector.load %arg2[%get3A_7, %get3A_8] : memref<1000x128xf32, #tpu.memory_space<vmem>>, vector<1000x128xf32>
    %get3A_10 = arith.constant 0 : index
    %get3A_11 = arith.constant 0 : index
    %get3A_12 = vector.load %arg3[%get3A_10, %get3A_11] : memref<1000x128xf32, #tpu.memory_space<vmem>>, vector<1000x128xf32>
    %add3A_13 = arith.addf %get3A_9, %get3A_12 : vector<1000x128xf32>
    %div3A = vector.broadcast %max3A_6 : vector<1000x1xf32> to vector<1000x128xf32>
    %div3A_14 = arith.divf %add3A_13, %div3A : vector<1000x128xf32>
    %get3A_15 = arith.constant 0 : index
    %get3A_16 = arith.constant 0 : index
    %get3A_17 = vector.load %arg7[%get3A_15, %get3A_16] : memref<128x128xf32, #tpu.memory_space<vmem>>, vector<128x128xf32>
    %dot_general3A = arith.constant dense<0.000000e+00> : vector<1000x128xf32>
    %dot_general3A_18 = tpu.matmul %div3A_14, %get3A_17, %dot_general3A {dimension_numbers = #tpu.dot_dimension_numbers<[1], [0], [0], [1], [0, 0, 1, 1], [], []>, transpose_lhs_hint = false} : vector<1000x128xf32>, vector<128x128xf32>, vector<1000x128xf32> -> vector<1000x128xf32>
    %get3A_19 = arith.constant 0 : index
    %get3A_20 = arith.constant 0 : index
    %get3A_21 = vector.load %arg6[%get3A_19, %get3A_20] : memref<1000x128xf32, #tpu.memory_space<vmem>>, vector<1000x128xf32>
    %get3A_22 = arith.constant 0 : index
    %get3A_23 = arith.constant 0 : index
    %get3A_24 = vector.load %arg8[%get3A_22, %get3A_23] : memref<128x128xf32, #tpu.memory_space<vmem>>, vector<128x128xf32>
    %dot_general3A_25 = arith.constant dense<0.000000e+00> : vector<1000x128xf32>
    %dot_general3A_26 = tpu.matmul %get3A_21, %get3A_24, %dot_general3A_25 {dimension_numbers = #tpu.dot_dimension_numbers<[1], [0], [0], [1], [0, 0, 1, 1], [], []>, transpose_lhs_hint = false} : vector<1000x128xf32>, vector<128x128xf32>, vector<1000x128xf32> -> vector<1000x128xf32>
    %add3A_27 = arith.addf %dot_general3A_18, %dot_general3A_26 : vector<1000x128xf32>
    %get3A_28 = arith.constant 0 : index
    %get3A_29 = arith.constant 0 : index
    %get3A_30 = vector.load %arg9[%get3A_28, %get3A_29] : memref<1x128xf32, #tpu.memory_space<vmem>>, vector<1x128xf32>
    %add3A_31 = vector.broadcast %get3A_30 : vector<1x128xf32> to vector<1000x128xf32>
    %add3A_32 = arith.addf %add3A_27, %add3A_31 : vector<1000x128xf32>
    %max3A_33 = arith.constant 0.000000e+00 : f32
    %max3A_34 = vector.broadcast %max3A_33 : f32 to vector<1000x128xf32>
    %max3A_35 = arith.maximumf %add3A_32, %max3A_34 : vector<1000x128xf32>
    %swap3A = arith.constant 0 : index
    %swap3A_36 = arith.constant 0 : index
    %swap3A_37 = arith.constant 0 : index
    %swap3A_38 = vector.load %arg10[%swap3A, %swap3A_36, %swap3A_37] : memref<1x1000x128xf32, #tpu.memory_space<vmem>>, vector<1x1000x128xf32>
    %swap3A_39 = vector.shape_cast %swap3A_38 : vector<1x1000x128xf32> to vector<1000x128xf32>
    %swap3A_40 = vector.shape_cast %max3A_35 : vector<1000x128xf32> to vector<1x1000x128xf32>
    tpu.vector_store %arg10[%swap3A, %swap3A_36, %swap3A_37], %swap3A_40 {strides = array<i32>} : memref<1x1000x128xf32, #tpu.memory_space<vmem>>, vector<1x1000x128xf32>,
    return
  }
  func.func @transform_0(%arg0: i32, %arg1: i32) -> (i32, i32) {
    %c0_i32 = arith.constant 0 : i32
    %c0_i32_0 = arith.constant 0 : i32
    return %arg1, %c0_i32 : i32, i32
  }
  func.func @transform_1(%arg0: i32, %arg1: i32) -> (i32, i32) {
    %add3A = arith.constant 10 : i32
    %add3A_0 = arith.addi %arg1, %add3A : i32
    %c0_i32 = arith.constant 0 : i32
    %c0_i32_1 = arith.constant 0 : i32
    return %add3A_0, %c0_i32 : i32, i32
  }
  func.func @transform_2(%arg0: i32, %arg1: i32) -> (i32, i32) {
    %c0_i32 = arith.constant 0 : i32
    %c0_i32_0 = arith.constant 0 : i32
    return %arg1, %c0_i32 : i32, i32
  }
  func.func @transform_3(%arg0: i32, %arg1: i32) -> (i32, i32) {
    %add3A = arith.constant 10 : i32
    %add3A_0 = arith.addi %arg1, %add3A : i32
    %c0_i32 = arith.constant 0 : i32
    %c0_i32_1 = arith.constant 0 : i32
    return %add3A_0, %c0_i32 : i32, i32
  }
  func.func @transform_4(%arg0: i32, %arg1: i32) -> (i32, i32) {
    %c0_i32 = arith.constant 0 : i32
    %c0_i32_0 = arith.constant 0 : i32
    return %arg1, %c0_i32 : i32, i32
  }
  func.func @transform_5(%arg0: i32, %arg1: i32) -> (i32, i32) {
    %c0_i32 = arith.constant 0 : i32
    %c0_i32_0 = arith.constant 0 : i32
    return %c0_i32, %arg0 : i32, i32
  }
  func.func @transform_6(%arg0: i32, %arg1: i32) -> (i32, i32) {
    %c0_i32 = arith.constant 0 : i32
    %c0_i32_0 = arith.constant 0 : i32
    return %c0_i32, %arg0 : i32, i32
  }
  func.func @transform_7(%arg0: i32, %arg1: i32) -> (i32, i32) {
    %c0_i32 = arith.constant 0 : i32
    %c0_i32_0 = arith.constant 0 : i32
    return %c0_i32, %arg0 : i32, i32
  }
  func.func @transform_8(%arg0: i32, %arg1: i32) -> (i32, i32, i32) {
    %c0_i32 = arith.constant 0 : i32
    %c0_i32_0 = arith.constant 0 : i32
    return %arg0, %arg1, %c0_i32 : i32, i32, i32
  }
}

module attributes {stable_mosaic.version = 14 : i64} {
  func.func @body(%arg0: i32, %arg1: memref<1000x128xf32, #tpu.memory_space<vmem>>, %arg2: memref<1000x128xf32, #tpu.memory_space<vmem>>, %arg3: memref<1000x16xf32, #tpu.memory_space<vmem>>, %arg4: memref<1000x16xf32, #tpu.memory_space<vmem>>, %arg5: memref<1x1000x128xf32, #tpu.memory_space<vmem>>, %arg6: memref<1x1000x128xf32, #tpu.memory_space<vmem>>, %arg7: memref<256x256xf32, #tpu.memory_space<vmem>>, %arg8: memref<256x256xf32, #tpu.memory_space<vmem>>, %arg9: memref<1x256xf32, #tpu.memory_space<vmem>>, %arg10: memref<256x64xf32, #tpu.memory_space<vmem>>, %arg11: memref<256x64xf32, #tpu.memory_space<vmem>>, %arg12: memref<1x64xf32, #tpu.memory_space<vmem>>, %arg13: memref<1000x64xf32, #tpu.memory_space<vmem>>, %arg14: memref<1000x64xf32, #tpu.memory_space<vmem>>) attributes {dimension_semantics = [#tpu.dimension_semantics<arbitrary>], iteration_bounds = array<i64: 10>, scalar_prefetch = 0 : i64, scratch_operands = 0 : i64, tpu.core_type = #tpu.core_type<tc>, window_params = [{transform_indices = @transform_0, window_bounds = array<i64: 1000, 128>}, {transform_indices = @transform_1, window_bounds = array<i64: 1000, 128>}, {transform_indices = @transform_2, window_bounds = array<i64: 1000, 16>}, {transform_indices = @transform_3, window_bounds = array<i64: 1000, 16>}, {transform_indices = @transform_4, window_bounds = array<i64: 1, 1000, 128>}, {transform_indices = @transform_5, window_bounds = array<i64: 1, 1000, 128>}, {pipeline_mode = #tpu.pipeline_mode<synchronous>, transform_indices = @transform_6, window_bounds = array<i64: 256, 256>}, {pipeline_mode = #tpu.pipeline_mode<synchronous>, transform_indices = @transform_7, window_bounds = array<i64: 256, 256>}, {pipeline_mode = #tpu.pipeline_mode<synchronous>, transform_indices = @transform_8, window_bounds = array<i64: 1, 256>}, {pipeline_mode = #tpu.pipeline_mode<synchronous>, transform_indices = @transform_9, window_bounds = array<i64: 256, 64>}, {pipeline_mode = #tpu.pipeline_mode<synchronous>, transform_indices = @transform_10, window_bounds = array<i64: 256, 64>}, {pipeline_mode = #tpu.pipeline_mode<synchronous>, transform_indices = @transform_11, window_bounds = array<i64: 1, 64>}, {transform_indices = @transform_12, window_bounds = array<i64: 1000, 64>}, {transform_indices = @transform_13, window_bounds = array<i64: 1000, 64>}]} {
    %get3A = arith.constant 0 : index
    %get3A_0 = arith.constant 0 : index
    %get3A_1 = vector.load %arg3[%get3A, %get3A_0] : memref<1000x16xf32, #tpu.memory_space<vmem>>, vector<1000x1xf32>
    %get3A_2 = arith.constant 0 : index
    %get3A_3 = arith.constant 0 : index
    %get3A_4 = vector.load %arg4[%get3A_2, %get3A_3] : memref<1000x16xf32, #tpu.memory_space<vmem>>, vector<1000x1xf32>
    %add3A = arith.addf %get3A_1, %get3A_4 : vector<1000x1xf32>
    %max3A = arith.constant 1.000000e+00 : f32
    %max3A_5 = vector.broadcast %max3A : f32 to vector<1000x1xf32>
    %max3A_6 = arith.maximumf %add3A, %max3A_5 : vector<1000x1xf32>
    %get3A_7 = arith.constant 0 : index
    %get3A_8 = arith.constant 0 : index
    %get3A_9 = vector.load %arg7[%get3A_7, %get3A_8] : memref<256x256xf32, #tpu.memory_space<vmem>>, vector<256x256xf32>
    %get3A_10 = arith.constant 0 : index
    %get3A_11 = arith.constant 0 : index
    %get3A_12 = vector.load %arg8[%get3A_10, %get3A_11] : memref<256x256xf32, #tpu.memory_space<vmem>>, vector<256x256xf32>
    %get3A_13 = arith.constant 0 : index
    %get3A_14 = arith.constant 0 : index
    %get3A_15 = vector.load %arg1[%get3A_13, %get3A_14] : memref<1000x128xf32, #tpu.memory_space<vmem>>, vector<1000x128xf32>
    %div3A = vector.broadcast %max3A_6 : vector<1000x1xf32> to vector<1000x128xf32>
    %div3A_16 = arith.divf %get3A_15, %div3A : vector<1000x128xf32>
    %slice3A = vector.extract_strided_slice %get3A_9 {offsets = [0, 0], sizes = [128, 256], strides = [1, 1]} : vector<256x256xf32> to vector<128x256xf32>
    %dot_general3A = arith.constant dense<0.000000e+00> : vector<1000x256xf32>
    %dot_general3A_17 = tpu.matmul %div3A_16, %slice3A, %dot_general3A {dimension_numbers = #tpu.dot_dimension_numbers<[1], [0], [0], [1], [0, 0, 1, 1], [], []>, transpose_lhs_hint = false} : vector<1000x128xf32>, vector<128x256xf32>, vector<1000x256xf32> -> vector<1000x256xf32>
    %get3A_18 = arith.constant 0 : index
    %get3A_19 = arith.constant 0 : index
    %get3A_20 = vector.load %arg2[%get3A_18, %get3A_19] : memref<1000x128xf32, #tpu.memory_space<vmem>>, vector<1000x128xf32>
    %div3A_21 = vector.broadcast %max3A_6 : vector<1000x1xf32> to vector<1000x128xf32>
    %div3A_22 = arith.divf %get3A_20, %div3A_21 : vector<1000x128xf32>
    %slice3A_23 = vector.extract_strided_slice %get3A_9 {offsets = [128, 0], sizes = [128, 256], strides = [1, 1]} : vector<256x256xf32> to vector<128x256xf32>
    %dot_general3A_24 = arith.constant dense<0.000000e+00> : vector<1000x256xf32>
    %dot_general3A_25 = tpu.matmul %div3A_22, %slice3A_23, %dot_general3A_24 {dimension_numbers = #tpu.dot_dimension_numbers<[1], [0], [0], [1], [0, 0, 1, 1], [], []>, transpose_lhs_hint = false} : vector<1000x128xf32>, vector<128x256xf32>, vector<1000x256xf32> -> vector<1000x256xf32>
    %add3A_26 = arith.addf %dot_general3A_17, %dot_general3A_25 : vector<1000x256xf32>
    %get3A_27 = arith.constant 0 : index
    %get3A_28 = arith.constant 0 : index
    %get3A_29 = arith.constant 0 : index
    %get3A_30 = vector.load %arg5[%get3A_27, %get3A_28, %get3A_29] : memref<1x1000x128xf32, #tpu.memory_space<vmem>>, vector<1x1000x128xf32>
    %get3A_31 = vector.shape_cast %get3A_30 : vector<1x1000x128xf32> to vector<1000x128xf32>
    %slice3A_32 = vector.extract_strided_slice %get3A_12 {offsets = [0, 0], sizes = [128, 256], strides = [1, 1]} : vector<256x256xf32> to vector<128x256xf32>
    %dot_general3A_33 = arith.constant dense<0.000000e+00> : vector<1000x256xf32>
    %dot_general3A_34 = tpu.matmul %get3A_31, %slice3A_32, %dot_general3A_33 {dimension_numbers = #tpu.dot_dimension_numbers<[1], [0], [0], [1], [0, 0, 1, 1], [], []>, transpose_lhs_hint = false} : vector<1000x128xf32>, vector<128x256xf32>, vector<1000x256xf32> -> vector<1000x256xf32>
    %add3A_35 = arith.addf %add3A_26, %dot_general3A_34 : vector<1000x256xf32>
    %get3A_36 = arith.constant 0 : index
    %get3A_37 = arith.constant 0 : index
    %get3A_38 = arith.constant 0 : index
    %get3A_39 = vector.load %arg6[%get3A_36, %get3A_37, %get3A_38] : memref<1x1000x128xf32, #tpu.memory_space<vmem>>, vector<1x1000x128xf32>
    %get3A_40 = vector.shape_cast %get3A_39 : vector<1x1000x128xf32> to vector<1000x128xf32>
    %slice3A_41 = vector.extract_strided_slice %get3A_12 {offsets = [128, 0], sizes = [128, 256], strides = [1, 1]} : vector<256x256xf32> to vector<128x256xf32>
    %dot_general3A_42 = arith.constant dense<0.000000e+00> : vector<1000x256xf32>
    %dot_general3A_43 = tpu.matmul %get3A_40, %slice3A_41, %dot_general3A_42 {dimension_numbers = #tpu.dot_dimension_numbers<[1], [0], [0], [1], [0, 0, 1, 1], [], []>, transpose_lhs_hint = false} : vector<1000x128xf32>, vector<128x256xf32>, vector<1000x256xf32> -> vector<1000x256xf32>
    %add3A_44 = arith.addf %add3A_35, %dot_general3A_43 : vector<1000x256xf32>
    %get3A_45 = arith.constant 0 : index
    %get3A_46 = arith.constant 0 : index
    %get3A_47 = vector.load %arg9[%get3A_45, %get3A_46] : memref<1x256xf32, #tpu.memory_space<vmem>>, vector<1x256xf32>
    %add3A_48 = vector.broadcast %get3A_47 : vector<1x256xf32> to vector<1000x256xf32>
    %add3A_49 = arith.addf %add3A_44, %add3A_48 : vector<1000x256xf32>
    %max3A_50 = arith.constant 0.000000e+00 : f32
    %max3A_51 = vector.broadcast %max3A_50 : f32 to vector<1000x256xf32>
    %max3A_52 = arith.maximumf %add3A_49, %max3A_51 : vector<1000x256xf32>
    %get3A_53 = arith.constant 0 : index
    %get3A_54 = arith.constant 0 : index
    %get3A_55 = vector.load %arg10[%get3A_53, %get3A_54] : memref<256x64xf32, #tpu.memory_space<vmem>>, vector<256x64xf32>
    %dot_general3A_56 = arith.constant dense<0.000000e+00> : vector<1000x64xf32>
    %dot_general3A_57 = tpu.matmul %max3A_52, %get3A_55, %dot_general3A_56 {dimension_numbers = #tpu.dot_dimension_numbers<[1], [0], [0], [1], [0, 0, 1, 1], [], []>, transpose_lhs_hint = false} : vector<1000x256xf32>, vector<256x64xf32>, vector<1000x64xf32> -> vector<1000x64xf32>
    %swap3A = arith.constant 0 : index
    %swap3A_58 = arith.constant 0 : index
    %swap3A_59 = vector.load %arg13[%swap3A, %swap3A_58] : memref<1000x64xf32, #tpu.memory_space<vmem>>, vector<1000x64xf32>
    tpu.vector_store %arg13[%swap3A, %swap3A_58], %dot_general3A_57 {strides = array<i32>} : memref<1000x64xf32, #tpu.memory_space<vmem>>, vector<1000x64xf32>,
    %get3A_60 = arith.constant 0 : index
    %get3A_61 = arith.constant 0 : index
    %get3A_62 = vector.load %arg11[%get3A_60, %get3A_61] : memref<256x64xf32, #tpu.memory_space<vmem>>, vector<256x64xf32>
    %dot_general3A_63 = arith.constant dense<0.000000e+00> : vector<1000x64xf32>
    %dot_general3A_64 = tpu.matmul %max3A_52, %get3A_62, %dot_general3A_63 {dimension_numbers = #tpu.dot_dimension_numbers<[1], [0], [0], [1], [0, 0, 1, 1], [], []>, transpose_lhs_hint = false} : vector<1000x256xf32>, vector<256x64xf32>, vector<1000x64xf32> -> vector<1000x64xf32>
    %get3A_65 = arith.constant 0 : index
    %get3A_66 = arith.constant 0 : index
    %get3A_67 = vector.load %arg12[%get3A_65, %get3A_66] : memref<1x64xf32, #tpu.memory_space<vmem>>, vector<1x64xf32>
    %add3A_68 = vector.broadcast %get3A_67 : vector<1x64xf32> to vector<1000x64xf32>
    %add3A_69 = arith.addf %dot_general3A_64, %add3A_68 : vector<1000x64xf32>
    %swap3A_70 = arith.constant 0 : index
    %swap3A_71 = arith.constant 0 : index
    %swap3A_72 = vector.load %arg14[%swap3A_70, %swap3A_71] : memref<1000x64xf32, #tpu.memory_space<vmem>>, vector<1000x64xf32>
    tpu.vector_store %arg14[%swap3A_70, %swap3A_71], %add3A_69 {strides = array<i32>} : memref<1000x64xf32, #tpu.memory_space<vmem>>, vector<1000x64xf32>,
    return
  }
  func.func @transform_0(%arg0: i32) -> (i32, i32) {
    %c0_i32 = arith.constant 0 : i32
    %c0_i32_0 = arith.constant 0 : i32
    return %arg0, %c0_i32 : i32, i32
  }
  func.func @transform_1(%arg0: i32) -> (i32, i32) {
    %add3A = arith.constant 10 : i32
    %add3A_0 = arith.addi %arg0, %add3A : i32
    %c0_i32 = arith.constant 0 : i32
    %c0_i32_1 = arith.constant 0 : i32
    return %add3A_0, %c0_i32 : i32, i32
  }
  func.func @transform_2(%arg0: i32) -> (i32, i32) {
    %c0_i32 = arith.constant 0 : i32
    %c0_i32_0 = arith.constant 0 : i32
    return %arg0, %c0_i32 : i32, i32
  }
  func.func @transform_3(%arg0: i32) -> (i32, i32) {
    %add3A = arith.constant 10 : i32
    %add3A_0 = arith.addi %arg0, %add3A : i32
    %c0_i32 = arith.constant 0 : i32
    %c0_i32_1 = arith.constant 0 : i32
    return %add3A_0, %c0_i32 : i32, i32
  }
  func.func @transform_4(%arg0: i32) -> (i32, i32, i32) {
    %c0_i32 = arith.constant 0 : i32
    %c0_i32_0 = arith.constant 0 : i32
    %c0_i32_1 = arith.constant 0 : i32
    return %c0_i32, %arg0, %c0_i32_0 : i32, i32, i32
  }
  func.func @transform_5(%arg0: i32) -> (i32, i32, i32) {
    %c1_i32 = arith.constant 1 : i32
    %c0_i32 = arith.constant 0 : i32
    %c0_i32_0 = arith.constant 0 : i32
    return %c1_i32, %arg0, %c0_i32 : i32, i32, i32
  }
  func.func @transform_6(%arg0: i32) -> (i32, i32) {
    %c0_i32 = arith.constant 0 : i32
    %c0_i32_0 = arith.constant 0 : i32
    %c0_i32_1 = arith.constant 0 : i32
    return %c0_i32, %c0_i32_0 : i32, i32
  }
  func.func @transform_7(%arg0: i32) -> (i32, i32) {
    %c0_i32 = arith.constant 0 : i32
    %c0_i32_0 = arith.constant 0 : i32
    %c0_i32_1 = arith.constant 0 : i32
    return %c0_i32, %c0_i32_0 : i32, i32
  }
  func.func @transform_8(%arg0: i32) -> (i32, i32) {
    %c0_i32 = arith.constant 0 : i32
    %c0_i32_0 = arith.constant 0 : i32
    %c0_i32_1 = arith.constant 0 : i32
    return %c0_i32, %c0_i32_0 : i32, i32
  }
  func.func @transform_9(%arg0: i32) -> (i32, i32) {
    %c0_i32 = arith.constant 0 : i32
    %c0_i32_0 = arith.constant 0 : i32
    %c0_i32_1 = arith.constant 0 : i32
    return %c0_i32, %c0_i32_0 : i32, i32
  }
  func.func @transform_10(%arg0: i32) -> (i32, i32) {
    %c0_i32 = arith.constant 0 : i32
    %c0_i32_0 = arith.constant 0 : i32
    %c0_i32_1 = arith.constant 0 : i32
    return %c0_i32, %c0_i32_0 : i32, i32
  }
  func.func @transform_11(%arg0: i32) -> (i32, i32) {
    %c0_i32 = arith.constant 0 : i32
    %c0_i32_0 = arith.constant 0 : i32
    %c0_i32_1 = arith.constant 0 : i32
    return %c0_i32, %c0_i32_0 : i32, i32
  }
  func.func @transform_12(%arg0: i32) -> (i32, i32) {
    %c0_i32 = arith.constant 0 : i32
    %c0_i32_0 = arith.constant 0 : i32
    return %arg0, %c0_i32 : i32, i32
  }
  func.func @transform_13(%arg0: i32) -> (i32, i32) {
    %c0_i32 = arith.constant 0 : i32
    %c0_i32_0 = arith.constant 0 : i32
    return %arg0, %c0_i32 : i32, i32
  }
}

module attributes {stable_mosaic.version = 14 : i64} {
  func.func @body(%arg0: i32, %arg1: memref<1000x64xf32, #tpu.memory_space<vmem>>, %arg2: memref<1000x64xf32, #tpu.memory_space<vmem>>, %arg3: memref<1000x16xf32, #tpu.memory_space<vmem>>, %arg4: memref<1000x16xf32, #tpu.memory_space<vmem>>, %arg5: memref<1000x64xf32, #tpu.memory_space<vmem>>, %arg6: memref<1000x64xf32, #tpu.memory_space<vmem>>) attributes {dimension_semantics = [#tpu.dimension_semantics<arbitrary>], iteration_bounds = array<i64: 10>, scalar_prefetch = 0 : i64, scratch_operands = 0 : i64, tpu.core_type = #tpu.core_type<tc>, window_params = [{transform_indices = @transform_0, window_bounds = array<i64: 1000, 64>}, {transform_indices = @transform_1, window_bounds = array<i64: 1000, 64>}, {transform_indices = @transform_2, window_bounds = array<i64: 1000, 16>}, {transform_indices = @transform_3, window_bounds = array<i64: 1000, 16>}, {transform_indices = @transform_4, window_bounds = array<i64: 1000, 64>}, {transform_indices = @transform_5, window_bounds = array<i64: 1000, 64>}]} {
    %get3A = arith.constant 0 : index
    %get3A_0 = arith.constant 0 : index
    %get3A_1 = vector.load %arg3[%get3A, %get3A_0] : memref<1000x16xf32, #tpu.memory_space<vmem>>, vector<1000x1xf32>
    %get3A_2 = arith.constant 0 : index
    %get3A_3 = arith.constant 0 : index
    %get3A_4 = vector.load %arg4[%get3A_2, %get3A_3] : memref<1000x16xf32, #tpu.memory_space<vmem>>, vector<1000x1xf32>
    %add3A = arith.addf %get3A_1, %get3A_4 : vector<1000x1xf32>
    %max3A = arith.constant 1.000000e+00 : f32
    %max3A_5 = vector.broadcast %max3A : f32 to vector<1000x1xf32>
    %max3A_6 = arith.maximumf %add3A, %max3A_5 : vector<1000x1xf32>
    %get3A_7 = arith.constant 0 : index
    %get3A_8 = arith.constant 0 : index
    %get3A_9 = vector.load %arg1[%get3A_7, %get3A_8] : memref<1000x64xf32, #tpu.memory_space<vmem>>, vector<1000x64xf32>
    %get3A_10 = arith.constant 0 : index
    %get3A_11 = arith.constant 0 : index
    %get3A_12 = vector.load %arg2[%get3A_10, %get3A_11] : memref<1000x64xf32, #tpu.memory_space<vmem>>, vector<1000x64xf32>
    %add3A_13 = arith.addf %get3A_9, %get3A_12 : vector<1000x64xf32>
    %div3A = vector.broadcast %max3A_6 : vector<1000x1xf32> to vector<1000x64xf32>
    %div3A_14 = arith.divf %add3A_13, %div3A : vector<1000x64xf32>
    %get3A_15 = arith.constant 0 : index
    %get3A_16 = arith.constant 0 : index
    %get3A_17 = vector.load %arg5[%get3A_15, %get3A_16] : memref<1000x64xf32, #tpu.memory_space<vmem>>, vector<1000x64xf32>
    %add3A_18 = arith.addf %div3A_14, %get3A_17 : vector<1000x64xf32>
    %reduce_max3A = arith.constant dense<0xFF800000> : vector<1000xf32>
    %reduce_max3A_19 = vector.multi_reduction <maximumf>, %add3A_18, %reduce_max3A [1] : vector<1000x64xf32> to vector<1000xf32>
    %broadcast_in_dim3A = vector.shape_cast %reduce_max3A_19 : vector<1000xf32> to vector<1000x1xf32>
    %sub3A = vector.broadcast %broadcast_in_dim3A : vector<1000x1xf32> to vector<1000x64xf32>
    %sub3A_20 = arith.subf %add3A_18, %sub3A : vector<1000x64xf32>
    %exp3A = math.exp %sub3A_20 : vector<1000x64xf32>
    %sub3A_21 = vector.broadcast %broadcast_in_dim3A : vector<1000x1xf32> to vector<1000x64xf32>
    %sub3A_22 = arith.subf %add3A_18, %sub3A_21 : vector<1000x64xf32>
    %reduce_sum3A = arith.constant dense<0.000000e+00> : vector<1000xf32>
    %reduce_sum3A_23 = vector.multi_reduction <add>, %exp3A, %reduce_sum3A [1] : vector<1000x64xf32> to vector<1000xf32>
    %broadcast_in_dim3A_24 = vector.shape_cast %reduce_sum3A_23 : vector<1000xf32> to vector<1000x1xf32>
    %log3A = math.log %broadcast_in_dim3A_24 : vector<1000x1xf32>
    %sub3A_25 = vector.broadcast %log3A : vector<1000x1xf32> to vector<1000x64xf32>
    %sub3A_26 = arith.subf %sub3A_22, %sub3A_25 : vector<1000x64xf32>
    %swap3A = arith.constant 0 : index
    %swap3A_27 = arith.constant 0 : index
    %swap3A_28 = vector.load %arg6[%swap3A, %swap3A_27] : memref<1000x64xf32, #tpu.memory_space<vmem>>, vector<1000x64xf32>
    tpu.vector_store %arg6[%swap3A, %swap3A_27], %sub3A_26 {strides = array<i32>} : memref<1000x64xf32, #tpu.memory_space<vmem>>, vector<1000x64xf32>,
    return
  }
  func.func @transform_0(%arg0: i32) -> (i32, i32) {
    %c0_i32 = arith.constant 0 : i32
    %c0_i32_0 = arith.constant 0 : i32
    return %arg0, %c0_i32 : i32, i32
  }
  func.func @transform_1(%arg0: i32) -> (i32, i32) {
    %add3A = arith.constant 10 : i32
    %add3A_0 = arith.addi %arg0, %add3A : i32
    %c0_i32 = arith.constant 0 : i32
    %c0_i32_1 = arith.constant 0 : i32
    return %add3A_0, %c0_i32 : i32, i32
  }
  func.func @transform_2(%arg0: i32) -> (i32, i32) {
    %c0_i32 = arith.constant 0 : i32
    %c0_i32_0 = arith.constant 0 : i32
    return %arg0, %c0_i32 : i32, i32
  }
  func.func @transform_3(%arg0: i32) -> (i32, i32) {
    %add3A = arith.constant 10 : i32
    %add3A_0 = arith.addi %arg0, %add3A : i32
    %c0_i32 = arith.constant 0 : i32
    %c0_i32_1 = arith.constant 0 : i32
    return %add3A_0, %c0_i32 : i32, i32
  }
  func.func @transform_4(%arg0: i32) -> (i32, i32) {
    %c0_i32 = arith.constant 0 : i32
    %c0_i32_0 = arith.constant 0 : i32
    return %arg0, %c0_i32 : i32, i32
  }
  func.func @transform_5(%arg0: i32) -> (i32, i32) {
    %c0_i32 = arith.constant 0 : i32
    %c0_i32_0 = arith.constant 0 : i32
    return %arg0, %c0_i32 : i32, i32
  }
}

</mosaic_0001>

<sc_bundles>
// kernel: kernel.11.cloned.1.call-start
scs
__scs_entry_jumppad:
0x0: {  	(pc) =	sbr.rel $0x88, $3  }
0x1: {  	(tag) =	ssettag $0x0;
	lr =	simm.s32 $0x1  }
0x2: {  	[smem:$0x3F96] =	sst lr;
	_ =	strace $0xD0000000  }
0x3: {  	_ = 	snop  }
0x4: {  	_ = 	snop  }
0x5: {  	_ = 	snop  }
0x6: {  	_ = 	snop  }
0x7: {  	_ = 	snop  }
__scs_overlays_trampoline_lowered:
0x8: {  	[smem:$0x3FA5] =	sst s0  }
0x9: {  	[smem:$0x3FA6] =	sst s1  }
0xa: {  	[smem:$0x3FA7] =	sst s2  }
0xb: {  	[smem:$0x3FA8] =	sst s3  }
0xc: {  	[smem:$0x3FA9] =	sst s4  }
0xd: {  	[smem:$0x3FAA] =	sst s5  }
0xe: {  	[smem:$0x3FAB] =	sst s6  }
0xf: {  	[smem:$0x3FAC] =	sst s7  }
0x10: {  	[smem:$0x3FAD] =	sst s8  }
0x11: {  	[smem:$0x3FAE] =	sst s9;
	s0 =	simm.s32 @!p0 $0x0  }
0x12: {  	s1 =	sld [smem:$0x3F94];
	s0 =	simm.s32 @p0 $0x1  }
0x13: {  	[smem:$0x3FAF] =	sst s0;
	s0 =	simm.s32 @!p1 $0x0  }
0x14: {  	s2 =	sld [smem:$0x3F93];
	s0 =	simm.s32 @p1 $0x1  }
0x15: {  	[smem:$0x3FB0] =	sst s0;
	s0 =	simm.s32 @!p2 $0x0  }
0x16: {  	s3 =	sld [smem:$0x3FDB];
	s0 =	simm.s32 @p2 $0x1  }
0x17: {  	s4 =	simm.s32 $0x1BF5;
	[smem:$0x3FB2] =	sst s0  }
0x18: {  	s0 =	sld [smem:$0x3F95];
	_ =	swait.ge [sflag:s4], $0x0  }
0x19: {  	s7 =	sld [smem:$0x3F96]  }
0x1a: {  	s8 =	sadd.s32 $0xFFFFE003, lr  }
0x1b: {  	s9 =	sadd.s32 $0xFFFFFEF7, lr;
	s5 =	simm.s32 $0xFFFFFFFF;
	p2 =	slt.u32 s8, $0xFFFFF086  }
0x1c: {  	p1 =	slt.u32 s9, $0xF7A;
	s5 =	simm.s32 @!p2 $0x0  }
0x1d: {  	s5 =	simm.s32 @p1 $0x1;
	p0 =	seq.s32 s7, s2  }
0x1e: {  	s7 =	smul.u32 @!p0 $0xF7A, s2;
	p2 =	seq.s32 @!p0 s5, $0x0  }
0x1f: {  	s9 =	smul.u32 $0xF7A, s1;
	s8 =	simm.s32 @!p0 $0x1BF5;
	p2 =	por !p2, p0  }
0x20: {  	[sflag:s8] =	ssyncset.s32 @!p0 $0xFFFFF086;
	s6 =	sadd.s32 @!p0 s3, s7;
	s7 =	simm.s32 @!p0 $0x108  }
0x21: {  	s3 =	sadd.s32 s3, s9;
	s6 =	sadd.s32 @!p0 $0x88, s6;
	s7 =	simm.s32 @p2 $0x1082  }
0x22: {  	[simem:s7], [sflag:s8] =	dma.local @!p0 [hbm:s6], $0xF7A  }
0x23: {  	s9 =	sor.u32 $0xD0000000, s2;
	s6 =	simm.s32 $0x108;
	_ =	swait.ge @!p0 [sflag:s8], $0x0  }
0x24: {  	s3 =	sadd.s32 $0x88, s3;
	s6 =	simm.s32 @!p1 $0x1082;
	[sflag:s4] =	ssyncset.s32 $0xFFFFF086  }
0x25: {  	[simem:s6], [sflag:s4] =	dma.local [hbm:s3], $0xF7A  }
0x26: {  	[smem:$0x3F96] =	sst s1;
	(tag) =	ssettag s2;
	_ =	strace s9  }
0x27: {  	s1 =	sld [smem:$0x3FA6]  }
0x28: {  	s2 =	sld [smem:$0x3FA7]  }
0x29: {  	s4 =	sld [smem:$0x3FA9]  }
0x2a: {  	p0 =	seq.s32 s5, $0x0;
	s5 =	sld [smem:$0x3FAA]  }
0x2b: {  	s6 =	sld [smem:$0x3FAB]  }
0x2c: {  	s7 =	sld [smem:$0x3FAC]  }
0x2d: {  	s3 =	simm.s32 $0x108;
	s8 =	sld [smem:$0x3FAD]  }
0x2e: {  	s3 =	simm.s32 @!p0 $0x1082;
	s9 =	sld [smem:$0x3FAE]  }
0x2f: {  	lr =	sadd.s32 s0, s3;
	s0 =	sld [smem:$0x3FA5]  }
0x30: {  	s3 =	sld [smem:$0x3FA8]  }
0x31: {  	[smem:$0x3FB1] =	sst s10  }
0x32: {  	s10 =	sld [smem:$0x3FAF];
	_ =	sdelay $0x3  }
0x33: {  	p0 =	seq.s32 s10, $0x1;
	s10 =	sld [smem:$0x3FB1];
	_ =	sdelay $0x3  }
0x34: {  	[smem:$0x3FB1] =	sst s10  }
0x35: {  	s10 =	sld [smem:$0x3FB0];
	_ =	sdelay $0x3  }
0x36: {  	p1 =	seq.s32 s10, $0x1;
	s10 =	sld [smem:$0x3FB1];
	_ =	sdelay $0x3  }
0x37: {  	[smem:$0x3FB1] =	sst s10  }
0x38: {  	s10 =	sld [smem:$0x3FB2]  }
0x39: {  	_ = 	snop;
	(pc) =	sbr.ind lr, $3  }
0x3a: {  	_ = 	snop  }
0x3b: {  	_ = 	snop  }
0x3c: {  	p2 =	seq.s32 s10, $0x1;
	s10 =	sld [smem:$0x3FB1]  }
0x3d: {  	_ =	shalt  }
0x3e: {  	_ =	shalt  }
0x3f: {  	_ =	shalt  }
0x40: {  	_ =	shalt  }
0x41: {  	_ =	shalt  }
0x42: {  	_ =	shalt  }
0x43: {  	_ =	shalt  }
0x44: {  	_ =	shalt  }
0x45: {  	_ =	shalt  }
0x46: {  	_ =	shalt  }
0x47: {  	_ =	shalt  }
0x48: {  	_ =	shalt  }
0x49: {  	_ =	shalt  }
0x4a: {  	_ =	shalt  }
0x4b: {  	_ =	shalt  }
0x4c: {  	_ =	shalt  }
0x4d: {  	_ =	shalt  }
0x4e: {  	_ =	shalt  }
0x4f: {  	_ =	shalt  }
0x50: {  	_ =	shalt  }
0x51: {  	_ =	shalt  }
0x52: {  	_ =	shalt  }
0x53: {  	_ =	shalt  }
0x54: {  	_ =	shalt  }
0x55: {  	_ =	shalt  }
0x56: {  	_ =	shalt  }
0x57: {  	_ =	shalt  }
0x58: {  	_ =	shalt  }
0x59: {  	_ =	shalt  }
0x5a: {  	_ =	shalt  }
0x5b: {  	_ =	shalt  }
0x5c: {  	_ =	shalt  }
0x5d: {  	_ =	shalt  }
0x5e: {  	_ =	shalt  }
0x5f: {  	_ =	shalt  }
0x60: {  	_ =	shalt  }
0x61: {  	_ =	shalt  }
0x62: {  	_ =	shalt  }
0x63: {  	_ =	shalt  }
0x64: {  	_ =	shalt  }
0x65: {  	_ =	shalt  }
0x66: {  	_ =	shalt  }
0x67: {  	_ =	shalt  }
0x68: {  	_ =	shalt  }
0x69: {  	_ =	shalt  }
0x6a: {  	_ =	shalt  }
0x6b: {  	_ =	shalt  }
0x6c: {  	_ =	shalt  }
0x6d: {  	_ =	shalt  }
0x6e: {  	_ =	shalt  }
0x6f: {  	_ =	shalt  }
0x70: {  	_ =	shalt  }
0x71: {  	_ =	shalt  }
0x72: {  	_ =	shalt  }
0x73: {  	_ =	shalt  }
0x74: {  	_ =	shalt  }
0x75: {  	_ =	shalt  }
0x76: {  	_ =	shalt  }
0x77: {  	_ =	shalt  }
0x78: {  	_ =	shalt  }
0x79: {  	_ =	shalt  }
0x7a: {  	_ =	shalt  }
0x7b: {  	_ =	shalt  }
0x7c: {  	_ =	shalt  }
0x7d: {  	_ =	shalt  }
0x7e: {  	_ =	shalt  }
0x7f: {  	_ =	shalt  }
0x80: {  	_ =	shalt  }
0x81: {  	_ =	shalt  }
0x82: {  	_ =	shalt  }
0x83: {  	_ =	shalt  }
0x84: {  	_ =	shalt  }
0x85: {  	_ =	shalt  }
0x86: {  	_ =	shalt  }
0x87: {  	_ =	shalt  }
.Lfunc_end0:
.L_simem_size_0:
called_computation.1_lowered:
.L_overlay_start_0:
0x88: {  	s2 =	sld [smem:$0x3FD9]  }
0x89: {  	s3 =	sld [smem:$0x3FFE];
	_ =	sdelay $0x1  }
0x8a: {  	s1 =	srdreg.scid  }
0x8b: {  	s0 =	sand.u32 $0x1, s1  }
0x8c: {  	s16 =	sshll.u32 s0, $0xA;
	s2 =	sadd.s32 s3, s2  }
0x8d: {  	s2 =	sadd.s32 s2, s16  }
0x8e: {  	[smem:$0x3FBD] =	sst s2  }
0x8f: {  	_ = 	snop  }
0x90: {  	(tm) =	ssettm $0x1  }
0x91: {  	s17 =	sld [smem:$0x3FFB];
	_ =	sdelay $0x3  }
0x92: {  	_ =	strace s17  }
0x93: {  	s2 =	sld [smem:$0x3FFC];
	_ =	sdelay $0x3  }
0x94: {  	_ =	strace s2  }
0x95: {  	s2 =	sld [smem:$0x3FFD];
	_ =	sdelay $0x3  }
0x96: {  	_ =	strace s2  }
0x97: {  	_ =	strace $0x8FFFFFFF  }
0x98: {  	s18 =	sld [smem:$0x3FDB];
	_ =	sdelay $0x1  }
0x99: {  	s19 =	simm.s32 $_scs_section_size  }
0x9a: {  	s4 =	simm.s32 $_size__tile_overlayer_lowered;
	s5 =	simm.s32 $_tile_overlayer_lowered  }
0x9b: {  	s22 =	simm.s32 $0x1BFF;
	s21 =	sshll.u32 s5, $0x1;
	s2 =	sadd.s32 s19, s18  }
0x9c: {  	s6 =	simm.s32 $0x0;
	s20 =	sshll.u32 s4, $0x1;
	s4 =	sadd.s32 s21, s2  }
0x9d: {  	[timem:s6], [sflag:s22] =	dma.local [hbm:s4], s20  }
0x9e: {  	_ =	swait.ge [sflag:s22], s20  }
0x9f: {  	s3 =	ssub.s32 $0x0, s20;
	[sflag:s22] =	ssyncset.done $0x0  }
0xa0: {  	[sflag:s22] =	ssyncadd.s32 s3;
	_ =	sdelay $0x1  }
0xa1: {  	s23 =	simm.s32 $0x1B8B  }
0xa2: {  	_ =	swait.ge [sflag:s23], $0x1  }
0xa3: {  	[sflag:s23] =	ssyncset.done $0x0  }
0xa4: {  	s25 =	simm.s32 $0x1B8E;
	s24 =	sld [smem:$0x3FFE];
	[sflag:s23] =	ssyncadd.s32 $0xFFFFFFFF  }
0xa5: {  	s26 =	simm.s32 $execute0_lowered;
	[smem:$0x3FD2] =	sst s25  }
0xa6: {  	s4 =	sshll.u32 s26, $0x1;
	_ =	strace $0x80000049;
	[dreg:$0x1] =	wrdreg $0xFFFFFFFF  }
0xa7: {  	s28 =	simm.s32 $_size_execute0_lowered;
	s2 =	sadd.s32 s2, s4;
	[dreg:$0x0] =	wrdreg $0x0  }
0xa8: {  	s4 =	sshll.u32 s28, $0x1;
	[dreg:$0x2] =	wrdreg s2  }
0xa9: {  	[dreg:$0x3] =	wrdreg s4  }
0xaa: {  	[dreg:$0x4] =	wrdreg $0xC0  }
0xab: {  	_ =	task [dreg:s6], $0x5FFFF  }
0xac: {  	[dreg:$0x1] =	wrdreg $0xFFFFFFFF  }
0xad: {  	[dreg:$0x0] =	wrdreg $0x60  }
0xae: {  	[dreg:$0x2] =	wrdreg s24  }
0xaf: {  	[dreg:$0x3] =	wrdreg $0x9F600  }
0xb0: {  	[dreg:$0x4] =	wrdreg $0x9  }
0xb1: {  	_ =	task.clear_ibuf [dreg:s6], $0x5FFFF;
	_ =	strace $0x90000049  }
0xb2: {  	s29 =	simm.s32 $0x9;
	_ =	strace $0x8000004B  }
0xb3: {  	_ =	swait.ge [sflag:s29], $0x1  }
0xb4: {  	[sflag:s29] =	ssyncadd.s32 $0xFFFFFFFF  }
0xb5: {  	_ =	strace $0x9000004B  }
0xb6: {  	_ =	sfence  }
0xb7: {  	s30 =	sld [smem:$0x0];
	_ =	sdelay $0x2  }
0xb8: {  	s31 =	sshll.u32 s1, $0xD;
	s1 =	sshrl.u32 s1, $0x2  }
0xb9: {  	s3 =	sand.u32 $0x4000, s31;
	s1 =	sadd.s32 s1, s30  }
0xba: {  	s0 =	sor.u32 s3, s0;
	s1 =	sshll.u32 s1, $0x11  }
0xbb: {  	s0 =	sor.u32 s1, s0  }
0xbc: {  	s0 =	sadd.s32 $0x8F2B, s0  }
0xbd: {  	[sflag:s0] =	ssyncadd.remote.s32 $0x1  }
0xbe: {  	_ =	sfence.sel $0xFFFF  }
0xbf: {  	[dreg:$0x0] =	wrdreg $0xFFFFFFFF;
	(pc) =	sbr.abs _section_cstart, $3  }
0xc0: {  	[dreg:$0x1] =	wrdreg $0xFFFFFFFF  }
0xc1: {  	_ =	task.clear_ibuf [dreg:s6], $0x2FFFF;
	_ =	strace $0x9FFFFFFF  }
0xc2: {  	(tm) =	ssettm $0x7FFFFFFF  }
0xc3: {  	_ =	shalt  }
tec
execute0_lowered:
.L_overlay_start_1:
0x0: {  	(tag) =	ssettag $0x1  }
0x1: {  	s4 =	rddreg [dreg:$0x0]  }
0x2: {  	s1 =	rddreg [dreg:$0x1]  }
0x3: {  	s0 =	rddreg [dreg:$0x2];
	s2 =	simm.s32 $0x0;
	s3 =	srdreg.scid  }
0x4: {  	s12 =	simm.s32 $0x4E20;
	s13 =	simm.s32 $0x4EC0;
	s14 =	simm.s32 $0x7760  }
0x5: {  	s15 =	simm.s32 $0x1;
	s16 =	simm.s32 $0x4E70;
	s5 =	sand.u32 $0x1, s3  }
0x6: {  	s17 =	simm.s32 $0x2;
	s3 =	stileid.u32;
	s6 =	smul.u32 $0x27100, s5  }
0x7: {  	s18 =	simm.s32 $0x4F10;
	[smem:$0x7FF] =	sst s2;
	s7 =	smul.u32 $0x2710, s3  }
0x8: {  	_ =	strace $0x8000004A;
	s9 =	smul.u32 $0x9C4, s3;
	s5 =	ssub.s32 $0x2, s5  }
0x9: {  	s10 =	smul.u32 $0x4E200, s3;
	s19 =	sshll.u32 s3, $0x6;
	s30 =	sshrl.u32 s5, $0x1  }
0xa: {  	s19 =	sor.u32 $0x1C03, s19;
	s8 =	sadd.s32 s6, s4;
	s6 =	sadd.s32 s7, s6  }
0xb: {  	s9 =	sadd.s32 s9, s4;
	s11 =	ssub.s32 s5, s30;
	s31 =	sshrl.u32 s10, $0x2  }
0xc: {  	s10 =	simm.s32 $0x3;
	s6 =	sadd.s32 s6, s4;
	s4 =	sadd.s32 $0x2C00, s9  }
0xd: {  	s5 =	sadd.s32 $0xCA00, s8;
	s7 =	sadd.s32 s31, s1;
	s8 =	smax.u32 s11, $0x1  }
0xe: {  	v0 =	vimm.f32 $0.0e+00;
	s9 =	simm.s32 $0x4F60;
	s11 =	simm.s32 $0x50;
	s6 =	sadd.s32 $0xA8E00, s6  }
.LBB2_1:
0xf: {  	s20 =	simm.s32 $0x70;
	s21 =	simm.s32 $0x3C0  }
.LBB2_2:
0x10: {  	p0 =	sne.s32 s21, $0x9FC0;
	[tilespmem:s20+$0x4F60] =	vst v0  }
0x11: {  	[tilespmem:s20+$0x4EF0] =	vst v0  }
0x12: {  	[tilespmem:s20+$0x4F00] =	vst v0  }
.Ltmp0:
0x13: {  	[tilespmem:s20+$0x4F10] =	vst v0;
	(pc) =	sbr.rel @p0 .LBB2_2-.Ltmp0, $4  }
0x14: {  	[tilespmem:s20+$0x4F20] =	vst v0  }
0x15: {  	[tilespmem:s20+$0x4F30] =	vst v0  }
0x16: {  	[tilespmem:s20+$0x4F40] =	vst v0  }
0x17: {  	[tilespmem:s20+$0x4F50] =	vst v0;
	s20 =	sshra.s32 s21, $0x2;
	s21 =	sadd.s32 $0x200, s21  }
0x18: {  	[tilespmem:s20+$0x4F60] =	vst v0  }
0x19: {  	[tilespmem:s20+$0x4EF0] =	vst v0  }
0x1a: {  	[tilespmem:s20+$0x4F00] =	vst v0  }
0x1b: {  	[tilespmem:s20+$0x4F10] =	vst v0  }
0x1c: {  	[tilespmem:s20+$0x4F20] =	vst v0  }
0x1d: {  	[tilespmem:s20+$0x4F30] =	vst v0  }
0x1e: {  	[tilespmem:s20+$0x4F40] =	vst v0  }
0x1f: {  	[tilespmem:s20+$0x4F50] =	vst v0;
	s31 =	sadd.s32 $0x0, s7  }
0x20: {  	[spmem:s31] =	stream.linear.scatter [tilespmem:s9], [sflag:$0x3], $0xC80, $0x38;
	[tilespmem:$0x1D7E0] =	vst v63  }
0x21: {  	s20 =	simm.s32 $0x3200;
	_ =	swait.ge [sflag:s10], $0xC80  }
.LBB2_4:
0x22: {  	s21 =	sshra.s32 s20, $0x2;
	[sflag:s10] =	ssyncset.done $0x0;
	p0 =	sne.s32 s20, $0x4B000  }
.Ltmp1:
0x23: {  	s21 =	sadd.s32 s21, s7;
	[sflag:s10] =	ssyncadd.s32 $0xFFFFF380;
	(pc) =	sbr.rel @p0 .LBB2_4-.Ltmp1, $3  }
0x24: {  	[spmem:s21] =	stream.linear.scatter [tilespmem:s9], [sflag:$0x3], $0xC80, $0x38;
	[tilespmem:$0x1D7E0] =	vst v63  }
0x25: {  	s20 =	sadd.s32 $0x3200, s20;
	_ =	sdelay $0x1  }
0x26: {  	_ =	swait.ge [sflag:s10], $0xC80  }
0x27: {  	[sflag:s10] =	ssyncset.done $0x0  }
0x28: {  	[sflag:s10] =	ssyncadd.s32 $0xFFFFF380  }
0x29: {  	s20 =	simm.s32 $0x0;
	[bflag:$0x0] =	sbarrier.arrive $0xFFFF  }
0x2a: {  	[tilespmem:s20], [sflag:$0x3] =	stream.linear.gather [hbm4b:s4+s20], $0x4E20, $0x38;
	[tilespmem:$0x1D7E0] =	vst v63  }
0x2b: {  	_ =	swait.ge [sflag:s10], $0x4E20  }
0x2c: {  	[sflag:s10] =	ssyncset.done $0x0  }
0x2d: {  	[sflag:s10] =	ssyncadd.s32 $0xFFFFB1E0  }
0x2e: {  	v1 =	vld [tilespmem:$0x0];
	_ =	sdelay $0x1  }
0x2f: {  	v2 =	vld [tilespmem:$0x10];
	_ =	sdelay $0x1  }
0x30: {  	v3 =	vld [tilespmem:$0x20]  }
0x31: {  	v4 =	vand.u32 $0x7FFF, v1  }
0x32: {  	v63 =	vld [tilespmem:$0x30];
	v1 =	vshra.s32 v1, $0xF;
	[tilespmem:$0x4E20] =	vst v4  }
0x33: {  	[tilespmem:$0x4E70] =	vst v1;
	v1 =	vand.u32 $0x7FFF, v2  }
0x34: {  	[tilespmem:$0x4E30] =	vst v1;
	v1 =	vshra.s32 v2, $0xF;
	v2 =	vld [tilespmem:$0x40]  }
0x35: {  	[tilespmem:$0x4E80] =	vst v1;
	v1 =	vand.u32 $0x7FFF, v3  }
0x36: {  	[tilespmem:$0x4E40] =	vst v1;
	v1 =	vshra.s32 v3, $0xF  }
0x37: {  	[tilespmem:$0x4E90] =	vst v1;
	v1 =	vand.u32 $0x7FFF, v63  }
0x38: {  	[tilespmem:$0x4E50] =	vst v1;
	v1 =	vshra.s32 v63, $0xF  }
0x39: {  	[tilespmem:$0x4EA0] =	vst v1;
	v1 =	vand.u32 $0x7FFF, v2  }
0x3a: {  	[tilespmem:$0x4E60] =	vst v1;
	v1 =	vshra.s32 v2, $0xF  }
0x3b: {  	s21 =	simm.s32 $0x0;
	[tilespmem:$0x4EB0] =	vst v1  }
0x3c: {  	[tilespmem:s9], [sflag:$0x1] =	stream.indirect.gather [hbm4b:s5+s11], $0x80, s12, s11, $0xb8;
	[tilespmem:$0x1D7E0] =	vst v63  }
0x3d: {  	v1 =	vld [tilespmem:s21+$0x50];
	_ =	sdelay $0x4  }
0x3e: {  	v2 =	vand.u32 $0x7FFF, v1  }
0x3f: {  	v1 =	vshra.s32 v1, $0xF;
	[tilespmem:$0x4EC0] =	vst v2  }
0x40: {  	[tilespmem:$0x4F10] =	vst v1  }
0x41: {  	v1 =	vld [tilespmem:s21+$0x60];
	_ =	sdelay $0x4  }
0x42: {  	v2 =	vand.u32 $0x7FFF, v1  }
0x43: {  	v1 =	vshra.s32 v1, $0xF;
	[tilespmem:$0x4ED0] =	vst v2  }
0x44: {  	[tilespmem:$0x4F20] =	vst v1  }
0x45: {  	v1 =	vld [tilespmem:s21+$0x70];
	_ =	sdelay $0x4  }
0x46: {  	v2 =	vand.u32 $0x7FFF, v1  }
0x47: {  	v1 =	vshra.s32 v1, $0xF;
	[tilespmem:$0x4EE0] =	vst v2  }
0x48: {  	[tilespmem:$0x4F30] =	vst v1  }
0x49: {  	v1 =	vld [tilespmem:s21+$0x80];
	_ =	sdelay $0x4  }
0x4a: {  	v2 =	vand.u32 $0x7FFF, v1  }
0x4b: {  	v1 =	vshra.s32 v1, $0xF;
	[tilespmem:$0x4EF0] =	vst v2  }
0x4c: {  	[tilespmem:$0x4F40] =	vst v1  }
0x4d: {  	v1 =	vld [tilespmem:s21+$0x90];
	_ =	sdelay $0x4  }
0x4e: {  	v2 =	vand.u32 $0x7FFF, v1  }
0x4f: {  	v1 =	vshra.s32 v1, $0xF;
	[tilespmem:$0x4F00] =	vst v2  }
0x50: {  	[tilespmem:$0x4F50] =	vst v1  }
0x51: {  	[tilespmem:s14], [sflag:$0x2] =	stream.indirect.gather [hbm4b:s5+s11], $0x80, s13, s11, $0xb8;
	[tilespmem:$0x1D7E0] =	vst v63  }
0x52: {  	_ =	swait.ge [sflag:s15], $0x2800  }
0x53: {  	[sflag:s15] =	ssyncset.done $0x0  }
0x54: {  	[sflag:s15] =	ssyncadd.s32 $0xFFFFD800  }
0x55: {  	[spmem:s1] =	stream.indirect.scatter.add.f32 [tilespmem:s9], [sflag:$0x3], $0x80, s16, s11, $0xb8;
	[tilespmem:$0x1D7E0] =	vst v63  }
0x56: {  	_ =	swait.ge [sflag:s10], $0x2800  }
0x57: {  	[sflag:s10] =	ssyncset.done $0x0  }
0x58: {  	[sflag:s10] =	ssyncadd.s32 $0xFFFFD800  }
0x59: {  	v1 =	vld [tilespmem:s21+$0xA0];
	_ =	sdelay $0x4  }
0x5a: {  	v2 =	vand.u32 $0x7FFF, v1  }
0x5b: {  	v1 =	vshra.s32 v1, $0xF;
	[tilespmem:$0x4E20] =	vst v2  }
0x5c: {  	[tilespmem:$0x4E70] =	vst v1  }
0x5d: {  	v1 =	vld [tilespmem:s21+$0xB0];
	_ =	sdelay $0x4  }
0x5e: {  	v2 =	vand.u32 $0x7FFF, v1  }
0x5f: {  	v1 =	vshra.s32 v1, $0xF;
	[tilespmem:$0x4E30] =	vst v2  }
0x60: {  	[tilespmem:$0x4E80] =	vst v1  }
0x61: {  	v1 =	vld [tilespmem:s21+$0xC0];
	_ =	sdelay $0x4  }
0x62: {  	v2 =	vand.u32 $0x7FFF, v1  }
0x63: {  	v1 =	vshra.s32 v1, $0xF;
	[tilespmem:$0x4E40] =	vst v2  }
0x64: {  	[tilespmem:$0x4E90] =	vst v1  }
0x65: {  	v1 =	vld [tilespmem:s21+$0xD0];
	_ =	sdelay $0x4  }
0x66: {  	v2 =	vand.u32 $0x7FFF, v1  }
0x67: {  	v1 =	vshra.s32 v1, $0xF;
	[tilespmem:$0x4E50] =	vst v2  }
0x68: {  	[tilespmem:$0x4EA0] =	vst v1  }
0x69: {  	s20 =	simm.s32 $0x280;
	v1 =	vld [tilespmem:s21+$0xE0]  }
.LBB2_6:
0x6a: {  	_ =	sdelay $0x3  }
0x6b: {  	p0 =	sne.s32 s20, $0x13380;
	s21 =	smov.u32 s20;
	s20 =	sadd.s32 $0x280, s20;
	v2 =	vand.u32 $0x7FFF, v1;
	v1 =	vshra.s32 v1, $0xF  }
0x6c: {  	[tilespmem:$0x4E60] =	vst v2  }
0x6d: {  	[tilespmem:$0x4EB0] =	vst v1  }
0x6e: {  	[tilespmem:s9], [sflag:$0x1] =	stream.indirect.gather [hbm4b:s5+s11], $0x80, s12, s11, $0xb8;
	[tilespmem:$0x1D7E0] =	vst v63  }
0x6f: {  	_ =	swait.ge [sflag:s17], $0x2800  }
0x70: {  	[sflag:s17] =	ssyncset.done $0x0  }
0x71: {  	[sflag:s17] =	ssyncadd.s32 $0xFFFFD800  }
0x72: {  	[spmem:s1] =	stream.indirect.scatter.add.f32 [tilespmem:s14], [sflag:$0x3], $0x80, s18, s11, $0xb8;
	[tilespmem:$0x1D7E0] =	vst v63  }
0x73: {  	_ =	swait.ge [sflag:s10], $0x2800  }
0x74: {  	[sflag:s10] =	ssyncset.done $0x0  }
0x75: {  	s21 =	sshra.s32 s21, $0x2;
	[sflag:s10] =	ssyncadd.s32 $0xFFFFD800  }
0x76: {  	v1 =	vld [tilespmem:s21+$0x50];
	_ =	sdelay $0x4  }
0x77: {  	v2 =	vand.u32 $0x7FFF, v1;
	v1 =	vshra.s32 v1, $0xF  }
0x78: {  	[tilespmem:$0x4EC0] =	vst v2  }
0x79: {  	[tilespmem:$0x4F10] =	vst v1  }
0x7a: {  	v1 =	vld [tilespmem:s21+$0x60];
	_ =	sdelay $0x4  }
0x7b: {  	v2 =	vand.u32 $0x7FFF, v1;
	v1 =	vshra.s32 v1, $0xF  }
0x7c: {  	[tilespmem:$0x4ED0] =	vst v2  }
0x7d: {  	[tilespmem:$0x4F20] =	vst v1  }
0x7e: {  	v1 =	vld [tilespmem:s21+$0x70];
	_ =	sdelay $0x4  }
0x7f: {  	v2 =	vand.u32 $0x7FFF, v1;
	v1 =	vshra.s32 v1, $0xF  }
0x80: {  	[tilespmem:$0x4EE0] =	vst v2  }
0x81: {  	[tilespmem:$0x4F30] =	vst v1  }
0x82: {  	v1 =	vld [tilespmem:s21+$0x80];
	_ =	sdelay $0x4  }
0x83: {  	v2 =	vand.u32 $0x7FFF, v1;
	v1 =	vshra.s32 v1, $0xF  }
0x84: {  	[tilespmem:$0x4EF0] =	vst v2  }
0x85: {  	[tilespmem:$0x4F40] =	vst v1  }
0x86: {  	v1 =	vld [tilespmem:s21+$0x90];
	_ =	sdelay $0x4  }
0x87: {  	v2 =	vand.u32 $0x7FFF, v1;
	v1 =	vshra.s32 v1, $0xF  }
0x88: {  	[tilespmem:$0x4F00] =	vst v2  }
0x89: {  	[tilespmem:$0x4F50] =	vst v1  }
0x8a: {  	[tilespmem:s14], [sflag:$0x2] =	stream.indirect.gather [hbm4b:s5+s11], $0x80, s13, s11, $0xb8;
	[tilespmem:$0x1D7E0] =	vst v63  }
0x8b: {  	_ =	swait.ge [sflag:s15], $0x2800  }
0x8c: {  	[sflag:s15] =	ssyncset.done $0x0  }
0x8d: {  	[sflag:s15] =	ssyncadd.s32 $0xFFFFD800  }
0x8e: {  	[spmem:s1] =	stream.indirect.scatter.add.f32 [tilespmem:s9], [sflag:$0x3], $0x80, s16, s11, $0xb8;
	[tilespmem:$0x1D7E0] =	vst v63  }
0x8f: {  	_ =	swait.ge [sflag:s10], $0x2800  }
0x90: {  	[sflag:s10] =	ssyncset.done $0x0  }
0x91: {  	[sflag:s10] =	ssyncadd.s32 $0xFFFFD800  }
0x92: {  	v1 =	vld [tilespmem:s21+$0xA0];
	_ =	sdelay $0x4  }
0x93: {  	v2 =	vand.u32 $0x7FFF, v1;
	v1 =	vshra.s32 v1, $0xF  }
0x94: {  	[tilespmem:$0x4E20] =	vst v2  }
0x95: {  	[tilespmem:$0x4E70] =	vst v1  }
0x96: {  	v1 =	vld [tilespmem:s21+$0xB0];
	_ =	sdelay $0x4  }
0x97: {  	v2 =	vand.u32 $0x7FFF, v1;
	v1 =	vshra.s32 v1, $0xF  }
0x98: {  	[tilespmem:$0x4E30] =	vst v2  }
0x99: {  	[tilespmem:$0x4E80] =	vst v1  }
0x9a: {  	v1 =	vld [tilespmem:s21+$0xC0];
	_ =	sdelay $0x4  }
0x9b: {  	v2 =	vand.u32 $0x7FFF, v1;
	v1 =	vshra.s32 v1, $0xF  }
0x9c: {  	[tilespmem:$0x4E40] =	vst v2  }
0x9d: {  	[tilespmem:$0x4E90] =	vst v1  }
0x9e: {  	v1 =	vld [tilespmem:s21+$0xD0];
	_ =	sdelay $0x3  }
.Ltmp2:
0x9f: {  	(pc) =	sbr.rel @p0 .LBB2_6-.Ltmp2, $4  }
0xa0: {  	v2 =	vand.u32 $0x7FFF, v1;
	v1 =	vshra.s32 v1, $0xF  }
0xa1: {  	[tilespmem:$0x4E50] =	vst v2  }
0xa2: {  	[tilespmem:$0x4EA0] =	vst v1  }
0xa3: {  	v1 =	vld [tilespmem:s21+$0xE0]  }
0xa4: {  	_ =	sdelay $0x3  }
0xa5: {  	v2 =	vand.u32 $0x7FFF, v1  }
0xa6: {  	v1 =	vshra.s32 v1, $0xF;
	[tilespmem:$0x4E60] =	vst v2  }
0xa7: {  	[tilespmem:$0x4EB0] =	vst v1  }
0xa8: {  	[tilespmem:s9], [sflag:$0x1] =	stream.indirect.gather [hbm4b:s5+s11], $0x80, s12, s11, $0xb8;
	[tilespmem:$0x1D7E0] =	vst v63  }
0xa9: {  	_ =	swait.ge [sflag:s17], $0x2800  }
0xaa: {  	[sflag:s17] =	ssyncset.done $0x0  }
0xab: {  	[sflag:s17] =	ssyncadd.s32 $0xFFFFD800  }
0xac: {  	[spmem:s1] =	stream.indirect.scatter.add.f32 [tilespmem:s14], [sflag:$0x3], $0x80, s18, s11, $0xb8;
	[tilespmem:$0x1D7E0] =	vst v63  }
0xad: {  	_ =	swait.ge [sflag:s10], $0x2800  }
0xae: {  	[sflag:s10] =	ssyncset.done $0x0  }
0xaf: {  	[sflag:s10] =	ssyncadd.s32 $0xFFFFD800  }
0xb0: {  	v1 =	vld [tilespmem:$0x4DD0];
	_ =	sdelay $0x1  }
0xb1: {  	v2 =	vld [tilespmem:$0x4DE0];
	_ =	sdelay $0x1  }
0xb2: {  	v3 =	vld [tilespmem:$0x4DF0]  }
0xb3: {  	v4 =	vand.u32 $0x7FFF, v1  }
0xb4: {  	v63 =	vld [tilespmem:$0x4E00];
	v1 =	vshra.s32 v1, $0xF;
	[tilespmem:$0x4EC0] =	vst v4  }
0xb5: {  	[tilespmem:$0x4F10] =	vst v1;
	v1 =	vand.u32 $0x7FFF, v2  }
0xb6: {  	[tilespmem:$0x4ED0] =	vst v1;
	v1 =	vshra.s32 v2, $0xF;
	v2 =	vld [tilespmem:$0x4E10]  }
0xb7: {  	[tilespmem:$0x4F20] =	vst v1;
	v1 =	vand.u32 $0x7FFF, v3  }
0xb8: {  	[tilespmem:$0x4EE0] =	vst v1;
	v1 =	vshra.s32 v3, $0xF  }
0xb9: {  	[tilespmem:$0x4F30] =	vst v1;
	v1 =	vand.u32 $0x7FFF, v63  }
0xba: {  	[tilespmem:$0x4EF0] =	vst v1;
	v1 =	vshra.s32 v63, $0xF  }
0xbb: {  	[tilespmem:$0x4F40] =	vst v1;
	v1 =	vand.u32 $0x7FFF, v2  }
0xbc: {  	[tilespmem:$0x4F00] =	vst v1;
	v1 =	vshra.s32 v2, $0xF  }
0xbd: {  	[tilespmem:$0x4F50] =	vst v1  }
0xbe: {  	[tilespmem:s14], [sflag:$0x2] =	stream.indirect.gather [hbm4b:s5+s11], $0x80, s13, s11, $0xb8;
	[tilespmem:$0x1D7E0] =	vst v63  }
0xbf: {  	_ =	swait.ge [sflag:s15], $0x2800  }
0xc0: {  	[sflag:s15] =	ssyncset.done $0x0  }
0xc1: {  	[sflag:s15] =	ssyncadd.s32 $0xFFFFD800  }
0xc2: {  	[spmem:s1] =	stream.indirect.scatter.add.f32 [tilespmem:s9], [sflag:$0x3], $0x80, s16, s11, $0xb8;
	[tilespmem:$0x1D7E0] =	vst v63  }
0xc3: {  	_ =	swait.ge [sflag:s10], $0x2800  }
0xc4: {  	[sflag:s10] =	ssyncset.done $0x0  }
0xc5: {  	[sflag:s10] =	ssyncadd.s32 $0xFFFFD800  }
0xc6: {  	_ =	swait.ge [sflag:s17], $0x2800  }
0xc7: {  	[sflag:s17] =	ssyncset.done $0x0  }
0xc8: {  	[sflag:s17] =	ssyncadd.s32 $0xFFFFD800  }
0xc9: {  	[spmem:s1] =	stream.indirect.scatter.add.f32 [tilespmem:s14], [sflag:$0x3], $0x80, s18, s11, $0xb8;
	[tilespmem:$0x1D7E0] =	vst v63  }
0xca: {  	_ =	swait.ge [sflag:s10], $0x2800  }
0xcb: {  	s2 =	sadd.s32 $0x1, s2;
	[sflag:s10] =	ssyncset.done $0x0  }
0xcc: {  	p0 =	sne.s32 s2, s8;
	[sflag:s10] =	ssyncadd.s32 $0xFFFFD800  }
.Ltmp3:
0xcd: {  	s20 =	sshrl.u32 s7, $0x3;
	[bflag:$0x0] =	sbarrier.arrive $0xFFFF;
	(pc) =	sbr.rel @p0 .LBB2_1-.Ltmp3, $4  }
0xce: {  	[hbm:s6], [sflag:s19] =	dma.local [spmem:s20], $0x2710  }
0xcf: {  	_ =	swait.ge [sflag:s10], $0x2710  }
0xd0: {  	[sflag:s10] =	ssyncset.done $0x0  }
0xd1: {  	[sflag:s10] =	ssyncadd.s32 $0xFFFFD8F0  }
0xd2: {  	_ =	sfence.sel $0x180000  }
0xd3: {  	[bflag:$0x0] =	sbarrier.arrive $0xFFFF  }
0xd4: {  	p0 =	sne.s32 s3, $0x0;
	_ =	strace $0x9000004A  }
0xd5: {  	s0 =	sadd.s32 @!p0 $0x100000, s0;
	[bflag:$0x2] =	sbarrier.arrive $0xFFFF  }
0xd6: {  	[sflag:s0] =	ssyncadd.tile.s32 @!p0 $0x1;
	_ =	shalt  }
.Lfunc_end2:
_tile_overlayer_lowered:
.L_overlay_start_2:
0xd7: {  	(tag) =	ssettag $0x2  }
0xd8: {  	s0 =	rddreg [dreg:$0x0];
	s2 =	stileid.u32  }
0xd9: {  	s1 =	rddreg [dreg:$0x1];
	p0 =	sne.s32 s2, $0x0  }
0xda: {  	s3 =	rddreg [dreg:$0x2];
	[bflag:$0x3] =	sbarrier.arrive $0xFFFF;
	s2 =	simm.s32 @!p0 $0x1C03  }
0xdb: {  	[timem:s3], [sflag:s2] =	dma.local @!p0 [hbm:s0], s1  }
0xdc: {  	s0 =	simm.s32 @!p0 $0x3  }
0xdd: {  	_ =	swait.ge @!p0 [sflag:s0], s1  }
0xde: {  	s1 =	ssub.s32 @!p0 $0x0, s1;
	[sflag:s0] =	ssyncset.done @!p0 $0x0  }
0xdf: {  	[sflag:s0] =	ssyncadd.s32 @!p0 s1  }
0xe0: {  	[bflag:$0x3] =	sbarrier.arrive $0xFFFF  }
0xe1: {  	_ =	shalt  }

// kernel: kernel.14.cloned.1.call-start
scs
__scs_entry_jumppad:
0x0: {  	(pc) =	sbr.rel $0x88, $3  }
0x1: {  	(tag) =	ssettag $0x0;
	lr =	simm.s32 $0x1  }
0x2: {  	[smem:$0x3F96] =	sst lr;
	_ =	strace $0xD0000000  }
0x3: {  	_ = 	snop  }
0x4: {  	_ = 	snop  }
0x5: {  	_ = 	snop  }
0x6: {  	_ = 	snop  }
0x7: {  	_ = 	snop  }
__scs_overlays_trampoline_lowered:
0x8: {  	[smem:$0x3FA5] =	sst s0  }
0x9: {  	[smem:$0x3FA6] =	sst s1  }
0xa: {  	[smem:$0x3FA7] =	sst s2  }
0xb: {  	[smem:$0x3FA8] =	sst s3  }
0xc: {  	[smem:$0x3FA9] =	sst s4  }
0xd: {  	[smem:$0x3FAA] =	sst s5  }
0xe: {  	[smem:$0x3FAB] =	sst s6  }
0xf: {  	[smem:$0x3FAC] =	sst s7  }
0x10: {  	[smem:$0x3FAD] =	sst s8  }
0x11: {  	[smem:$0x3FAE] =	sst s9;
	s0 =	simm.s32 @!p0 $0x0  }
0x12: {  	s1 =	sld [smem:$0x3F94];
	s0 =	simm.s32 @p0 $0x1  }
0x13: {  	[smem:$0x3FAF] =	sst s0;
	s0 =	simm.s32 @!p1 $0x0  }
0x14: {  	s2 =	sld [smem:$0x3F93];
	s0 =	simm.s32 @p1 $0x1  }
0x15: {  	[smem:$0x3FB0] =	sst s0;
	s0 =	simm.s32 @!p2 $0x0  }
0x16: {  	s3 =	sld [smem:$0x3FDB];
	s0 =	simm.s32 @p2 $0x1  }
0x17: {  	s4 =	simm.s32 $0x1BF5;
	[smem:$0x3FB2] =	sst s0  }
0x18: {  	s0 =	sld [smem:$0x3F95];
	_ =	swait.ge [sflag:s4], $0x0  }
0x19: {  	s7 =	sld [smem:$0x3F96]  }
0x1a: {  	s8 =	sadd.s32 $0xFFFFE003, lr  }
0x1b: {  	s9 =	sadd.s32 $0xFFFFFEF7, lr;
	s5 =	simm.s32 $0xFFFFFFFF;
	p2 =	slt.u32 s8, $0xFFFFF086  }
0x1c: {  	p1 =	slt.u32 s9, $0xF7A;
	s5 =	simm.s32 @!p2 $0x0  }
0x1d: {  	s5 =	simm.s32 @p1 $0x1;
	p0 =	seq.s32 s7, s2  }
0x1e: {  	s7 =	smul.u32 @!p0 $0xF7A, s2;
	p2 =	seq.s32 @!p0 s5, $0x0  }
0x1f: {  	s9 =	smul.u32 $0xF7A, s1;
	s8 =	simm.s32 @!p0 $0x1BF5;
	p2 =	por !p2, p0  }
0x20: {  	[sflag:s8] =	ssyncset.s32 @!p0 $0xFFFFF086;
	s6 =	sadd.s32 @!p0 s3, s7;
	s7 =	simm.s32 @!p0 $0x108  }
0x21: {  	s3 =	sadd.s32 s3, s9;
	s6 =	sadd.s32 @!p0 $0x88, s6;
	s7 =	simm.s32 @p2 $0x1082  }
0x22: {  	[simem:s7], [sflag:s8] =	dma.local @!p0 [hbm:s6], $0xF7A  }
0x23: {  	s9 =	sor.u32 $0xD0000000, s2;
	s6 =	simm.s32 $0x108;
	_ =	swait.ge @!p0 [sflag:s8], $0x0  }
0x24: {  	s3 =	sadd.s32 $0x88, s3;
	s6 =	simm.s32 @!p1 $0x1082;
	[sflag:s4] =	ssyncset.s32 $0xFFFFF086  }
0x25: {  	[simem:s6], [sflag:s4] =	dma.local [hbm:s3], $0xF7A  }
0x26: {  	[smem:$0x3F96] =	sst s1;
	(tag) =	ssettag s2;
	_ =	strace s9  }
0x27: {  	s1 =	sld [smem:$0x3FA6]  }
0x28: {  	s2 =	sld [smem:$0x3FA7]  }
0x29: {  	s4 =	sld [smem:$0x3FA9]  }
0x2a: {  	p0 =	seq.s32 s5, $0x0;
	s5 =	sld [smem:$0x3FAA]  }
0x2b: {  	s6 =	sld [smem:$0x3FAB]  }
0x2c: {  	s7 =	sld [smem:$0x3FAC]  }
0x2d: {  	s3 =	simm.s32 $0x108;
	s8 =	sld [smem:$0x3FAD]  }
0x2e: {  	s3 =	simm.s32 @!p0 $0x1082;
	s9 =	sld [smem:$0x3FAE]  }
0x2f: {  	lr =	sadd.s32 s0, s3;
	s0 =	sld [smem:$0x3FA5]  }
0x30: {  	s3 =	sld [smem:$0x3FA8]  }
0x31: {  	[smem:$0x3FB1] =	sst s10  }
0x32: {  	s10 =	sld [smem:$0x3FAF];
	_ =	sdelay $0x3  }
0x33: {  	p0 =	seq.s32 s10, $0x1;
	s10 =	sld [smem:$0x3FB1];
	_ =	sdelay $0x3  }
0x34: {  	[smem:$0x3FB1] =	sst s10  }
0x35: {  	s10 =	sld [smem:$0x3FB0];
	_ =	sdelay $0x3  }
0x36: {  	p1 =	seq.s32 s10, $0x1;
	s10 =	sld [smem:$0x3FB1];
	_ =	sdelay $0x3  }
0x37: {  	[smem:$0x3FB1] =	sst s10  }
0x38: {  	s10 =	sld [smem:$0x3FB2]  }
0x39: {  	_ = 	snop;
	(pc) =	sbr.ind lr, $3  }
0x3a: {  	_ = 	snop  }
0x3b: {  	_ = 	snop  }
0x3c: {  	p2 =	seq.s32 s10, $0x1;
	s10 =	sld [smem:$0x3FB1]  }
0x3d: {  	_ =	shalt  }
0x3e: {  	_ =	shalt  }
0x3f: {  	_ =	shalt  }
0x40: {  	_ =	shalt  }
0x41: {  	_ =	shalt  }
0x42: {  	_ =	shalt  }
0x43: {  	_ =	shalt  }
0x44: {  	_ =	shalt  }
0x45: {  	_ =	shalt  }
0x46: {  	_ =	shalt  }
0x47: {  	_ =	shalt  }
0x48: {  	_ =	shalt  }
0x49: {  	_ =	shalt  }
0x4a: {  	_ =	shalt  }
0x4b: {  	_ =	shalt  }
0x4c: {  	_ =	shalt  }
0x4d: {  	_ =	shalt  }
0x4e: {  	_ =	shalt  }
0x4f: {  	_ =	shalt  }
0x50: {  	_ =	shalt  }
0x51: {  	_ =	shalt  }
0x52: {  	_ =	shalt  }
0x53: {  	_ =	shalt  }
0x54: {  	_ =	shalt  }
0x55: {  	_ =	shalt  }
0x56: {  	_ =	shalt  }
0x57: {  	_ =	shalt  }
0x58: {  	_ =	shalt  }
0x59: {  	_ =	shalt  }
0x5a: {  	_ =	shalt  }
0x5b: {  	_ =	shalt  }
0x5c: {  	_ =	shalt  }
0x5d: {  	_ =	shalt  }
0x5e: {  	_ =	shalt  }
0x5f: {  	_ =	shalt  }
0x60: {  	_ =	shalt  }
0x61: {  	_ =	shalt  }
0x62: {  	_ =	shalt  }
0x63: {  	_ =	shalt  }
0x64: {  	_ =	shalt  }
0x65: {  	_ =	shalt  }
0x66: {  	_ =	shalt  }
0x67: {  	_ =	shalt  }
0x68: {  	_ =	shalt  }
0x69: {  	_ =	shalt  }
0x6a: {  	_ =	shalt  }
0x6b: {  	_ =	shalt  }
0x6c: {  	_ =	shalt  }
0x6d: {  	_ =	shalt  }
0x6e: {  	_ =	shalt  }
0x6f: {  	_ =	shalt  }
0x70: {  	_ =	shalt  }
0x71: {  	_ =	shalt  }
0x72: {  	_ =	shalt  }
0x73: {  	_ =	shalt  }
0x74: {  	_ =	shalt  }
0x75: {  	_ =	shalt  }
0x76: {  	_ =	shalt  }
0x77: {  	_ =	shalt  }
0x78: {  	_ =	shalt  }
0x79: {  	_ =	shalt  }
0x7a: {  	_ =	shalt  }
0x7b: {  	_ =	shalt  }
0x7c: {  	_ =	shalt  }
0x7d: {  	_ =	shalt  }
0x7e: {  	_ =	shalt  }
0x7f: {  	_ =	shalt  }
0x80: {  	_ =	shalt  }
0x81: {  	_ =	shalt  }
0x82: {  	_ =	shalt  }
0x83: {  	_ =	shalt  }
0x84: {  	_ =	shalt  }
0x85: {  	_ =	shalt  }
0x86: {  	_ =	shalt  }
0x87: {  	_ =	shalt  }
.Lfunc_end0:
.L_simem_size_0:
called_computation.2_lowered:
.L_overlay_start_0:
0x88: {  	s2 =	sld [smem:$0x3FD9]  }
0x89: {  	s3 =	sld [smem:$0x3FFE];
	_ =	sdelay $0x1  }
0x8a: {  	s1 =	srdreg.scid  }
0x8b: {  	s0 =	sand.u32 $0x1, s1  }
0x8c: {  	s17 =	sshll.u32 s0, $0xA;
	s2 =	sadd.s32 s3, s2  }
0x8d: {  	s2 =	sadd.s32 s2, s17  }
0x8e: {  	[smem:$0x3FBD] =	sst s2  }
0x8f: {  	_ = 	snop  }
0x90: {  	s2 =	sld [smem:$0x3FD0];
	(tm) =	ssettm $0x1  }
0x91: {  	s18 =	sld [smem:$0x3FFB];
	_ =	sdelay $0x3  }
0x92: {  	_ =	strace s18  }
0x93: {  	s3 =	sld [smem:$0x3FFC];
	_ =	sdelay $0x3  }
0x94: {  	_ =	strace s3  }
0x95: {  	s3 =	sld [smem:$0x3FFD];
	_ =	sdelay $0x3  }
0x96: {  	_ =	strace s3  }
0x97: {  	_ =	strace $0x8FFFFFFF  }
0x98: {  	s19 =	sld [smem:$0x3FDB];
	_ =	sdelay $0x1  }
0x99: {  	s4 =	simm.s32 $_scs_section_size  }
0x9a: {  	s5 =	simm.s32 $_size__tile_overlayer_lowered;
	s6 =	simm.s32 $_tile_overlayer_lowered  }
0x9b: {  	s22 =	simm.s32 $0x1BFF;
	s21 =	sshll.u32 s6, $0x1;
	s3 =	sadd.s32 s4, s19  }
0x9c: {  	s7 =	simm.s32 $0x0;
	s20 =	sshll.u32 s5, $0x1;
	s5 =	sadd.s32 s21, s3  }
0x9d: {  	[timem:s7], [sflag:s22] =	dma.local [hbm:s5], s20  }
0x9e: {  	_ =	swait.ge [sflag:s22], s20  }
0x9f: {  	s4 =	ssub.s32 $0x0, s20;
	[sflag:s22] =	ssyncset.done $0x0  }
0xa0: {  	[sflag:s22] =	ssyncadd.s32 s4;
	_ =	sdelay $0x1  }
0xa1: {  	s23 =	simm.s32 $0x1B8B  }
0xa2: {  	_ =	swait.ge [sflag:s23], $0x1  }
0xa3: {  	[sflag:s23] =	ssyncset.done $0x0  }
0xa4: {  	s25 =	simm.s32 $0x1B8E;
	s24 =	sld [smem:$0x3FFE];
	[sflag:s23] =	ssyncadd.s32 $0xFFFFFFFF  }
0xa5: {  	s26 =	simm.s32 $execute0_lowered;
	[smem:$0x3FD2] =	sst s25  }
0xa6: {  	s5 =	sshll.u32 s26, $0x1;
	_ =	strace $0x8000004C;
	[dreg:$0x1] =	wrdreg $0xFFFFFFFF  }
0xa7: {  	s28 =	simm.s32 $_size_execute0_lowered;
	s3 =	sadd.s32 s3, s5;
	[dreg:$0x0] =	wrdreg $0x0  }
0xa8: {  	s5 =	sshll.u32 s28, $0x1;
	[dreg:$0x2] =	wrdreg s3  }
0xa9: {  	[dreg:$0x3] =	wrdreg s5  }
0xaa: {  	[dreg:$0x4] =	wrdreg $0xC0  }
0xab: {  	_ =	task [dreg:s7], $0x5FFFF  }
0xac: {  	[dreg:$0x1] =	wrdreg $0xFFFFFFFF  }
0xad: {  	[dreg:$0x0] =	wrdreg $0x60  }
0xae: {  	[dreg:$0x2] =	wrdreg s2  }
0xaf: {  	[dreg:$0x3] =	wrdreg s24  }
0xb0: {  	[dreg:$0x4] =	wrdreg $0x50500  }
0xb1: {  	[dreg:$0x5] =	wrdreg $0x9  }
0xb2: {  	_ =	task.clear_ibuf [dreg:s7], $0x6FFFF;
	_ =	strace $0x9000004C  }
0xb3: {  	s29 =	simm.s32 $0x9;
	_ =	strace $0x8000004E  }
0xb4: {  	_ =	swait.ge [sflag:s29], $0x1  }
0xb5: {  	[sflag:s29] =	ssyncadd.s32 $0xFFFFFFFF  }
0xb6: {  	_ =	strace $0x9000004E  }
0xb7: {  	_ =	sfence  }
0xb8: {  	s30 =	sld [smem:$0x0];
	_ =	sdelay $0x2  }
0xb9: {  	s31 =	sshll.u32 s1, $0xD;
	s1 =	sshrl.u32 s1, $0x2  }
0xba: {  	s3 =	sand.u32 $0x4000, s31;
	s1 =	sadd.s32 s1, s30  }
0xbb: {  	s0 =	sor.u32 s3, s0;
	s1 =	sshll.u32 s1, $0x11  }
0xbc: {  	s0 =	sor.u32 s1, s0  }
0xbd: {  	s0 =	sadd.s32 $0x8F2B, s0  }
0xbe: {  	[sflag:s0] =	ssyncadd.remote.s32 $0x1  }
0xbf: {  	_ =	sfence.sel $0xFFFF  }
0xc0: {  	[dreg:$0x0] =	wrdreg $0xFFFFFFFF;
	(pc) =	sbr.abs _section_cstart, $3  }
0xc1: {  	[dreg:$0x1] =	wrdreg $0xFFFFFFFF  }
0xc2: {  	_ =	task.clear_ibuf [dreg:s7], $0x2FFFF;
	_ =	strace $0x9FFFFFFF  }
0xc3: {  	(tm) =	ssettm $0x7FFFFFFF  }
tec
execute0_lowered:
.L_overlay_start_1:
0x0: {  	(tag) =	ssettag $0x1  }
0x1: {  	s1 =	rddreg [dreg:$0x0]  }
0x2: {  	s5 =	rddreg [dreg:$0x1]  }
0x3: {  	s2 =	rddreg [dreg:$0x2];
	s3 =	srdreg.scid  }
0x4: {  	s0 =	rddreg [dreg:$0x3];
	s4 =	simm.s32 $0x0;
	s11 =	simm.s32 $0x50  }
0x5: {  	s12 =	simm.s32 $0x2710;
	s13 =	simm.s32 $0x27B0;
	s14 =	simm.s32 $0x3C50  }
0x6: {  	s15 =	simm.s32 $0x1;
	s16 =	simm.s32 $0x2760;
	s17 =	simm.s32 $0x2  }
0x7: {  	s18 =	simm.s32 $0x2800;
	s6 =	sand.u32 $0x1, s3;
	s3 =	stileid.u32  }
0x8: {  	[smem:$0x7FF] =	sst s4;
	s7 =	sshll.u32 s6, $0x4;
	s8 =	smul.u32 $0x13880, s6  }
0x9: {  	s9 =	smul.u32 $0x1388, s3;
	_ =	strace $0x8000004D;
	s6 =	ssub.s32 $0x2, s6  }
0xa: {  	s10 =	smul.u32 $0x27100, s3;
	s19 =	sshll.u32 s3, $0x6;
	s7 =	sor.u32 s3, s7  }
0xb: {  	s30 =	sshrl.u32 s6, $0x1;
	s19 =	sor.u32 $0x1C03, s19;
	s7 =	smul.u32 $0x4E2, s7  }
0xc: {  	s8 =	sadd.s32 s9, s8;
	s9 =	ssub.s32 s6, s30;
	s31 =	sshrl.u32 s10, $0x2  }
0xd: {  	s10 =	simm.s32 $0x3;
	s8 =	sadd.s32 s8, s5;
	s7 =	sadd.s32 s7, s5  }
0xe: {  	s6 =	sadd.s32 $0xCA00, s8;
	s5 =	sadd.s32 $0x2C00, s7;
	s7 =	sadd.s32 s31, s2  }
0xf: {  	v0 =	vimm.f32 $0.0e+00;
	s8 =	smax.u32 s9, $0x1;
	s9 =	simm.s32 $0x2850;
	s20 =	sshrl.u32 s7, $0x3  }
.LBB2_1:
0x10: {  	s21 =	simm.s32 $0x0  }
.LBB2_2:
0x11: {  	p0 =	sne.s32 s21, $0x4F00  }
.Ltmp0:
0x12: {  	s22 =	sshra.s32 s21, $0x2;
	(pc) =	sbr.rel @p0 .LBB2_2-.Ltmp0, $4  }
0x13: {  	[tilespmem:s22+$0x2850] =	vst v0  }
0x14: {  	[tilespmem:s22+$0x2860] =	vst v0  }
0x15: {  	[tilespmem:s22+$0x2870] =	vst v0  }
0x16: {  	s21 =	sadd.s32 $0x100, s21;
	[tilespmem:s22+$0x2880] =	vst v0  }
0x17: {  	s21 =	sadd.s32 $0x0, s7  }
0x18: {  	[spmem:s21] =	stream.linear.scatter [tilespmem:s9], [sflag:$0x3], $0x640, $0x38;
	[tilespmem:$0xEC90] =	vst v63  }
0x19: {  	s21 =	simm.s32 $0x1900;
	_ =	swait.ge [sflag:s10], $0x640  }
.LBB2_4:
0x1a: {  	s22 =	sshra.s32 s21, $0x2;
	[sflag:s10] =	ssyncset.done $0x0;
	p0 =	sne.s32 s21, $0x25800  }
.Ltmp1:
0x1b: {  	s22 =	sadd.s32 s22, s7;
	[sflag:s10] =	ssyncadd.s32 $0xFFFFF9C0;
	(pc) =	sbr.rel @p0 .LBB2_4-.Ltmp1, $3  }
0x1c: {  	[spmem:s22] =	stream.linear.scatter [tilespmem:s9], [sflag:$0x3], $0x640, $0x38;
	[tilespmem:$0xEC90] =	vst v63  }
0x1d: {  	s21 =	sadd.s32 $0x1900, s21;
	_ =	sdelay $0x1  }
0x1e: {  	_ =	swait.ge [sflag:s10], $0x640  }
0x1f: {  	[sflag:s10] =	ssyncset.done $0x0  }
0x20: {  	[sflag:s10] =	ssyncadd.s32 $0xFFFFF9C0  }
0x21: {  	s21 =	simm.s32 $0x0;
	[bflag:$0x0] =	sbarrier.arrive $0xFFFF  }
0x22: {  	[tilespmem:s21], [sflag:$0x3] =	stream.linear.gather [hbm4b:s5+s21], $0x2710, $0x38;
	[tilespmem:$0xEC90] =	vst v63  }
0x23: {  	_ =	swait.ge [sflag:s10], $0x2710  }
0x24: {  	[sflag:s10] =	ssyncset.done $0x0  }
0x25: {  	[sflag:s10] =	ssyncadd.s32 $0xFFFFD8F0  }
0x26: {  	v1 =	vld [tilespmem:$0x0];
	_ =	sdelay $0x1  }
0x27: {  	v2 =	vld [tilespmem:$0x10];
	_ =	sdelay $0x1  }
0x28: {  	v3 =	vld [tilespmem:$0x20]  }
0x29: {  	v4 =	vand.u32 $0x7FFF, v1  }
0x2a: {  	v63 =	vld [tilespmem:$0x30];
	v1 =	vshra.s32 v1, $0xF;
	[tilespmem:$0x2710] =	vst v4  }
0x2b: {  	[tilespmem:$0x2760] =	vst v1;
	v1 =	vand.u32 $0x7FFF, v2  }
0x2c: {  	[tilespmem:$0x2720] =	vst v1;
	v1 =	vshra.s32 v2, $0xF;
	v2 =	vld [tilespmem:$0x40]  }
0x2d: {  	[tilespmem:$0x2770] =	vst v1;
	v1 =	vand.u32 $0x7FFF, v3  }
0x2e: {  	[tilespmem:$0x2730] =	vst v1;
	v1 =	vshra.s32 v3, $0xF  }
0x2f: {  	[tilespmem:$0x2780] =	vst v1;
	v1 =	vand.u32 $0x7FFF, v63  }
0x30: {  	[tilespmem:$0x2740] =	vst v1;
	v1 =	vshra.s32 v63, $0xF  }
0x31: {  	[tilespmem:$0x2790] =	vst v1;
	v1 =	vand.u32 $0x7FFF, v2  }
0x32: {  	[tilespmem:$0x2750] =	vst v1;
	v1 =	vshra.s32 v2, $0xF  }
0x33: {  	s22 =	simm.s32 $0x0;
	[tilespmem:$0x27A0] =	vst v1  }
0x34: {  	[tilespmem:s9], [sflag:$0x1] =	stream.indirect.gather [hbm4b:s1+s11], $0x40, s12, s11, $0xb8;
	[tilespmem:$0xEC90] =	vst v63  }
0x35: {  	v1 =	vld [tilespmem:s22+$0x50];
	_ =	sdelay $0x4  }
0x36: {  	v2 =	vand.u32 $0x7FFF, v1  }
0x37: {  	v1 =	vshra.s32 v1, $0xF;
	[tilespmem:$0x27B0] =	vst v2  }
0x38: {  	[tilespmem:$0x2800] =	vst v1  }
0x39: {  	v1 =	vld [tilespmem:s22+$0x60];
	_ =	sdelay $0x4  }
0x3a: {  	v2 =	vand.u32 $0x7FFF, v1  }
0x3b: {  	v1 =	vshra.s32 v1, $0xF;
	[tilespmem:$0x27C0] =	vst v2  }
0x3c: {  	[tilespmem:$0x2810] =	vst v1  }
0x3d: {  	v1 =	vld [tilespmem:s22+$0x70];
	_ =	sdelay $0x4  }
0x3e: {  	v2 =	vand.u32 $0x7FFF, v1  }
0x3f: {  	v1 =	vshra.s32 v1, $0xF;
	[tilespmem:$0x27D0] =	vst v2  }
0x40: {  	[tilespmem:$0x2820] =	vst v1  }
0x41: {  	v1 =	vld [tilespmem:s22+$0x80];
	_ =	sdelay $0x4  }
0x42: {  	v2 =	vand.u32 $0x7FFF, v1  }
0x43: {  	v1 =	vshra.s32 v1, $0xF;
	[tilespmem:$0x27E0] =	vst v2  }
0x44: {  	[tilespmem:$0x2830] =	vst v1  }
0x45: {  	v1 =	vld [tilespmem:s22+$0x90];
	_ =	sdelay $0x4  }
0x46: {  	v2 =	vand.u32 $0x7FFF, v1  }
0x47: {  	v1 =	vshra.s32 v1, $0xF;
	[tilespmem:$0x27F0] =	vst v2  }
0x48: {  	[tilespmem:$0x2840] =	vst v1  }
0x49: {  	[tilespmem:s14], [sflag:$0x2] =	stream.indirect.gather [hbm4b:s1+s11], $0x40, s13, s11, $0xb8;
	[tilespmem:$0xEC90] =	vst v63  }
0x4a: {  	_ =	swait.ge [sflag:s15], $0x1400  }
0x4b: {  	[sflag:s15] =	ssyncset.done $0x0  }
0x4c: {  	[sflag:s15] =	ssyncadd.s32 $0xFFFFEC00  }
0x4d: {  	[spmem:s2] =	stream.indirect.scatter.add.f32 [tilespmem:s9], [sflag:$0x3], $0x40, s16, s11, $0xb8;
	[tilespmem:$0xEC90] =	vst v63  }
0x4e: {  	_ =	swait.ge [sflag:s10], $0x1400  }
0x4f: {  	[sflag:s10] =	ssyncset.done $0x0  }
0x50: {  	[sflag:s10] =	ssyncadd.s32 $0xFFFFEC00  }
0x51: {  	v1 =	vld [tilespmem:s22+$0xA0];
	_ =	sdelay $0x4  }
0x52: {  	v2 =	vand.u32 $0x7FFF, v1  }
0x53: {  	v1 =	vshra.s32 v1, $0xF;
	[tilespmem:$0x2710] =	vst v2  }
0x54: {  	[tilespmem:$0x2760] =	vst v1  }
0x55: {  	v1 =	vld [tilespmem:s22+$0xB0];
	_ =	sdelay $0x4  }
0x56: {  	v2 =	vand.u32 $0x7FFF, v1  }
0x57: {  	v1 =	vshra.s32 v1, $0xF;
	[tilespmem:$0x2720] =	vst v2  }
0x58: {  	[tilespmem:$0x2770] =	vst v1  }
0x59: {  	v1 =	vld [tilespmem:s22+$0xC0];
	_ =	sdelay $0x4  }
0x5a: {  	v2 =	vand.u32 $0x7FFF, v1  }
0x5b: {  	v1 =	vshra.s32 v1, $0xF;
	[tilespmem:$0x2730] =	vst v2  }
0x5c: {  	[tilespmem:$0x2780] =	vst v1  }
0x5d: {  	v1 =	vld [tilespmem:s22+$0xD0];
	_ =	sdelay $0x4  }
0x5e: {  	v2 =	vand.u32 $0x7FFF, v1  }
0x5f: {  	v1 =	vshra.s32 v1, $0xF;
	[tilespmem:$0x2740] =	vst v2  }
0x60: {  	[tilespmem:$0x2790] =	vst v1  }
0x61: {  	s21 =	simm.s32 $0x280;
	v1 =	vld [tilespmem:s22+$0xE0]  }
.LBB2_6:
0x62: {  	_ =	sdelay $0x3  }
0x63: {  	p0 =	sne.s32 s21, $0x9880;
	s22 =	smov.u32 s21;
	s21 =	sadd.s32 $0x280, s21;
	v2 =	vand.u32 $0x7FFF, v1;
	v1 =	vshra.s32 v1, $0xF  }
0x64: {  	[tilespmem:$0x2750] =	vst v2  }
0x65: {  	[tilespmem:$0x27A0] =	vst v1  }
0x66: {  	[tilespmem:s9], [sflag:$0x1] =	stream.indirect.gather [hbm4b:s1+s11], $0x40, s12, s11, $0xb8;
	[tilespmem:$0xEC90] =	vst v63  }
0x67: {  	_ =	swait.ge [sflag:s17], $0x1400  }
0x68: {  	[sflag:s17] =	ssyncset.done $0x0  }
0x69: {  	[sflag:s17] =	ssyncadd.s32 $0xFFFFEC00  }
0x6a: {  	[spmem:s2] =	stream.indirect.scatter.add.f32 [tilespmem:s14], [sflag:$0x3], $0x40, s18, s11, $0xb8;
	[tilespmem:$0xEC90] =	vst v63  }
0x6b: {  	_ =	swait.ge [sflag:s10], $0x1400  }
0x6c: {  	[sflag:s10] =	ssyncset.done $0x0  }
0x6d: {  	s22 =	sshra.s32 s22, $0x2;
	[sflag:s10] =	ssyncadd.s32 $0xFFFFEC00  }
0x6e: {  	v1 =	vld [tilespmem:s22+$0x50];
	_ =	sdelay $0x4  }
0x6f: {  	v2 =	vand.u32 $0x7FFF, v1;
	v1 =	vshra.s32 v1, $0xF  }
0x70: {  	[tilespmem:$0x27B0] =	vst v2  }
0x71: {  	[tilespmem:$0x2800] =	vst v1  }
0x72: {  	v1 =	vld [tilespmem:s22+$0x60];
	_ =	sdelay $0x4  }
0x73: {  	v2 =	vand.u32 $0x7FFF, v1;
	v1 =	vshra.s32 v1, $0xF  }
0x74: {  	[tilespmem:$0x27C0] =	vst v2  }
0x75: {  	[tilespmem:$0x2810] =	vst v1  }
0x76: {  	v1 =	vld [tilespmem:s22+$0x70];
	_ =	sdelay $0x4  }
0x77: {  	v2 =	vand.u32 $0x7FFF, v1;
	v1 =	vshra.s32 v1, $0xF  }
0x78: {  	[tilespmem:$0x27D0] =	vst v2  }
0x79: {  	[tilespmem:$0x2820] =	vst v1  }
0x7a: {  	v1 =	vld [tilespmem:s22+$0x80];
	_ =	sdelay $0x4  }
0x7b: {  	v2 =	vand.u32 $0x7FFF, v1;
	v1 =	vshra.s32 v1, $0xF  }
0x7c: {  	[tilespmem:$0x27E0] =	vst v2  }
0x7d: {  	[tilespmem:$0x2830] =	vst v1  }
0x7e: {  	v1 =	vld [tilespmem:s22+$0x90];
	_ =	sdelay $0x4  }
0x7f: {  	v2 =	vand.u32 $0x7FFF, v1;
	v1 =	vshra.s32 v1, $0xF  }
0x80: {  	[tilespmem:$0x27F0] =	vst v2  }
0x81: {  	[tilespmem:$0x2840] =	vst v1  }
0x82: {  	[tilespmem:s14], [sflag:$0x2] =	stream.indirect.gather [hbm4b:s1+s11], $0x40, s13, s11, $0xb8;
	[tilespmem:$0xEC90] =	vst v63  }
0x83: {  	_ =	swait.ge [sflag:s15], $0x1400  }
0x84: {  	[sflag:s15] =	ssyncset.done $0x0  }
0x85: {  	[sflag:s15] =	ssyncadd.s32 $0xFFFFEC00  }
0x86: {  	[spmem:s2] =	stream.indirect.scatter.add.f32 [tilespmem:s9], [sflag:$0x3], $0x40, s16, s11, $0xb8;
	[tilespmem:$0xEC90] =	vst v63  }
0x87: {  	_ =	swait.ge [sflag:s10], $0x1400  }
0x88: {  	[sflag:s10] =	ssyncset.done $0x0  }
0x89: {  	[sflag:s10] =	ssyncadd.s32 $0xFFFFEC00  }
0x8a: {  	v1 =	vld [tilespmem:s22+$0xA0];
	_ =	sdelay $0x4  }
0x8b: {  	v2 =	vand.u32 $0x7FFF, v1;
	v1 =	vshra.s32 v1, $0xF  }
0x8c: {  	[tilespmem:$0x2710] =	vst v2  }
0x8d: {  	[tilespmem:$0x2760] =	vst v1  }
0x8e: {  	v1 =	vld [tilespmem:s22+$0xB0];
	_ =	sdelay $0x4  }
0x8f: {  	v2 =	vand.u32 $0x7FFF, v1;
	v1 =	vshra.s32 v1, $0xF  }
0x90: {  	[tilespmem:$0x2720] =	vst v2  }
0x91: {  	[tilespmem:$0x2770] =	vst v1  }
0x92: {  	v1 =	vld [tilespmem:s22+$0xC0];
	_ =	sdelay $0x4  }
0x93: {  	v2 =	vand.u32 $0x7FFF, v1;
	v1 =	vshra.s32 v1, $0xF  }
0x94: {  	[tilespmem:$0x2730] =	vst v2  }
0x95: {  	[tilespmem:$0x2780] =	vst v1  }
0x96: {  	v1 =	vld [tilespmem:s22+$0xD0];
	_ =	sdelay $0x3  }
.Ltmp2:
0x97: {  	(pc) =	sbr.rel @p0 .LBB2_6-.Ltmp2, $4  }
0x98: {  	v2 =	vand.u32 $0x7FFF, v1;
	v1 =	vshra.s32 v1, $0xF  }
0x99: {  	[tilespmem:$0x2740] =	vst v2  }
0x9a: {  	[tilespmem:$0x2790] =	vst v1  }
0x9b: {  	v1 =	vld [tilespmem:s22+$0xE0]  }
0x9c: {  	_ =	sdelay $0x3  }
0x9d: {  	v2 =	vand.u32 $0x7FFF, v1  }
0x9e: {  	v1 =	vshra.s32 v1, $0xF;
	[tilespmem:$0x2750] =	vst v2  }
0x9f: {  	[tilespmem:$0x27A0] =	vst v1  }
0xa0: {  	[tilespmem:s9], [sflag:$0x1] =	stream.indirect.gather [hbm4b:s1+s11], $0x40, s12, s11, $0xb8;
	[tilespmem:$0xEC90] =	vst v63  }
0xa1: {  	_ =	swait.ge [sflag:s17], $0x1400  }
0xa2: {  	[sflag:s17] =	ssyncset.done $0x0  }
0xa3: {  	[sflag:s17] =	ssyncadd.s32 $0xFFFFEC00  }
0xa4: {  	[spmem:s2] =	stream.indirect.scatter.add.f32 [tilespmem:s14], [sflag:$0x3], $0x40, s18, s11, $0xb8;
	[tilespmem:$0xEC90] =	vst v63  }
0xa5: {  	_ =	swait.ge [sflag:s10], $0x1400  }
0xa6: {  	[sflag:s10] =	ssyncset.done $0x0  }
0xa7: {  	[sflag:s10] =	ssyncadd.s32 $0xFFFFEC00  }
0xa8: {  	_ =	swait.ge [sflag:s15], $0x1400  }
0xa9: {  	[sflag:s15] =	ssyncset.done $0x0  }
0xaa: {  	[sflag:s15] =	ssyncadd.s32 $0xFFFFEC00  }
0xab: {  	[spmem:s2] =	stream.indirect.scatter.add.f32 [tilespmem:s9], [sflag:$0x3], $0x40, s16, s11, $0xb8;
	[tilespmem:$0xEC90] =	vst v63  }
0xac: {  	_ =	swait.ge [sflag:s10], $0x1400  }
0xad: {  	s4 =	sadd.s32 $0x1, s4;
	[sflag:s10] =	ssyncset.done $0x0  }
0xae: {  	p0 =	sne.s32 s4, s8;
	[sflag:s10] =	ssyncadd.s32 $0xFFFFEC00  }
.Ltmp3:
0xaf: {  	[bflag:$0x0] =	sbarrier.arrive $0xFFFF;
	(pc) =	sbr.rel @p0 .LBB2_1-.Ltmp3, $4  }
0xb0: {  	[hbm:s6], [sflag:s19] =	dma.local [spmem:s20], $0x1388  }
0xb1: {  	_ =	swait.ge [sflag:s10], $0x1388  }
0xb2: {  	[sflag:s10] =	ssyncset.done $0x0  }
0xb3: {  	[sflag:s10] =	ssyncadd.s32 $0xFFFFEC78  }
0xb4: {  	_ =	sfence.sel $0x180000  }
0xb5: {  	[bflag:$0x0] =	sbarrier.arrive $0xFFFF  }
0xb6: {  	p0 =	sne.s32 s3, $0x0;
	_ =	strace $0x9000004D  }
0xb7: {  	s0 =	sadd.s32 @!p0 $0x100000, s0;
	[bflag:$0x2] =	sbarrier.arrive $0xFFFF  }
0xb8: {  	[sflag:s0] =	ssyncadd.tile.s32 @!p0 $0x1;
	_ =	shalt  }
.Lfunc_end2:
_tile_overlayer_lowered:
.L_overlay_start_2:
0xb9: {  	(tag) =	ssettag $0x2  }
0xba: {  	s0 =	rddreg [dreg:$0x0];
	s2 =	stileid.u32  }
0xbb: {  	s1 =	rddreg [dreg:$0x1];
	p0 =	sne.s32 s2, $0x0  }
0xbc: {  	s3 =	rddreg [dreg:$0x2];
	[bflag:$0x3] =	sbarrier.arrive $0xFFFF;
	s2 =	simm.s32 @!p0 $0x1C03  }
0xbd: {  	[timem:s3], [sflag:s2] =	dma.local @!p0 [hbm:s0], s1  }
0xbe: {  	s0 =	simm.s32 @!p0 $0x3  }
0xbf: {  	_ =	swait.ge @!p0 [sflag:s0], s1  }
0xc0: {  	s1 =	ssub.s32 @!p0 $0x0, s1;
	[sflag:s0] =	ssyncset.done @!p0 $0x0  }
0xc1: {  	[sflag:s0] =	ssyncadd.s32 @!p0 s1  }
0xc2: {  	[bflag:$0x3] =	sbarrier.arrive $0xFFFF  }
0xc3: {  	_ =	shalt  }

// kernel: kernel.8.cloned.1.call-start
scs
__scs_entry_jumppad:
0x0: {  	(pc) =	sbr.rel $0x88, $3  }
0x1: {  	(tag) =	ssettag $0x0;
	lr =	simm.s32 $0x1  }
0x2: {  	[smem:$0x3F96] =	sst lr;
	_ =	strace $0xD0000000  }
0x3: {  	_ = 	snop  }
0x4: {  	_ = 	snop  }
0x5: {  	_ = 	snop  }
0x6: {  	_ = 	snop  }
0x7: {  	_ = 	snop  }
__scs_overlays_trampoline_lowered:
0x8: {  	[smem:$0x3FA5] =	sst s0  }
0x9: {  	[smem:$0x3FA6] =	sst s1  }
0xa: {  	[smem:$0x3FA7] =	sst s2  }
0xb: {  	[smem:$0x3FA8] =	sst s3  }
0xc: {  	[smem:$0x3FA9] =	sst s4  }
0xd: {  	[smem:$0x3FAA] =	sst s5  }
0xe: {  	[smem:$0x3FAB] =	sst s6  }
0xf: {  	[smem:$0x3FAC] =	sst s7  }
0x10: {  	[smem:$0x3FAD] =	sst s8  }
0x11: {  	[smem:$0x3FAE] =	sst s9;
	s0 =	simm.s32 @!p0 $0x0  }
0x12: {  	s1 =	sld [smem:$0x3F94];
	s0 =	simm.s32 @p0 $0x1  }
0x13: {  	[smem:$0x3FAF] =	sst s0;
	s0 =	simm.s32 @!p1 $0x0  }
0x14: {  	s2 =	sld [smem:$0x3F93];
	s0 =	simm.s32 @p1 $0x1  }
0x15: {  	[smem:$0x3FB0] =	sst s0;
	s0 =	simm.s32 @!p2 $0x0  }
0x16: {  	s3 =	sld [smem:$0x3FDB];
	s0 =	simm.s32 @p2 $0x1  }
0x17: {  	s4 =	simm.s32 $0x1BF5;
	[smem:$0x3FB2] =	sst s0  }
0x18: {  	s0 =	sld [smem:$0x3F95];
	_ =	swait.ge [sflag:s4], $0x0  }
0x19: {  	s7 =	sld [smem:$0x3F96]  }
0x1a: {  	s8 =	sadd.s32 $0xFFFFE003, lr  }
0x1b: {  	s9 =	sadd.s32 $0xFFFFFEF7, lr;
	s5 =	simm.s32 $0xFFFFFFFF;
	p2 =	slt.u32 s8, $0xFFFFF086  }
0x1c: {  	p1 =	slt.u32 s9, $0xF7A;
	s5 =	simm.s32 @!p2 $0x0  }
0x1d: {  	s5 =	simm.s32 @p1 $0x1;
	p0 =	seq.s32 s7, s2  }
0x1e: {  	s7 =	smul.u32 @!p0 $0xF7A, s2;
	p2 =	seq.s32 @!p0 s5, $0x0  }
0x1f: {  	s9 =	smul.u32 $0xF7A, s1;
	s8 =	simm.s32 @!p0 $0x1BF5;
	p2 =	por !p2, p0  }
0x20: {  	[sflag:s8] =	ssyncset.s32 @!p0 $0xFFFFF086;
	s6 =	sadd.s32 @!p0 s3, s7;
	s7 =	simm.s32 @!p0 $0x108  }
0x21: {  	s3 =	sadd.s32 s3, s9;
	s6 =	sadd.s32 @!p0 $0x88, s6;
	s7 =	simm.s32 @p2 $0x1082  }
0x22: {  	[simem:s7], [sflag:s8] =	dma.local @!p0 [hbm:s6], $0xF7A  }
0x23: {  	s9 =	sor.u32 $0xD0000000, s2;
	s6 =	simm.s32 $0x108;
	_ =	swait.ge @!p0 [sflag:s8], $0x0  }
0x24: {  	s3 =	sadd.s32 $0x88, s3;
	s6 =	simm.s32 @!p1 $0x1082;
	[sflag:s4] =	ssyncset.s32 $0xFFFFF086  }
0x25: {  	[simem:s6], [sflag:s4] =	dma.local [hbm:s3], $0xF7A  }
0x26: {  	[smem:$0x3F96] =	sst s1;
	(tag) =	ssettag s2;
	_ =	strace s9  }
0x27: {  	s1 =	sld [smem:$0x3FA6]  }
0x28: {  	s2 =	sld [smem:$0x3FA7]  }
0x29: {  	s4 =	sld [smem:$0x3FA9]  }
0x2a: {  	p0 =	seq.s32 s5, $0x0;
	s5 =	sld [smem:$0x3FAA]  }
0x2b: {  	s6 =	sld [smem:$0x3FAB]  }
0x2c: {  	s7 =	sld [smem:$0x3FAC]  }
0x2d: {  	s3 =	simm.s32 $0x108;
	s8 =	sld [smem:$0x3FAD]  }
0x2e: {  	s3 =	simm.s32 @!p0 $0x1082;
	s9 =	sld [smem:$0x3FAE]  }
0x2f: {  	lr =	sadd.s32 s0, s3;
	s0 =	sld [smem:$0x3FA5]  }
0x30: {  	s3 =	sld [smem:$0x3FA8]  }
0x31: {  	[smem:$0x3FB1] =	sst s10  }
0x32: {  	s10 =	sld [smem:$0x3FAF];
	_ =	sdelay $0x3  }
0x33: {  	p0 =	seq.s32 s10, $0x1;
	s10 =	sld [smem:$0x3FB1];
	_ =	sdelay $0x3  }
0x34: {  	[smem:$0x3FB1] =	sst s10  }
0x35: {  	s10 =	sld [smem:$0x3FB0];
	_ =	sdelay $0x3  }
0x36: {  	p1 =	seq.s32 s10, $0x1;
	s10 =	sld [smem:$0x3FB1];
	_ =	sdelay $0x3  }
0x37: {  	[smem:$0x3FB1] =	sst s10  }
0x38: {  	s10 =	sld [smem:$0x3FB2]  }
0x39: {  	_ = 	snop;
	(pc) =	sbr.ind lr, $3  }
0x3a: {  	_ = 	snop  }
0x3b: {  	_ = 	snop  }
0x3c: {  	p2 =	seq.s32 s10, $0x1;
	s10 =	sld [smem:$0x3FB1]  }
0x3d: {  	_ =	shalt  }
0x3e: {  	_ =	shalt  }
0x3f: {  	_ =	shalt  }
0x40: {  	_ =	shalt  }
0x41: {  	_ =	shalt  }
0x42: {  	_ =	shalt  }
0x43: {  	_ =	shalt  }
0x44: {  	_ =	shalt  }
0x45: {  	_ =	shalt  }
0x46: {  	_ =	shalt  }
0x47: {  	_ =	shalt  }
0x48: {  	_ =	shalt  }
0x49: {  	_ =	shalt  }
0x4a: {  	_ =	shalt  }
0x4b: {  	_ =	shalt  }
0x4c: {  	_ =	shalt  }
0x4d: {  	_ =	shalt  }
0x4e: {  	_ =	shalt  }
0x4f: {  	_ =	shalt  }
0x50: {  	_ =	shalt  }
0x51: {  	_ =	shalt  }
0x52: {  	_ =	shalt  }
0x53: {  	_ =	shalt  }
0x54: {  	_ =	shalt  }
0x55: {  	_ =	shalt  }
0x56: {  	_ =	shalt  }
0x57: {  	_ =	shalt  }
0x58: {  	_ =	shalt  }
0x59: {  	_ =	shalt  }
0x5a: {  	_ =	shalt  }
0x5b: {  	_ =	shalt  }
0x5c: {  	_ =	shalt  }
0x5d: {  	_ =	shalt  }
0x5e: {  	_ =	shalt  }
0x5f: {  	_ =	shalt  }
0x60: {  	_ =	shalt  }
0x61: {  	_ =	shalt  }
0x62: {  	_ =	shalt  }
0x63: {  	_ =	shalt  }
0x64: {  	_ =	shalt  }
0x65: {  	_ =	shalt  }
0x66: {  	_ =	shalt  }
0x67: {  	_ =	shalt  }
0x68: {  	_ =	shalt  }
0x69: {  	_ =	shalt  }
0x6a: {  	_ =	shalt  }
0x6b: {  	_ =	shalt  }
0x6c: {  	_ =	shalt  }
0x6d: {  	_ =	shalt  }
0x6e: {  	_ =	shalt  }
0x6f: {  	_ =	shalt  }
0x70: {  	_ =	shalt  }
0x71: {  	_ =	shalt  }
0x72: {  	_ =	shalt  }
0x73: {  	_ =	shalt  }
0x74: {  	_ =	shalt  }
0x75: {  	_ =	shalt  }
0x76: {  	_ =	shalt  }
0x77: {  	_ =	shalt  }
0x78: {  	_ =	shalt  }
0x79: {  	_ =	shalt  }
0x7a: {  	_ =	shalt  }
0x7b: {  	_ =	shalt  }
0x7c: {  	_ =	shalt  }
0x7d: {  	_ =	shalt  }
0x7e: {  	_ =	shalt  }
0x7f: {  	_ =	shalt  }
0x80: {  	_ =	shalt  }
0x81: {  	_ =	shalt  }
0x82: {  	_ =	shalt  }
0x83: {  	_ =	shalt  }
0x84: {  	_ =	shalt  }
0x85: {  	_ =	shalt  }
0x86: {  	_ =	shalt  }
0x87: {  	_ =	shalt  }
.Lfunc_end0:
.L_simem_size_0:
called_computation_lowered:
.L_overlay_start_0:
0x88: {  	s2 =	sld [smem:$0x3FD9]  }
0x89: {  	s3 =	sld [smem:$0x3FFE];
	_ =	sdelay $0x1  }
0x8a: {  	s1 =	srdreg.scid  }
0x8b: {  	s0 =	sand.u32 $0x1, s1  }
0x8c: {  	s17 =	sshll.u32 s0, $0xA;
	s2 =	sadd.s32 s3, s2  }
0x8d: {  	s2 =	sadd.s32 s2, s17  }
0x8e: {  	[smem:$0x3FBD] =	sst s2  }
0x8f: {  	_ = 	snop  }
0x90: {  	s2 =	sld [smem:$0x3FC9]  }
0x91: {  	s18 =	sld [smem:$0x3FD0];
	(tm) =	ssettm $0x1  }
0x92: {  	s4 =	sld [smem:$0x3FFB];
	_ =	sdelay $0x3  }
0x93: {  	_ =	strace s4  }
0x94: {  	s4 =	sld [smem:$0x3FFC];
	_ =	sdelay $0x3  }
0x95: {  	_ =	strace s4  }
0x96: {  	s4 =	sld [smem:$0x3FFD];
	_ =	sdelay $0x3  }
0x97: {  	_ =	strace s4  }
0x98: {  	_ =	strace $0x8FFFFFFF  }
0x99: {  	s19 =	sld [smem:$0x3FDB];
	_ =	sdelay $0x1  }
0x9a: {  	s5 =	simm.s32 $_scs_section_size  }
0x9b: {  	s6 =	simm.s32 $_size__tile_overlayer_lowered;
	s7 =	simm.s32 $_tile_overlayer_lowered  }
0x9c: {  	s22 =	simm.s32 $0x1BFF;
	s21 =	sshll.u32 s7, $0x1;
	s4 =	sadd.s32 s5, s19  }
0x9d: {  	s8 =	simm.s32 $0x0;
	s20 =	sshll.u32 s6, $0x1;
	s6 =	sadd.s32 s21, s4  }
0x9e: {  	[timem:s8], [sflag:s22] =	dma.local [hbm:s6], s20  }
0x9f: {  	_ =	swait.ge [sflag:s22], s20  }
0xa0: {  	s5 =	ssub.s32 $0x0, s20;
	[sflag:s22] =	ssyncset.done $0x0  }
0xa1: {  	[sflag:s22] =	ssyncadd.s32 s5;
	_ =	sdelay $0x1  }
0xa2: {  	s23 =	simm.s32 $0x1B8B  }
0xa3: {  	_ =	swait.ge [sflag:s23], $0x1  }
0xa4: {  	[sflag:s23] =	ssyncset.done $0x0  }
0xa5: {  	s25 =	simm.s32 $0x1B8E;
	s24 =	sld [smem:$0x3FFE];
	[sflag:s23] =	ssyncadd.s32 $0xFFFFFFFF  }
0xa6: {  	s26 =	simm.s32 $execute0_lowered;
	[smem:$0x3FD2] =	sst s25  }
0xa7: {  	s6 =	sshll.u32 s26, $0x1;
	_ =	strace $0x80000046;
	[dreg:$0x1] =	wrdreg $0xFFFFFFFF  }
0xa8: {  	s28 =	simm.s32 $_size_execute0_lowered;
	s4 =	sadd.s32 s4, s6;
	[dreg:$0x0] =	wrdreg $0x0  }
0xa9: {  	s6 =	sshll.u32 s28, $0x1;
	[dreg:$0x2] =	wrdreg s4  }
0xaa: {  	[dreg:$0x3] =	wrdreg s6  }
0xab: {  	[dreg:$0x4] =	wrdreg $0xC0  }
0xac: {  	_ =	task [dreg:s8], $0x5FFFF  }
0xad: {  	[dreg:$0x1] =	wrdreg $0xFFFFFFFF  }
0xae: {  	[dreg:$0x0] =	wrdreg $0x60  }
0xaf: {  	[dreg:$0x2] =	wrdreg s2  }
0xb0: {  	[dreg:$0x3] =	wrdreg s24  }
0xb1: {  	[dreg:$0x4] =	wrdreg s18  }
0xb2: {  	[dreg:$0x5] =	wrdreg $0x78500  }
0xb3: {  	[dreg:$0x6] =	wrdreg $0x1B5D00  }
0xb4: {  	[dreg:$0x7] =	wrdreg $0x9  }
0xb5: {  	_ =	task.clear_ibuf [dreg:s8], $0x8FFFF;
	_ =	strace $0x90000046  }
0xb6: {  	s29 =	simm.s32 $0x9;
	_ =	strace $0x80000048  }
0xb7: {  	_ =	swait.ge [sflag:s29], $0x1  }
0xb8: {  	[sflag:s29] =	ssyncadd.s32 $0xFFFFFFFF  }
0xb9: {  	_ =	strace $0x90000048  }
0xba: {  	_ =	sfence  }
0xbb: {  	s30 =	sld [smem:$0x0];
	_ =	sdelay $0x2  }
0xbc: {  	s31 =	sshll.u32 s1, $0xD;
	s1 =	sshrl.u32 s1, $0x2  }
0xbd: {  	s3 =	sand.u32 $0x4000, s31;
	s1 =	sadd.s32 s1, s30  }
0xbe: {  	s0 =	sor.u32 s3, s0;
	s1 =	sshll.u32 s1, $0x11  }
0xbf: {  	s0 =	sor.u32 s1, s0  }
0xc0: {  	s0 =	sadd.s32 $0x8F2B, s0  }
0xc1: {  	[sflag:s0] =	ssyncadd.remote.s32 $0x1  }
0xc2: {  	_ =	sfence.sel $0xFFFF  }
0xc3: {  	[dreg:$0x0] =	wrdreg $0xFFFFFFFF;
	(pc) =	sbr.abs _section_cstart, $3  }
0xc4: {  	[dreg:$0x1] =	wrdreg $0xFFFFFFFF  }
0xc5: {  	_ =	task.clear_ibuf [dreg:s8], $0x2FFFF;
	_ =	strace $0x9FFFFFFF  }
0xc6: {  	(tm) =	ssettm $0x7FFFFFFF  }
0xc7: {  	_ =	shalt  }
tec
execute0_lowered:
.L_overlay_start_1:
0x0: {  	(tag) =	ssettag $0x1  }
0x1: {  	s1 =	rddreg [dreg:$0x0]  }
0x2: {  	s7 =	rddreg [dreg:$0x1]  }
0x3: {  	s9 =	rddreg [dreg:$0x2]  }
0x4: {  	s3 =	rddreg [dreg:$0x3]  }
0x5: {  	s0 =	srdreg.scid;
	s4 =	rddreg [dreg:$0x4];
	s5 =	simm.s32 $0x0  }
0x6: {  	s14 =	simm.s32 $0x1B0D0;
	s15 =	simm.s32 $0x50;
	s16 =	simm.s32 $0x2710  }
0x7: {  	s17 =	simm.s32 $0x27B0;
	s6 =	sand.u32 $0x1, s0;
	s0 =	stileid.u32  }
0x8: {  	s18 =	simm.s32 $0x5050;
	s19 =	simm.s32 $0x1;
	s10 =	smul.u32 $0x271, s0  }
0x9: {  	s20 =	simm.s32 $0x2760;
	s21 =	simm.s32 $0x2;
	s11 =	smul.u32 $0x2710, s6  }
0xa: {  	s22 =	simm.s32 $0x2800;
	s2 =	sshll.u32 s6, $0x4;
	s12 =	smul.u32 $0x4E200, s0  }
0xb: {  	s6 =	ssub.s32 $0x2, s6;
	s13 =	smul.u32 $0x9C40, s0;
	s2 =	sor.u32 s0, s2  }
0xc: {  	[smem:$0x7FF] =	sst s5;
	s29 =	sshrl.u32 s6, $0x1;
	s8 =	smul.u32 $0x4E2, s2  }
0xd: {  	s2 =	rddreg [dreg:$0x5];
	_ =	strace $0x80000047;
	s10 =	sadd.s32 s10, s11  }
0xe: {  	s30 =	sshrl.u32 s12, $0x2;
	s31 =	sshrl.u32 s13, $0x2;
	s12 =	simm.s32 $0x2850  }
0xf: {  	s13 =	simm.s32 $0x3;
	s11 =	sshll.u32 s10, $0x4;
	s10 =	sshll.u32 s10, $0x1  }
0x10: {  	s8 =	sadd.s32 s8, s7;
	s7 =	sadd.s32 s11, s7;
	s11 =	ssub.s32 s6, s29  }
0x11: {  	s9 =	sadd.s32 s9, s10;
	s10 =	sadd.s32 s31, s4;
	s6 =	sadd.s32 $0x2C00, s8  }
0x12: {  	v0 =	vimm.f32 $0.0e+00;
	v1 =	vimm.f32 $1.000000000e+00;
	s7 =	sadd.s32 $0xCA00, s7;
	s8 =	sadd.s32 s30, s3;
	s11 =	smax.u32 s11, $0x1  }
.LBB2_1:
0x13: {  	s23 =	simm.s32 $0x70;
	s24 =	simm.s32 $0x3C0  }
.LBB2_2:
0x14: {  	p0 =	sne.s32 s24, $0x9FC0;
	[tilespmem:s23+$0x2850] =	vst v0  }
0x15: {  	[tilespmem:s23+$0x27E0] =	vst v0  }
0x16: {  	[tilespmem:s23+$0x27F0] =	vst v0  }
.Ltmp0:
0x17: {  	[tilespmem:s23+$0x2800] =	vst v0;
	(pc) =	sbr.rel @p0 .LBB2_2-.Ltmp0, $4  }
0x18: {  	[tilespmem:s23+$0x2810] =	vst v0  }
0x19: {  	[tilespmem:s23+$0x2820] =	vst v0  }
0x1a: {  	[tilespmem:s23+$0x2830] =	vst v0  }
0x1b: {  	[tilespmem:s23+$0x2840] =	vst v0;
	s23 =	sshra.s32 s24, $0x2;
	s24 =	sadd.s32 $0x200, s24  }
0x1c: {  	[tilespmem:s23+$0x2850] =	vst v0  }
0x1d: {  	[tilespmem:s23+$0x27E0] =	vst v0  }
0x1e: {  	[tilespmem:s23+$0x27F0] =	vst v0  }
0x1f: {  	[tilespmem:s23+$0x2800] =	vst v0  }
0x20: {  	[tilespmem:s23+$0x2810] =	vst v0  }
0x21: {  	[tilespmem:s23+$0x2820] =	vst v0  }
0x22: {  	[tilespmem:s23+$0x2830] =	vst v0  }
0x23: {  	[tilespmem:s23+$0x2840] =	vst v0;
	s31 =	sadd.s32 $0x0, s8  }
0x24: {  	[spmem:s31] =	stream.linear.scatter [tilespmem:s12], [sflag:$0x3], $0xC80, $0x38;
	[tilespmem:$0x1DCE0] =	vst v63  }
0x25: {  	s23 =	simm.s32 $0x0;
	s24 =	simm.s32 $0x3200;
	_ =	swait.ge [sflag:s13], $0xC80  }
.LBB2_4:
0x26: {  	s25 =	sshra.s32 s24, $0x2;
	[sflag:s13] =	ssyncset.done $0x0;
	p0 =	sne.s32 s24, $0x4B000  }
.Ltmp1:
0x27: {  	s25 =	sadd.s32 s25, s8;
	[sflag:s13] =	ssyncadd.s32 $0xFFFFF380;
	(pc) =	sbr.rel @p0 .LBB2_4-.Ltmp1, $3  }
0x28: {  	[spmem:s25] =	stream.linear.scatter [tilespmem:s12], [sflag:$0x3], $0xC80, $0x38;
	[tilespmem:$0x1DCE0] =	vst v63  }
0x29: {  	s24 =	sadd.s32 $0x3200, s24;
	_ =	sdelay $0x1  }
0x2a: {  	_ =	swait.ge [sflag:s13], $0xC80  }
0x2b: {  	[sflag:s13] =	ssyncset.done $0x0  }
0x2c: {  	[sflag:s13] =	ssyncadd.s32 $0xFFFFF380  }
.LBB2_6:
0x2d: {  	p0 =	sne.s32 s23, $0x13C0  }
.Ltmp2:
0x2e: {  	_ = 	snop;
	(pc) =	sbr.rel @p0 .LBB2_6-.Ltmp2, $3  }
0x2f: {  	_ =	sdelay $0x1  }
0x30: {  	s24 =	sshra.s32 s23, $0x2  }
0x31: {  	s23 =	sadd.s32 $0x40, s23;
	[tilespmem:s24+$0x1B0D0] =	vst v0  }
0x32: {  	s23 =	sadd.s32 $0x0, s10  }
0x33: {  	[spmem:s23] =	stream.linear.scatter [tilespmem:s14], [sflag:$0x3], $0x190, $0x38;
	[tilespmem:$0x1DCE0] =	vst v63  }
0x34: {  	s23 =	simm.s32 $0x640;
	_ =	swait.ge [sflag:s13], $0x190  }
.LBB2_8:
0x35: {  	s24 =	sshra.s32 s23, $0x2;
	[sflag:s13] =	ssyncset.done $0x0;
	p0 =	sne.s32 s23, $0x9600  }
.Ltmp3:
0x36: {  	s24 =	sadd.s32 s24, s10;
	[sflag:s13] =	ssyncadd.s32 $0xFFFFFE70;
	(pc) =	sbr.rel @p0 .LBB2_8-.Ltmp3, $3  }
0x37: {  	[spmem:s24] =	stream.linear.scatter [tilespmem:s14], [sflag:$0x3], $0x190, $0x38;
	[tilespmem:$0x1DCE0] =	vst v63  }
0x38: {  	s23 =	sadd.s32 $0x640, s23;
	_ =	sdelay $0x1  }
0x39: {  	_ =	swait.ge [sflag:s13], $0x190  }
0x3a: {  	[sflag:s13] =	ssyncset.done $0x0  }
0x3b: {  	[sflag:s13] =	ssyncadd.s32 $0xFFFFFE70  }
0x3c: {  	s23 =	simm.s32 $0x40;
	s24 =	simm.s32 $0x0;
	[bflag:$0x0] =	sbarrier.arrive $0xFFFF  }
.LBB2_10:
0x3d: {  	p0 =	sne.s32 s23, $0x13C0;
	[tilespmem:s24+$0x1B0D0] =	vst v1;
	s24 =	smov.u32 s23;
	s23 =	sadd.s32 $0x40, s23  }
.Ltmp4:
0x3e: {  	(pc) =	sbr.rel @p0 .LBB2_10-.Ltmp4, $2  }
0x3f: {  	_ =	sdelay $0x2  }
0x40: {  	s24 =	sshra.s32 s24, $0x2  }
0x41: {  	[tilespmem:s24+$0x1B0D0] =	vst v1;
	s23 =	simm.s32 $0x0  }
0x42: {  	[tilespmem:s23], [sflag:$0x3] =	stream.linear.gather [hbm4b:s6+s23], $0x2710, $0x38;
	[tilespmem:$0x1DCE0] =	vst v63  }
0x43: {  	_ =	swait.ge [sflag:s13], $0x2710  }
0x44: {  	[sflag:s13] =	ssyncset.done $0x0  }
0x45: {  	[sflag:s13] =	ssyncadd.s32 $0xFFFFD8F0  }
0x46: {  	v2 =	vld [tilespmem:$0x0];
	_ =	sdelay $0x1  }
0x47: {  	v3 =	vld [tilespmem:$0x10];
	_ =	sdelay $0x1  }
0x48: {  	v4 =	vld [tilespmem:$0x20]  }
0x49: {  	v5 =	vand.u32 $0x7FFF, v2  }
0x4a: {  	v63 =	vld [tilespmem:$0x30];
	v2 =	vshra.s32 v2, $0xF;
	[tilespmem:$0x2710] =	vst v5  }
0x4b: {  	[tilespmem:$0x2760] =	vst v2;
	v2 =	vand.u32 $0x7FFF, v3  }
0x4c: {  	[tilespmem:$0x2720] =	vst v2;
	v2 =	vshra.s32 v3, $0xF;
	v3 =	vld [tilespmem:$0x40]  }
0x4d: {  	[tilespmem:$0x2770] =	vst v2;
	v2 =	vand.u32 $0x7FFF, v4  }
0x4e: {  	[tilespmem:$0x2730] =	vst v2;
	v2 =	vshra.s32 v4, $0xF  }
0x4f: {  	[tilespmem:$0x2780] =	vst v2;
	v2 =	vand.u32 $0x7FFF, v63  }
0x50: {  	[tilespmem:$0x2740] =	vst v2;
	v2 =	vshra.s32 v63, $0xF  }
0x51: {  	[tilespmem:$0x2790] =	vst v2;
	v2 =	vand.u32 $0x7FFF, v3  }
0x52: {  	[tilespmem:$0x2750] =	vst v2;
	v2 =	vshra.s32 v3, $0xF  }
0x53: {  	s31 =	simm.s32 $0x0;
	[tilespmem:$0x27A0] =	vst v2  }
0x54: {  	[tilespmem:s12], [sflag:$0x1] =	stream.indirect.gather [hbm4b:s1+s15], $0x80, s16, s15, $0xb8;
	[tilespmem:$0x1DCE0] =	vst v63  }
0x55: {  	v2 =	vld [tilespmem:s31+$0x50];
	_ =	sdelay $0x4  }
0x56: {  	v3 =	vand.u32 $0x7FFF, v2  }
0x57: {  	v2 =	vshra.s32 v2, $0xF;
	[tilespmem:$0x27B0] =	vst v3  }
0x58: {  	[tilespmem:$0x2800] =	vst v2  }
0x59: {  	v2 =	vld [tilespmem:s31+$0x60];
	_ =	sdelay $0x4  }
0x5a: {  	v3 =	vand.u32 $0x7FFF, v2  }
0x5b: {  	v2 =	vshra.s32 v2, $0xF;
	[tilespmem:$0x27C0] =	vst v3  }
0x5c: {  	[tilespmem:$0x2810] =	vst v2  }
0x5d: {  	v2 =	vld [tilespmem:s31+$0x70];
	_ =	sdelay $0x4  }
0x5e: {  	v3 =	vand.u32 $0x7FFF, v2  }
0x5f: {  	v2 =	vshra.s32 v2, $0xF;
	[tilespmem:$0x27D0] =	vst v3  }
0x60: {  	[tilespmem:$0x2820] =	vst v2  }
0x61: {  	v2 =	vld [tilespmem:s31+$0x80];
	_ =	sdelay $0x4  }
0x62: {  	v3 =	vand.u32 $0x7FFF, v2  }
0x63: {  	v2 =	vshra.s32 v2, $0xF;
	[tilespmem:$0x27E0] =	vst v3  }
0x64: {  	[tilespmem:$0x2830] =	vst v2  }
0x65: {  	v2 =	vld [tilespmem:s31+$0x90];
	_ =	sdelay $0x4  }
0x66: {  	v3 =	vand.u32 $0x7FFF, v2  }
0x67: {  	v2 =	vshra.s32 v2, $0xF;
	[tilespmem:$0x27F0] =	vst v3  }
0x68: {  	[tilespmem:$0x2840] =	vst v2  }
0x69: {  	[tilespmem:s18], [sflag:$0x2] =	stream.indirect.gather [hbm4b:s1+s15], $0x80, s17, s15, $0xb8;
	[tilespmem:$0x1DCE0] =	vst v63  }
0x6a: {  	_ =	swait.ge [sflag:s19], $0x2800  }
0x6b: {  	[sflag:s19] =	ssyncset.done $0x0  }
0x6c: {  	[sflag:s19] =	ssyncadd.s32 $0xFFFFD800  }
0x6d: {  	[spmem:s3] =	stream.indirect.scatter.add.f32 [tilespmem:s12], [sflag:$0x3], $0x80, s20, s15, $0xb8;
	[tilespmem:$0x1DCE0] =	vst v63  }
0x6e: {  	_ =	swait.ge [sflag:s13], $0x2800  }
0x6f: {  	[sflag:s13] =	ssyncset.done $0x0  }
0x70: {  	[sflag:s13] =	ssyncadd.s32 $0xFFFFD800  }
0x71: {  	[spmem:s4] =	stream.indirect.scatter.add.f32 [tilespmem:s14], [sflag:$0x3], $0x10, s20, s15, $0xb8;
	[tilespmem:$0x1DCE0] =	vst v63  }
0x72: {  	_ =	swait.ge [sflag:s13], $0x500  }
0x73: {  	[sflag:s13] =	ssyncset.done $0x0  }
0x74: {  	[sflag:s13] =	ssyncadd.s32 $0xFFFFFB00  }
0x75: {  	v2 =	vld [tilespmem:s31+$0xA0];
	_ =	sdelay $0x4  }
0x76: {  	v3 =	vand.u32 $0x7FFF, v2  }
0x77: {  	v2 =	vshra.s32 v2, $0xF;
	[tilespmem:$0x2710] =	vst v3  }
0x78: {  	[tilespmem:$0x2760] =	vst v2  }
0x79: {  	v2 =	vld [tilespmem:s31+$0xB0];
	_ =	sdelay $0x4  }
0x7a: {  	v3 =	vand.u32 $0x7FFF, v2  }
0x7b: {  	v2 =	vshra.s32 v2, $0xF;
	[tilespmem:$0x2720] =	vst v3  }
0x7c: {  	[tilespmem:$0x2770] =	vst v2  }
0x7d: {  	v2 =	vld [tilespmem:s31+$0xC0];
	_ =	sdelay $0x4  }
0x7e: {  	v3 =	vand.u32 $0x7FFF, v2  }
0x7f: {  	v2 =	vshra.s32 v2, $0xF;
	[tilespmem:$0x2730] =	vst v3  }
0x80: {  	[tilespmem:$0x2780] =	vst v2  }
0x81: {  	v2 =	vld [tilespmem:s31+$0xD0];
	_ =	sdelay $0x4  }
0x82: {  	v3 =	vand.u32 $0x7FFF, v2  }
0x83: {  	v2 =	vshra.s32 v2, $0xF;
	[tilespmem:$0x2740] =	vst v3  }
0x84: {  	[tilespmem:$0x2790] =	vst v2  }
0x85: {  	v2 =	vld [tilespmem:s31+$0xE0];
	_ =	sdelay $0x4  }
0x86: {  	v3 =	vand.u32 $0x7FFF, v2  }
0x87: {  	v2 =	vshra.s32 v2, $0xF;
	[tilespmem:$0x2750] =	vst v3  }
0x88: {  	s23 =	simm.s32 $0x280;
	[tilespmem:$0x27A0] =	vst v2  }
0x89: {  	[tilespmem:s12], [sflag:$0x1] =	stream.indirect.gather [hbm4b:s1+s15], $0x80, s16, s15, $0xb8;
	[tilespmem:$0x1DCE0] =	vst v63  }
.LBB2_12:
0x8a: {  	p0 =	sne.s32 s23, $0x9880  }
0x8b: {  	_ =	swait.ge [sflag:s21], $0x2800;
	s24 =	smov.u32 s23;
	s23 =	sadd.s32 $0x280, s23  }
0x8c: {  	[sflag:s21] =	ssyncset.done $0x0  }
0x8d: {  	[sflag:s21] =	ssyncadd.s32 $0xFFFFD800  }
0x8e: {  	[spmem:s3] =	stream.indirect.scatter.add.f32 [tilespmem:s18], [sflag:$0x3], $0x80, s22, s15, $0xb8;
	[tilespmem:$0x1DCE0] =	vst v63  }
0x8f: {  	_ =	swait.ge [sflag:s13], $0x2800  }
0x90: {  	[sflag:s13] =	ssyncset.done $0x0  }
0x91: {  	[sflag:s13] =	ssyncadd.s32 $0xFFFFD800  }
0x92: {  	[spmem:s4] =	stream.indirect.scatter.add.f32 [tilespmem:s14], [sflag:$0x3], $0x10, s22, s15, $0xb8;
	[tilespmem:$0x1DCE0] =	vst v63  }
0x93: {  	_ =	swait.ge [sflag:s13], $0x500  }
0x94: {  	[sflag:s13] =	ssyncset.done $0x0  }
0x95: {  	s24 =	sshra.s32 s24, $0x2;
	[sflag:s13] =	ssyncadd.s32 $0xFFFFFB00  }
0x96: {  	v2 =	vld [tilespmem:s24+$0x50];
	_ =	sdelay $0x4  }
0x97: {  	v3 =	vand.u32 $0x7FFF, v2;
	v2 =	vshra.s32 v2, $0xF  }
0x98: {  	[tilespmem:$0x27B0] =	vst v3  }
0x99: {  	[tilespmem:$0x2800] =	vst v2  }
0x9a: {  	v2 =	vld [tilespmem:s24+$0x60];
	_ =	sdelay $0x4  }
0x9b: {  	v3 =	vand.u32 $0x7FFF, v2;
	v2 =	vshra.s32 v2, $0xF  }
0x9c: {  	[tilespmem:$0x27C0] =	vst v3  }
0x9d: {  	[tilespmem:$0x2810] =	vst v2  }
0x9e: {  	v2 =	vld [tilespmem:s24+$0x70];
	_ =	sdelay $0x4  }
0x9f: {  	v3 =	vand.u32 $0x7FFF, v2;
	v2 =	vshra.s32 v2, $0xF  }
0xa0: {  	[tilespmem:$0x27D0] =	vst v3  }
0xa1: {  	[tilespmem:$0x2820] =	vst v2  }
0xa2: {  	v2 =	vld [tilespmem:s24+$0x80];
	_ =	sdelay $0x4  }
0xa3: {  	v3 =	vand.u32 $0x7FFF, v2;
	v2 =	vshra.s32 v2, $0xF  }
0xa4: {  	[tilespmem:$0x27E0] =	vst v3  }
0xa5: {  	[tilespmem:$0x2830] =	vst v2  }
0xa6: {  	v2 =	vld [tilespmem:s24+$0x90];
	_ =	sdelay $0x4  }
0xa7: {  	v3 =	vand.u32 $0x7FFF, v2;
	v2 =	vshra.s32 v2, $0xF  }
0xa8: {  	[tilespmem:$0x27F0] =	vst v3  }
0xa9: {  	[tilespmem:$0x2840] =	vst v2  }
0xaa: {  	[tilespmem:s18], [sflag:$0x2] =	stream.indirect.gather [hbm4b:s1+s15], $0x80, s17, s15, $0xb8;
	[tilespmem:$0x1DCE0] =	vst v63  }
0xab: {  	_ =	swait.ge [sflag:s19], $0x2800  }
0xac: {  	[sflag:s19] =	ssyncset.done $0x0  }
0xad: {  	[sflag:s19] =	ssyncadd.s32 $0xFFFFD800  }
0xae: {  	[spmem:s3] =	stream.indirect.scatter.add.f32 [tilespmem:s12], [sflag:$0x3], $0x80, s20, s15, $0xb8;
	[tilespmem:$0x1DCE0] =	vst v63  }
0xaf: {  	_ =	swait.ge [sflag:s13], $0x2800  }
0xb0: {  	[sflag:s13] =	ssyncset.done $0x0  }
0xb1: {  	[sflag:s13] =	ssyncadd.s32 $0xFFFFD800  }
0xb2: {  	[spmem:s4] =	stream.indirect.scatter.add.f32 [tilespmem:s14], [sflag:$0x3], $0x10, s20, s15, $0xb8;
	[tilespmem:$0x1DCE0] =	vst v63  }
0xb3: {  	_ =	swait.ge [sflag:s13], $0x500  }
0xb4: {  	[sflag:s13] =	ssyncset.done $0x0  }
0xb5: {  	[sflag:s13] =	ssyncadd.s32 $0xFFFFFB00  }
0xb6: {  	v2 =	vld [tilespmem:s24+$0xA0];
	_ =	sdelay $0x4  }
0xb7: {  	v3 =	vand.u32 $0x7FFF, v2;
	v2 =	vshra.s32 v2, $0xF  }
0xb8: {  	[tilespmem:$0x2710] =	vst v3  }
0xb9: {  	[tilespmem:$0x2760] =	vst v2  }
0xba: {  	v2 =	vld [tilespmem:s24+$0xB0];
	_ =	sdelay $0x4  }
0xbb: {  	v3 =	vand.u32 $0x7FFF, v2;
	v2 =	vshra.s32 v2, $0xF  }
0xbc: {  	[tilespmem:$0x2720] =	vst v3  }
0xbd: {  	[tilespmem:$0x2770] =	vst v2  }
0xbe: {  	v2 =	vld [tilespmem:s24+$0xC0];
	_ =	sdelay $0x4  }
0xbf: {  	v3 =	vand.u32 $0x7FFF, v2;
	v2 =	vshra.s32 v2, $0xF  }
0xc0: {  	[tilespmem:$0x2730] =	vst v3  }
0xc1: {  	[tilespmem:$0x2780] =	vst v2  }
0xc2: {  	v2 =	vld [tilespmem:s24+$0xD0];
	_ =	sdelay $0x4  }
0xc3: {  	v3 =	vand.u32 $0x7FFF, v2;
	v2 =	vshra.s32 v2, $0xF  }
0xc4: {  	[tilespmem:$0x2740] =	vst v3  }
0xc5: {  	[tilespmem:$0x2790] =	vst v2  }
0xc6: {  	v2 =	vld [tilespmem:s24+$0xE0];
	_ =	sdelay $0x3  }
.Ltmp5:
0xc7: {  	(pc) =	sbr.rel @p0 .LBB2_12-.Ltmp5, $4  }
0xc8: {  	v3 =	vand.u32 $0x7FFF, v2;
	v2 =	vshra.s32 v2, $0xF  }
0xc9: {  	[tilespmem:$0x2750] =	vst v3  }
0xca: {  	[tilespmem:$0x27A0] =	vst v2  }
0xcb: {  	[tilespmem:s12], [sflag:$0x1] =	stream.indirect.gather [hbm4b:s1+s15], $0x80, s16, s15, $0xb8;
	[tilespmem:$0x1DCE0] =	vst v63  }
0xcc: {  	_ =	swait.ge [sflag:s21], $0x2800  }
0xcd: {  	[sflag:s21] =	ssyncset.done $0x0  }
0xce: {  	[sflag:s21] =	ssyncadd.s32 $0xFFFFD800  }
0xcf: {  	[spmem:s3] =	stream.indirect.scatter.add.f32 [tilespmem:s18], [sflag:$0x3], $0x80, s22, s15, $0xb8;
	[tilespmem:$0x1DCE0] =	vst v63  }
0xd0: {  	_ =	swait.ge [sflag:s13], $0x2800  }
0xd1: {  	[sflag:s13] =	ssyncset.done $0x0  }
0xd2: {  	[sflag:s13] =	ssyncadd.s32 $0xFFFFD800  }
0xd3: {  	[spmem:s4] =	stream.indirect.scatter.add.f32 [tilespmem:s14], [sflag:$0x3], $0x10, s22, s15, $0xb8;
	[tilespmem:$0x1DCE0] =	vst v63  }
0xd4: {  	_ =	swait.ge [sflag:s13], $0x500  }
0xd5: {  	[sflag:s13] =	ssyncset.done $0x0  }
0xd6: {  	[sflag:s13] =	ssyncadd.s32 $0xFFFFFB00  }
0xd7: {  	_ =	swait.ge [sflag:s19], $0x2800  }
0xd8: {  	[sflag:s19] =	ssyncset.done $0x0  }
0xd9: {  	[sflag:s19] =	ssyncadd.s32 $0xFFFFD800  }
0xda: {  	[spmem:s3] =	stream.indirect.scatter.add.f32 [tilespmem:s12], [sflag:$0x3], $0x80, s20, s15, $0xb8;
	[tilespmem:$0x1DCE0] =	vst v63  }
0xdb: {  	_ =	swait.ge [sflag:s13], $0x2800  }
0xdc: {  	[sflag:s13] =	ssyncset.done $0x0  }
0xdd: {  	[sflag:s13] =	ssyncadd.s32 $0xFFFFD800  }
0xde: {  	[spmem:s4] =	stream.indirect.scatter.add.f32 [tilespmem:s14], [sflag:$0x3], $0x10, s20, s15, $0xb8;
	[tilespmem:$0x1DCE0] =	vst v63  }
0xdf: {  	_ =	swait.ge [sflag:s13], $0x500  }
0xe0: {  	[sflag:s13] =	ssyncset.done $0x0  }
0xe1: {  	s23 =	sshll.u32 s0, $0x6;
	[sflag:s13] =	ssyncadd.s32 $0xFFFFFB00  }
0xe2: {  	s24 =	sshrl.u32 s8, $0x3;
	s23 =	sor.u32 $0x1C03, s23;
	[bflag:$0x0] =	sbarrier.arrive $0xFFFF  }
0xe3: {  	[hbm:s7], [sflag:s23] =	dma.local [spmem:s24], $0x2710  }
0xe4: {  	s5 =	sadd.s32 $0x1, s5;
	_ =	swait.ge [sflag:s13], $0x2710  }
0xe5: {  	p0 =	sne.s32 s5, s11;
	[sflag:s13] =	ssyncset.done $0x0  }
.Ltmp6:
0xe6: {  	s31 =	sshrl.u32 s10, $0x3;
	[sflag:s13] =	ssyncadd.s32 $0xFFFFD8F0;
	(pc) =	sbr.rel @p0 .LBB2_1-.Ltmp6, $4  }
0xe7: {  	[hbm:s9], [sflag:s23] =	dma.local [spmem:s31], $0x4E2  }
0xe8: {  	_ =	swait.ge [sflag:s13], $0x4E2  }
0xe9: {  	[sflag:s13] =	ssyncset.done $0x0  }
0xea: {  	[sflag:s13] =	ssyncadd.s32 $0xFFFFFB1E  }
0xeb: {  	_ =	sfence.sel $0x180000  }
0xec: {  	[bflag:$0x0] =	sbarrier.arrive $0xFFFF  }
0xed: {  	p0 =	sne.s32 s0, $0x0;
	_ =	strace $0x90000047  }
0xee: {  	s0 =	sadd.s32 @!p0 $0x100000, s2;
	[bflag:$0x2] =	sbarrier.arrive $0xFFFF  }
0xef: {  	[sflag:s0] =	ssyncadd.tile.s32 @!p0 $0x1;
	_ =	shalt  }
.Lfunc_end2:
_tile_overlayer_lowered:
.L_overlay_start_2:
0xf0: {  	(tag) =	ssettag $0x2  }
0xf1: {  	s0 =	rddreg [dreg:$0x0];
	s2 =	stileid.u32  }
0xf2: {  	s1 =	rddreg [dreg:$0x1];
	p0 =	sne.s32 s2, $0x0  }
0xf3: {  	s3 =	rddreg [dreg:$0x2];
	[bflag:$0x3] =	sbarrier.arrive $0xFFFF;
	s2 =	simm.s32 @!p0 $0x1C03  }
0xf4: {  	[timem:s3], [sflag:s2] =	dma.local @!p0 [hbm:s0], s1  }
0xf5: {  	s0 =	simm.s32 @!p0 $0x3  }
0xf6: {  	_ =	swait.ge @!p0 [sflag:s0], s1  }
0xf7: {  	s1 =	ssub.s32 @!p0 $0x0, s1;
	[sflag:s0] =	ssyncset.done @!p0 $0x0  }
0xf8: {  	[sflag:s0] =	ssyncadd.s32 @!p0 s1  }
0xf9: {  	[bflag:$0x3] =	sbarrier.arrive $0xFFFF  }
0xfa: {  	_ =	shalt  }

</sc_bundles>
